<compile_context>
chip_gen: v7x
topology: tpu7x:2x2x1
jax: 0.10.2.dev20260603
libtpu: 0.0.44.dev20260713+nightly
codegen_flags: <defaults>
</compile_context>

<pallas_src>
import jax
import jax.numpy as jnp
from jax import lax
from jax.experimental import pallas as pl
from jax.experimental.pallas import tpu as pltpu
from jax.experimental.pallas import tpu_sc as plsc

T = 2048
D = 2048
F = 1024
E = 8
K = 2
C = 2 * T * K // E

NC, NS, L = 2, 16, 16
NW = NC * NS

BT = 256
BC = 256
NCB = C // BC

_STAGE = 128
_DUMP = E * C


def _routing_body(x_ref, rw_ref, topi_ref, topw_ref):
    lt = lax.dot_general(rw_ref[...], x_ref[...],
                         (((0,), (1,)), ((), ())),
                         preferred_element_type=jnp.float32)
    row = lax.broadcasted_iota(jnp.int32, (E, BT), 0)
    m1 = jnp.max(lt, axis=0, keepdims=True)
    i1 = jnp.min(jnp.where(lt == m1, row, E), axis=0, keepdims=True)
    l2 = jnp.where(row == i1, -3e38, lt)
    m2 = jnp.max(l2, axis=0, keepdims=True)
    i2 = jnp.min(jnp.where(l2 == m2, row, E), axis=0, keepdims=True)
    r = jnp.exp(m2 - m1)
    w1 = 1.0 / (1.0 + r)
    w2 = r / (1.0 + r)
    topi_ref[...] = jnp.where(row == 0, i1, jnp.where(row == 1, i2, 0))
    topw_ref[...] = jnp.where(row == 0, w1, jnp.where(row == 1, w2, 0.0))


def _routing(x, router_w):
    return pl.pallas_call(
        _routing_body,
        grid=(T // BT,),
        in_specs=[
            pl.BlockSpec((BT, D), lambda i: (i, 0)),
            pl.BlockSpec((D, E), lambda i: (0, 0)),
        ],
        out_specs=[
            pl.BlockSpec((E, BT), lambda i: (0, i)),
            pl.BlockSpec((E, BT), lambda i: (0, i)),
        ],
        out_shape=[
            jax.ShapeDtypeStruct((E, T), jnp.int32),
            jax.ShapeDtypeStruct((E, T), jnp.float32),
        ],
    )(x, router_w)


def _dg(v, idx):
    return lax.gather(
        v, idx[:, None],
        lax.GatherDimensionNumbers(
            offset_dims=(), collapsed_slice_dims=(0,), start_index_map=(0,)),
        (1,), mode=lax.GatherScatterMode.PROMISE_IN_BOUNDS)


def _dispatch_body(topi_hbm, topw_hbm, idx_hbm, wslot_hbm, spair_hbm,
                   cnt_hbm, topi_v, topw_v, spair_v, zi_v, zf_v,
                   slot_st, tok_st, w_st, outv_v, sem):
    wid = lax.axis_index("s") * NC + lax.axis_index("c")

    @pl.when(wid == 0)
    def _():
        pltpu.sync_copy(topi_hbm.at[pl.ds(0, K)], topi_v)
        pltpu.sync_copy(topw_hbm.at[pl.ds(0, K)], topw_v)

        lanes = jnp.arange(L, dtype=jnp.int32)
        half = lanes >> 1
        parity_odd = (lanes & 1) == 1
        shift_idx = [jnp.maximum(lanes - d, 0) for d in (1, 2, 4, 8)]
        shift_ok = [lanes >= d for d in (1, 2, 4, 8)]
        last_idx = jnp.full((L,), L - 1, jnp.int32)

        def zinit(i, c):
            zi_v[pl.ds(i * L, L)] = jnp.zeros((L,), jnp.int32)
            zf_v[pl.ds(i * L, L)] = jnp.zeros((L,), jnp.float32)
            return c

        lax.fori_loop(0, C // L, zinit, 0)

        def zout(i, c):
            pltpu.sync_copy(zi_v, idx_hbm.at[pl.ds(i * C, C)])
            pltpu.sync_copy(zf_v, wslot_hbm.at[pl.ds(i * C, C)])
            return c

        lax.fori_loop(0, E, zout, 0)

        def outer(m, cnt):
            ea = topi_v[0, pl.ds(m * L, L)]
            eb = topi_v[1, pl.ds(m * L, L)]
            wa = topw_v[0, pl.ds(m * L, L)]
            wb = topw_v[1, pl.ds(m * L, L)]
            for h in range(2):
                p = half + (h * (L // 2))
                e_vec = jnp.where(parity_odd, _dg(eb, p), _dg(ea, p))
                w_vec = jnp.where(parity_odd, _dg(wb, p), _dg(wa, p))
                t_vec = m * L + h * (L // 2) + half
                base = _dg(cnt, e_vec)
                pos = jnp.zeros((L,), jnp.int32)
                for x in range(E):
                    mx = e_vec == x
                    s = jnp.where(mx, 1, 0)
                    for d in range(4):
                        s = s + jnp.where(shift_ok[d], _dg(s, shift_idx[d]), 0)
                    pos = jnp.where(mx, s - 1, pos)
                    cnt = cnt + jnp.where(lanes == x, _dg(s, last_idx), 0)
                pos = base + pos
                valid = pos < C
                slot = e_vec * C + pos
                q = (m & 3) * (2 * L) + h * L
                slot_st[pl.ds(q, L)] = jnp.where(valid, slot, _DUMP + lanes)
                tok_st[pl.ds(q, L)] = t_vec
                w_st[pl.ds(q, L)] = w_vec
                spair_v[pl.ds(m * (2 * L) + h * L, L)] = (
                    jnp.where(valid, slot, -1))

            @pl.when((m & 3) == 3)
            def _():
                pltpu.async_copy(tok_st, idx_hbm.at[slot_st], sem).wait()
                pltpu.async_copy(w_st, wslot_hbm.at[slot_st], sem).wait()

            return cnt

        cnt = lax.fori_loop(0, T // L, outer,
                            jnp.zeros((L,), jnp.int32))

        cv = jnp.minimum(cnt, C)
        outv_v[...] = cv
        pltpu.sync_copy(outv_v, cnt_hbm)

        def fix(j, c):
            sp = spair_v[pl.ds(j * L, L)]
            spair_v[pl.ds(j * L, L)] = jnp.where(sp < 0, E * C, sp)
            return c

        lax.fori_loop(0, (T * K) // L, fix, 0)
        pltpu.sync_copy(spair_v, spair_hbm)


def _dispatch(topi, topw):
    mesh = plsc.VectorSubcoreMesh(core_axis_name="c", subcore_axis_name="s")
    f = pl.kernel(
        _dispatch_body,
        mesh=mesh,
        out_type=[
            jax.ShapeDtypeStruct((E * C + L,), jnp.int32),
            jax.ShapeDtypeStruct((E * C + L,), jnp.float32),
            jax.ShapeDtypeStruct((T * K,), jnp.int32),
            jax.ShapeDtypeStruct((L,), jnp.int32),
        ],
        scratch_types=[
            pltpu.VMEM((K, T), jnp.int32),
            pltpu.VMEM((K, T), jnp.float32),
            pltpu.VMEM((T * K,), jnp.int32),
            pltpu.VMEM((C,), jnp.int32),
            pltpu.VMEM((C,), jnp.float32),
            pltpu.VMEM((_STAGE,), jnp.int32),
            pltpu.VMEM((_STAGE,), jnp.int32),
            pltpu.VMEM((_STAGE,), jnp.float32),
            pltpu.VMEM((L,), jnp.int32),
            pltpu.SemaphoreType.DMA,
        ],
    )
    return f(topi, topw)


_GROWS = (E * C) // NW
_GCHUNK = 16
_GNCH = _GROWS // _GCHUNK


def _gather_body(x_hbm, idx_hbm, cnt_hbm, g_hbm, idx_v, cv_v,
                 rows0, rows1, gsem0, gsem1, osem0, osem1):
    wid = lax.axis_index("s") * NC + lax.axis_index("c")
    pltpu.sync_copy(cnt_hbm, cv_v)
    myexp = wid >> 2
    jrot = ((wid & 3) + myexp) & 3
    base = myexp * C + jrot * _GROWS
    mybase = jrot * _GROWS
    cv = cv_v[pl.ds(0, L)]
    my_cnt = cv[0]
    for i in range(1, E):
        my_cnt = jnp.where(myexp == i, cv[i], my_cnt)
    active = my_cnt > mybase

    @pl.when(active)
    def _():
        pltpu.sync_copy(idx_hbm.at[pl.ds(base, _GROWS)], idx_v)
        bufs = (rows0, rows1)
        gsems = (gsem0, gsem1)
        osems = (osem0, osem1)
        pltpu.async_copy(
            x_hbm.at[idx_v.at[pl.ds(0, _GCHUNK)]], rows0, gsem0)

        def body(m, carry):
            for par in range(2):
                ch = 2 * m + par
                pltpu.make_async_copy(
                    x_hbm.at[idx_v.at[pl.ds(ch * _GCHUNK, _GCHUNK)]],
                    bufs[par], gsems[par]).wait()
                pltpu.async_copy(
                    bufs[par],
                    g_hbm.at[pl.ds(base + ch * _GCHUNK, _GCHUNK)],
                    osems[par])

                @pl.when(ch >= 1)
                def _():
                    pltpu.make_async_copy(
                        bufs[1 - par],
                        g_hbm.at[pl.ds(base + (ch - 1) * _GCHUNK, _GCHUNK)],
                        osems[1 - par]).wait()

                @pl.when(ch + 1 < _GNCH)
                def _():
                    pltpu.async_copy(
                        x_hbm.at[idx_v.at[pl.ds((ch + 1) * _GCHUNK,
                                                _GCHUNK)]],
                        bufs[1 - par], gsems[1 - par])
            return carry

        lax.fori_loop(0, _GNCH // 2, body, 0)
        pltpu.make_async_copy(
            bufs[1],
            g_hbm.at[pl.ds(base + (_GNCH - 1) * _GCHUNK, _GCHUNK)],
            osems[1]).wait()


def _gather(x, idx_buf, counts):
    mesh = plsc.VectorSubcoreMesh(core_axis_name="c", subcore_axis_name="s")
    f = pl.kernel(
        _gather_body,
        mesh=mesh,
        out_type=jax.ShapeDtypeStruct((E * C, D), jnp.float32),
        scratch_types=[
            pltpu.VMEM((_GROWS,), jnp.int32),
            pltpu.VMEM((L,), jnp.int32),
            pltpu.VMEM((_GCHUNK, D), jnp.float32),
            pltpu.VMEM((_GCHUNK, D), jnp.float32),
            pltpu.SemaphoreType.DMA,
            pltpu.SemaphoreType.DMA,
            pltpu.SemaphoreType.DMA,
            pltpu.SemaphoreType.DMA,
        ],
    )
    return f(x, idx_buf, counts)


def _gemm_body(cnt_ref, g_ref, w13_ref, w2_ref, ws_ref, out_ref):
    cb = pl.program_id(1)
    active = cb * BC < cnt_ref[pl.program_id(0)]

    @pl.when(active)
    def _():
        h = lax.dot_general(g_ref[...], w13_ref[0],
                            (((1,), (1,)), ((), ())),
                            preferred_element_type=jnp.float32)
        g = h[:, :F]
        u = h[:, F:]
        act = (g * jax.nn.sigmoid(g)) * u
        o = lax.dot_general(act, w2_ref[0],
                            (((1,), (1,)), ((), ())),
                            preferred_element_type=jnp.float32)
        out_ref[...] = o * ws_ref[...]

    @pl.when(jnp.logical_not(active))
    def _():
        out_ref[...] = jnp.zeros_like(out_ref)


def _expert_gemms(counts, gathered, w13, w2, w_slot):
    grid_spec = pltpu.PrefetchScalarGridSpec(
        num_scalar_prefetch=1,
        grid=(E, NCB),
        in_specs=[
            pl.BlockSpec((BC, D), lambda e, cb, cnt: (
                jnp.where(cb * BC < cnt[e], e * NCB + cb, 0), 0)),
            pl.BlockSpec((1, 2 * F, D), lambda e, cb, cnt: (e, 0, 0)),
            pl.BlockSpec((1, D, F), lambda e, cb, cnt: (e, 0, 0)),
            pl.BlockSpec((BC, 1), lambda e, cb, cnt: (e * NCB + cb, 0)),
        ],
        out_specs=pl.BlockSpec((BC, D), lambda e, cb, cnt: (
            jnp.where(cb * BC < cnt[e], e * NCB + cb, E * NCB), 0)),
    )
    return pl.pallas_call(
        _gemm_body,
        grid_spec=grid_spec,
        out_shape=jax.ShapeDtypeStruct((E * C + BC, D), jnp.float32),
        compiler_params=pltpu.CompilerParams(
            dimension_semantics=("arbitrary", "arbitrary"),
            vmem_limit_bytes=100 * 1024 * 1024,
        ),
    )(counts, gathered, w13, w2, w_slot)


_CTOK = T // NW
_CCH = 8


def _combine_body(oute_hbm, sp_hbm, out_hbm, sp_v, rows0, rows1, out_v,
                  sem0, sem1):
    wid = lax.axis_index("s") * NC + lax.axis_index("c")
    tbase = wid * _CTOK
    pltpu.sync_copy(sp_hbm.at[pl.ds(tbase * K, _CTOK * K)], sp_v)
    bufs = (rows0, rows1)
    sems = (sem0, sem1)
    nch = _CTOK // _CCH
    pltpu.async_copy(
        oute_hbm.at[sp_v.at[pl.ds(0, _CCH * K)]], rows0, sem0)

    def chunk(m, carry):
        for par in range(2):
            ch = 2 * m + par

            @pl.when(ch + 1 < nch)
            def _():
                pltpu.async_copy(
                    oute_hbm.at[sp_v.at[pl.ds((ch + 1) * _CCH * K,
                                              _CCH * K)]],
                    bufs[1 - par], sems[1 - par])

            pltpu.make_async_copy(
                oute_hbm.at[sp_v.at[pl.ds(ch * _CCH * K, _CCH * K)]],
                bufs[par], sems[par]).wait()
            rows_v = bufs[par]

            def lane_body(lb, carry2):
                col = lb * L
                for i in range(_CCH):
                    out_v[i, pl.ds(col, L)] = (
                        rows_v[2 * i, pl.ds(col, L)]
                        + rows_v[2 * i + 1, pl.ds(col, L)])
                return carry2

            lax.fori_loop(0, D // L, lane_body, 0)
            pltpu.sync_copy(out_v,
                            out_hbm.at[pl.ds(tbase + ch * _CCH, _CCH)])
        return carry

    lax.fori_loop(0, _CTOK // _CCH // 2, chunk, 0)


def _combine(out_e, slot_pair):
    mesh = plsc.VectorSubcoreMesh(core_axis_name="c", subcore_axis_name="s")
    f = pl.kernel(
        _combine_body,
        mesh=mesh,
        out_type=jax.ShapeDtypeStruct((T, D), jnp.float32),
        scratch_types=[
            pltpu.VMEM((_CTOK * K,), jnp.int32),
            pltpu.VMEM((_CCH * K, D), jnp.float32),
            pltpu.VMEM((_CCH * K, D), jnp.float32),
            pltpu.VMEM((_CCH, D), jnp.float32),
            pltpu.SemaphoreType.DMA,
            pltpu.SemaphoreType.DMA,
        ],
    )
    return f(out_e, slot_pair)


@jax.jit
def kernel(x, router_w, w13, w2):
    topi, topw = _routing(x, router_w)
    idx_buf, w_slot, slot_pair, counts = _dispatch(topi, topw)
    gathered = _gather(x, idx_buf[:E * C], counts)
    out_e = _expert_gemms(counts, gathered, w13, w2,
                          w_slot[:E * C].reshape(E * C, 1))
    return _combine(out_e, slot_pair)

# --- scband reference (transcript-rebuilt; emitter-appended) ---
"""Pipeline reference for scband-routed-experts-43542378447508 (READ-ONLY COPY).

The authoritative reference and input builder live on the scoring server;
editing this copy changes nothing except your own understanding.
"""

import jax, jax.numpy as jnp
import numpy as np

T = 2048   # batch(1) * seq_len(2048) tokens
D = 2048   # hidden_dim
F = 1024   # intermediate_size_per_partition
E = 8      # num_experts
K = 2      # top_k


def setup_inputs(seed: int = 0) -> dict:
    key = jax.random.key(seed)
    k1, k2, k3, k4 = jax.random.split(key, 4)
    x = jax.random.normal(k1, (T, D), dtype=jnp.float32)
    router_w = jax.random.normal(k2, (D, E), dtype=jnp.float32) * 0.02
    # w13: fused gate+up projection per expert [E, 2F, D] (is_act_and_mul=True)
    w13 = jax.random.normal(k3, (E, 2 * F, D), dtype=jnp.float32) * 0.02
    # w2: down projection per expert [E, D, F]
    w2 = jax.random.normal(k4, (E, D, F), dtype=jnp.float32) * 0.02
    return {"x": x, "router_w": router_w, "w13": w13, "w2": w2}


def reference(x, router_w, w13, w2):
    Tn, Dn = x.shape
    En = w13.shape[0]
    Fn = w2.shape[2]
    C = 2 * Tn * K // En  # expert capacity (factor 2)

    # --- routing ---
    logits = x @ router_w                          # [T, E]
    probs = jax.nn.softmax(logits, axis=-1)
    topw, topi = jax.lax.top_k(probs, K)           # [T, K]
    topw = topw / jnp.sum(topw, axis=-1, keepdims=True)

    # --- dispatch: sort token-expert assignments by expert id ---
    flat_e = topi.reshape(-1)                      # [T*K]
    flat_t = jnp.repeat(jnp.arange(Tn), K)         # [T*K]
    flat_w = topw.reshape(-1)                      # [T*K]
    order = jnp.argsort(flat_e)                    # stable sort
    se = flat_e[order]
    st = flat_t[order]
    sw = flat_w[order]
    counts = jnp.bincount(flat_e, length=En)
    starts = jnp.cumsum(counts) - counts
    pos = jnp.arange(Tn * K) - starts[se]          # slot within expert
    pos_oob = jnp.where(pos < C, pos, C)           # overflow -> dropped
    idx_buf = jnp.zeros((En, C), dtype=jnp.int32).at[se, pos_oob].set(
        st.astype(jnp.int32), mode="drop")
    w_buf = jnp.zeros((En, C), dtype=x.dtype).at[se, pos_oob].set(
        sw, mode="drop")

    # --- expert compute (gather -> batched GEMM -> SwiGLU -> GEMM) ---
    gathered = x[idx_buf]                          # [E, C, D]
    h = jnp.einsum("ecd,efd->ecf", gathered, w13)  # [E, C, 2F]
    g, u = h[..., :Fn], h[..., Fn:]
    act = jax.nn.silu(g) * u                       # [E, C, F]
    out_e = jnp.einsum("ecf,edf->ecd", act, w2)    # [E, C, D]
    weighted = out_e * w_buf[..., None]

    # --- combine: scatter-add back to token order ---
    out = jnp.zeros((Tn, Dn), dtype=x.dtype).at[idx_buf.reshape(-1)].add(
        weighted.reshape(-1, Dn))
    return out

if __name__ == "__main__":
    import jax
    _d = setup_inputs()
    print(jax.jit(kernel)(*tuple(_d.values())))

</pallas_src>

<mosaic_0001>
#map = affine_map<(d0, d1) -> (0, 0)>
#map1 = affine_map<(d0, d1) -> (0)>
module attributes {stable_mosaic.version = 14 : i64} {
  func.func @_gather_body(%arg0: i32, %arg1: i32, %arg2: memref<2048x2048xf32, #tpu.memory_space<hbm>>, %arg3: memref<8192xi32, #tpu.memory_space<hbm>>, %arg4: memref<16xi32, #tpu.memory_space<hbm>>, %arg5: memref<8192x2048xf32, #tpu.memory_space<hbm>>, %arg6: memref<256xi32, #tpu.memory_space<vmem>>, %arg7: memref<16xi32, #tpu.memory_space<vmem>>, %arg8: memref<16x2048xf32, #tpu.memory_space<vmem>>, %arg9: memref<16x2048xf32, #tpu.memory_space<vmem>>, %arg10: memref<!tpu.dma_semaphore, #tpu.memory_space<semaphore_mem>>, %arg11: memref<!tpu.dma_semaphore, #tpu.memory_space<semaphore_mem>>, %arg12: memref<!tpu.dma_semaphore, #tpu.memory_space<semaphore_mem>>, %arg13: memref<!tpu.dma_semaphore, #tpu.memory_space<semaphore_mem>>) attributes {dimension_semantics = [#tpu.dimension_semantics<core_parallel>, #tpu.dimension_semantics<subcore_parallel>], iteration_bounds = array<i64: 2, 16>, scalar_prefetch = 0 : i64, scratch_operands = 8 : i64, tpu.core_type = #tpu.core_type<sc_vector_subcore>, window_params = [{transform_indices = #map}, {transform_indices = #map1}, {transform_indices = #map1}, {transform_indices = #map}]} {
    %mul3A = arith.constant 2 : i32
    %mul3A_0 = arith.muli %arg1, %mul3A : i32
    %add3A = arith.addi %mul3A_0, %arg0 : i32
    "tpu.region"() ({
      %run_scoped3A = tpu.sem_alloc : memref<!tpu.dma_semaphore, #tpu.memory_space<semaphore_mem>>
      tpu.enqueue_dma source(%arg4 : memref<16xi32, #tpu.memory_space<hbm>>) target(%arg7 : memref<16xi32, #tpu.memory_space<vmem>>) target_semaphore(%run_scoped3A : memref<!tpu.dma_semaphore, #tpu.memory_space<semaphore_mem>>)
      tpu.wait_dma2 semaphore(%run_scoped3A : memref<!tpu.dma_semaphore, #tpu.memory_space<semaphore_mem>>) src(%arg4 : memref<16xi32, #tpu.memory_space<hbm>>) dst(%arg7 : memref<16xi32, #tpu.memory_space<vmem>>)
      tpu.yield
    }) : () -> ()
    %shift_right_arithmetic3A = arith.constant 2 : i32
    %shift_right_arithmetic3A_1 = arith.shrsi %add3A, %shift_right_arithmetic3A : i32
    %and3A = arith.constant 3 : i32
    %and3A_2 = arith.andi %add3A, %and3A : i32
    %add3A_3 = arith.addi %and3A_2, %shift_right_arithmetic3A_1 : i32
    %and3A_4 = arith.constant 3 : i32
    %and3A_5 = arith.andi %add3A_3, %and3A_4 : i32
    %mul3A_6 = arith.constant 1024 : i32
    %mul3A_7 = arith.muli %shift_right_arithmetic3A_1, %mul3A_6 : i32
    %mul3A_8 = arith.constant 256 : i32
    %mul3A_9 = arith.muli %and3A_5, %mul3A_8 : i32
    %add3A_10 = arith.addi %mul3A_7, %mul3A_9 : i32
    %mul3A_11 = arith.constant 256 : i32
    %mul3A_12 = arith.muli %and3A_5, %mul3A_11 : i32
    %get3A = arith.constant 0 : index
    %get3A_13 = tpu.vector_load %arg7[%get3A] {strides = array<i32>} : memref<16xi32, #tpu.memory_space<vmem>>, vector<16xi32>,
    %get3A_14 = vector.shape_cast %get3A_13 : vector<16xi32> to vector<16xi32>
    %slice3A = vector.extract_strided_slice %get3A_14 {offsets = [0], sizes = [1], strides = [1]} : vector<16xi32> to vector<1xi32>
    %squeeze3A = vector.extract %slice3A[0] : i32 from vector<1xi32>
    %eq3A = arith.constant 1 : i32
    %eq3A_15 = arith.cmpi eq, %shift_right_arithmetic3A_1, %eq3A : i32
    %slice3A_16 = vector.extract_strided_slice %get3A_14 {offsets = [1], sizes = [1], strides = [1]} : vector<16xi32> to vector<1xi32>
    %squeeze3A_17 = vector.extract %slice3A_16[0] : i32 from vector<1xi32>
    %select_n3A = arith.select %eq3A_15, %squeeze3A_17, %squeeze3A : i32
    %eq3A_18 = arith.constant 2 : i32
    %eq3A_19 = arith.cmpi eq, %shift_right_arithmetic3A_1, %eq3A_18 : i32
    %slice3A_20 = vector.extract_strided_slice %get3A_14 {offsets = [2], sizes = [1], strides = [1]} : vector<16xi32> to vector<1xi32>
    %squeeze3A_21 = vector.extract %slice3A_20[0] : i32 from vector<1xi32>
    %select_n3A_22 = arith.select %eq3A_19, %squeeze3A_21, %select_n3A : i32
    %eq3A_23 = arith.constant 3 : i32
    %eq3A_24 = arith.cmpi eq, %shift_right_arithmetic3A_1, %eq3A_23 : i32
    %slice3A_25 = vector.extract_strided_slice %get3A_14 {offsets = [3], sizes = [1], strides = [1]} : vector<16xi32> to vector<1xi32>
    %squeeze3A_26 = vector.extract %slice3A_25[0] : i32 from vector<1xi32>
    %select_n3A_27 = arith.select %eq3A_24, %squeeze3A_26, %select_n3A_22 : i32
    %eq3A_28 = arith.constant 4 : i32
    %eq3A_29 = arith.cmpi eq, %shift_right_arithmetic3A_1, %eq3A_28 : i32
    %slice3A_30 = vector.extract_strided_slice %get3A_14 {offsets = [4], sizes = [1], strides = [1]} : vector<16xi32> to vector<1xi32>
    %squeeze3A_31 = vector.extract %slice3A_30[0] : i32 from vector<1xi32>
    %select_n3A_32 = arith.select %eq3A_29, %squeeze3A_31, %select_n3A_27 : i32
    %eq3A_33 = arith.constant 5 : i32
    %eq3A_34 = arith.cmpi eq, %shift_right_arithmetic3A_1, %eq3A_33 : i32
    %slice3A_35 = vector.extract_strided_slice %get3A_14 {offsets = [5], sizes = [1], strides = [1]} : vector<16xi32> to vector<1xi32>
    %squeeze3A_36 = vector.extract %slice3A_35[0] : i32 from vector<1xi32>
    %select_n3A_37 = arith.select %eq3A_34, %squeeze3A_36, %select_n3A_32 : i32
    %eq3A_38 = arith.constant 6 : i32
    %eq3A_39 = arith.cmpi eq, %shift_right_arithmetic3A_1, %eq3A_38 : i32
    %slice3A_40 = vector.extract_strided_slice %get3A_14 {offsets = [6], sizes = [1], strides = [1]} : vector<16xi32> to vector<1xi32>
    %squeeze3A_41 = vector.extract %slice3A_40[0] : i32 from vector<1xi32>
    %select_n3A_42 = arith.select %eq3A_39, %squeeze3A_41, %select_n3A_37 : i32
    %eq3A_43 = arith.constant 7 : i32
    %eq3A_44 = arith.cmpi eq, %shift_right_arithmetic3A_1, %eq3A_43 : i32
    %slice3A_45 = vector.extract_strided_slice %get3A_14 {offsets = [7], sizes = [1], strides = [1]} : vector<16xi32> to vector<1xi32>
    %squeeze3A_46 = vector.extract %slice3A_45[0] : i32 from vector<1xi32>
    %select_n3A_47 = arith.select %eq3A_44, %squeeze3A_46, %select_n3A_42 : i32
    %gt3A = arith.cmpi sgt, %select_n3A_47, %mul3A_12 : i32
    %convert_element_type3A = arith.extui %gt3A : i1 to i32
    %cond3A = arith.constant 0 : i32
    %cond3A_48 = arith.cmpi ne, %convert_element_type3A, %cond3A : i32
    scf.if %cond3A_48 {
      "tpu.region"() ({
        %run_scoped3A = tpu.sem_alloc : memref<!tpu.dma_semaphore, #tpu.memory_space<semaphore_mem>>
        %dma_start3A_63 = tpu.memref_slice %arg3[%add3A_10] : memref<8192xi32, #tpu.memory_space<hbm>> -> memref<256xi32, #tpu.memory_space<hbm>>
        %dma_start3A_64 = tpu.memref_slice %arg3[%add3A_10] : memref<8192xi32, #tpu.memory_space<hbm>> -> memref<256xi32, #tpu.memory_space<hbm>>
        tpu.enqueue_dma source(%dma_start3A_64 : memref<256xi32, #tpu.memory_space<hbm>>) target(%arg6 : memref<256xi32, #tpu.memory_space<vmem>>) target_semaphore(%run_scoped3A : memref<!tpu.dma_semaphore, #tpu.memory_space<semaphore_mem>>)
        %dma_wait3A_65 = tpu.memref_slice %arg3[%add3A_10] : memref<8192xi32, #tpu.memory_space<hbm>> -> memref<256xi32, #tpu.memory_space<hbm>>
        %dma_wait3A_66 = tpu.memref_slice %arg3[%add3A_10] : memref<8192xi32, #tpu.memory_space<hbm>> -> memref<256xi32, #tpu.memory_space<hbm>>
        tpu.wait_dma2 semaphore(%run_scoped3A : memref<!tpu.dma_semaphore, #tpu.memory_space<semaphore_mem>>) src(%dma_wait3A_66 : memref<256xi32, #tpu.memory_space<hbm>>) dst(%arg6 : memref<256xi32, #tpu.memory_space<vmem>>)
        tpu.yield
      }) : () -> ()
      %dma_start3A = arith.constant 0 : i32
      %dma_start3A_49 = tpu.memref_slice %arg6[%dma_start3A] : memref<256xi32, #tpu.memory_space<vmem>> -> memref<16xi32, #tpu.memory_space<vmem>>
      %dma_start3A_50 = arith.constant 0 : i32
      %dma_start3A_51 = arith.constant 0 : i32
      %dma_start3A_52 = tpu.memref_slice %arg2[%dma_start3A_50, %dma_start3A_51] : memref<2048x2048xf32, #tpu.memory_space<hbm>> -> memref<2048x2048xf32, #tpu.memory_space<hbm>>
      tpu.enqueue_indirect_dma source(%dma_start3A_52 : memref<2048x2048xf32, #tpu.memory_space<hbm>>) target(%arg8 : memref<16x2048xf32, #tpu.memory_space<vmem>>) offsets(%dma_start3A_49 : memref<16xi32, #tpu.memory_space<vmem>>) semaphore(%arg10 : memref<!tpu.dma_semaphore, #tpu.memory_space<semaphore_mem>>)
      %scan3A = arith.constant 0 : i32
      %scan3A_53 = arith.constant 0 : i32
      %scan3A_54 = arith.constant 8 : i32
      %scan3A_55 = arith.addi %scan3A_53, %scan3A_54 : i32
      %scan3A_56 = arith.constant 1 : i32
      scf.for %scan3A_63 = %scan3A_53 to %scan3A_55 step %scan3A_56  : i32 {
        %mul3A_64 = arith.constant 2 : i32
        %mul3A_65 = arith.muli %mul3A_64, %scan3A_63 : i32
        %add3A_66 = arith.constant 0 : i32
        %add3A_67 = arith.addi %mul3A_65, %add3A_66 : i32
        %mul3A_68 = arith.constant 16 : i32
        %mul3A_69 = arith.muli %add3A_67, %mul3A_68 : i32
        %dma_wait3A_70 = tpu.memref_slice %arg6[%mul3A_69] : memref<256xi32, #tpu.memory_space<vmem>> -> memref<16xi32, #tpu.memory_space<vmem>>
        %dma_wait3A_71 = arith.constant 0 : i32
        %dma_wait3A_72 = arith.constant 0 : i32
        %dma_wait3A_73 = tpu.memref_slice %arg2[%dma_wait3A_71, %dma_wait3A_72] : memref<2048x2048xf32, #tpu.memory_space<hbm>> -> memref<2048x2048xf32, #tpu.memory_space<hbm>>
        tpu.wait_indirect_dma semaphore(%arg10 : memref<!tpu.dma_semaphore, #tpu.memory_space<semaphore_mem>>) src(%dma_wait3A_73 : memref<2048x2048xf32, #tpu.memory_space<hbm>>) dst(%arg8 : memref<16x2048xf32, #tpu.memory_space<vmem>>)
        %mul3A_74 = arith.constant 16 : i32
        %mul3A_75 = arith.muli %add3A_67, %mul3A_74 : i32
        %add3A_76 = arith.addi %add3A_10, %mul3A_75 : i32
        %dma_start3A_77 = arith.constant 0 : i32
        %dma_start3A_78 = tpu.memref_slice %arg5[%add3A_76, %dma_start3A_77] : memref<8192x2048xf32, #tpu.memory_space<hbm>> -> memref<16x2048xf32, #tpu.memory_space<hbm>>
        %dma_start3A_79 = arith.constant 0 : i32
        %dma_start3A_80 = tpu.memref_slice %arg5[%add3A_76, %dma_start3A_79] : memref<8192x2048xf32, #tpu.memory_space<hbm>> -> memref<16x2048xf32, #tpu.memory_space<hbm>>
        tpu.enqueue_dma source(%arg8 : memref<16x2048xf32, #tpu.memory_space<vmem>>) target(%dma_start3A_80 : memref<16x2048xf32, #tpu.memory_space<hbm>>) target_semaphore(%arg12 : memref<!tpu.dma_semaphore, #tpu.memory_space<semaphore_mem>>)
        %ge3A = arith.constant 1 : i32
        %ge3A_81 = arith.cmpi sge, %add3A_67, %ge3A : i32
        %convert_element_type3A_82 = arith.extui %ge3A_81 : i1 to i32
        %cond3A_83 = arith.constant 0 : i32
        %cond3A_84 = arith.cmpi ne, %convert_element_type3A_82, %cond3A_83 : i32
        scf.if %cond3A_84 {
          %sub3A = arith.constant 1 : i32
          %sub3A_120 = arith.subi %add3A_67, %sub3A : i32
          %mul3A_121 = arith.constant 16 : i32
          %mul3A_122 = arith.muli %sub3A_120, %mul3A_121 : i32
          %add3A_123 = arith.addi %add3A_10, %mul3A_122 : i32
          %dma_wait3A_124 = arith.constant 0 : i32
          %dma_wait3A_125 = tpu.memref_slice %arg5[%add3A_123, %dma_wait3A_124] : memref<8192x2048xf32, #tpu.memory_space<hbm>> -> memref<16x2048xf32, #tpu.memory_space<hbm>>
          %dma_wait3A_126 = arith.constant 0 : i32
          %dma_wait3A_127 = tpu.memref_slice %arg5[%add3A_123, %dma_wait3A_126] : memref<8192x2048xf32, #tpu.memory_space<hbm>> -> memref<16x2048xf32, #tpu.memory_space<hbm>>
          tpu.wait_dma2 semaphore(%arg13 : memref<!tpu.dma_semaphore, #tpu.memory_space<semaphore_mem>>) src(%arg9 : memref<16x2048xf32, #tpu.memory_space<vmem>>) dst(%dma_wait3A_127 : memref<16x2048xf32, #tpu.memory_space<hbm>>)
        } else {
        }
        %add3A_85 = arith.constant 1 : i32
        %add3A_86 = arith.addi %add3A_67, %add3A_85 : i32
        %lt3A = arith.constant 16 : i32
        %lt3A_87 = arith.cmpi slt, %add3A_86, %lt3A : i32
        %convert_element_type3A_88 = arith.extui %lt3A_87 : i1 to i32
        %cond3A_89 = arith.constant 0 : i32
        %cond3A_90 = arith.cmpi ne, %convert_element_type3A_88, %cond3A_89 : i32
        scf.if %cond3A_90 {
          %add3A_120 = arith.constant 1 : i32
          %add3A_121 = arith.addi %add3A_67, %add3A_120 : i32
          %mul3A_122 = arith.constant 16 : i32
          %mul3A_123 = arith.muli %add3A_121, %mul3A_122 : i32
          %dma_start3A_124 = tpu.memref_slice %arg6[%mul3A_123] : memref<256xi32, #tpu.memory_space<vmem>> -> memref<16xi32, #tpu.memory_space<vmem>>
          %dma_start3A_125 = arith.constant 0 : i32
          %dma_start3A_126 = arith.constant 0 : i32
          %dma_start3A_127 = tpu.memref_slice %arg2[%dma_start3A_125, %dma_start3A_126] : memref<2048x2048xf32, #tpu.memory_space<hbm>> -> memref<2048x2048xf32, #tpu.memory_space<hbm>>
          tpu.enqueue_indirect_dma source(%dma_start3A_127 : memref<2048x2048xf32, #tpu.memory_space<hbm>>) target(%arg9 : memref<16x2048xf32, #tpu.memory_space<vmem>>) offsets(%dma_start3A_124 : memref<16xi32, #tpu.memory_space<vmem>>) semaphore(%arg11 : memref<!tpu.dma_semaphore, #tpu.memory_space<semaphore_mem>>)
        } else {
        }
        %mul3A_91 = arith.constant 2 : i32
        %mul3A_92 = arith.muli %mul3A_91, %scan3A_63 : i32
        %add3A_93 = arith.constant 1 : i32
        %add3A_94 = arith.addi %mul3A_92, %add3A_93 : i32
        %mul3A_95 = arith.constant 16 : i32
        %mul3A_96 = arith.muli %add3A_94, %mul3A_95 : i32
        %dma_wait3A_97 = tpu.memref_slice %arg6[%mul3A_96] : memref<256xi32, #tpu.memory_space<vmem>> -> memref<16xi32, #tpu.memory_space<vmem>>
        %dma_wait3A_98 = arith.constant 0 : i32
        %dma_wait3A_99 = arith.constant 0 : i32
        %dma_wait3A_100 = tpu.memref_slice %arg2[%dma_wait3A_98, %dma_wait3A_99] : memref<2048x2048xf32, #tpu.memory_space<hbm>> -> memref<2048x2048xf32, #tpu.memory_space<hbm>>
        tpu.wait_indirect_dma semaphore(%arg11 : memref<!tpu.dma_semaphore, #tpu.memory_space<semaphore_mem>>) src(%dma_wait3A_100 : memref<2048x2048xf32, #tpu.memory_space<hbm>>) dst(%arg9 : memref<16x2048xf32, #tpu.memory_space<vmem>>)
        %mul3A_101 = arith.constant 16 : i32
        %mul3A_102 = arith.muli %add3A_94, %mul3A_101 : i32
        %add3A_103 = arith.addi %add3A_10, %mul3A_102 : i32
        %dma_start3A_104 = arith.constant 0 : i32
        %dma_start3A_105 = tpu.memref_slice %arg5[%add3A_103, %dma_start3A_104] : memref<8192x2048xf32, #tpu.memory_space<hbm>> -> memref<16x2048xf32, #tpu.memory_space<hbm>>
        %dma_start3A_106 = arith.constant 0 : i32
        %dma_start3A_107 = tpu.memref_slice %arg5[%add3A_103, %dma_start3A_106] : memref<8192x2048xf32, #tpu.memory_space<hbm>> -> memref<16x2048xf32, #tpu.memory_space<hbm>>
        tpu.enqueue_dma source(%arg9 : memref<16x2048xf32, #tpu.memory_space<vmem>>) target(%dma_start3A_107 : memref<16x2048xf32, #tpu.memory_space<hbm>>) target_semaphore(%arg13 : memref<!tpu.dma_semaphore, #tpu.memory_space<semaphore_mem>>)
        %ge3A_108 = arith.constant 1 : i32
        %ge3A_109 = arith.cmpi sge, %add3A_94, %ge3A_108 : i32
        %convert_element_type3A_110 = arith.extui %ge3A_109 : i1 to i32
        %cond3A_111 = arith.constant 0 : i32
        %cond3A_112 = arith.cmpi ne, %convert_element_type3A_110, %cond3A_111 : i32
        scf.if %cond3A_112 {
          %sub3A = arith.constant 1 : i32
          %sub3A_120 = arith.subi %add3A_94, %sub3A : i32
          %mul3A_121 = arith.constant 16 : i32
          %mul3A_122 = arith.muli %sub3A_120, %mul3A_121 : i32
          %add3A_123 = arith.addi %add3A_10, %mul3A_122 : i32
          %dma_wait3A_124 = arith.constant 0 : i32
          %dma_wait3A_125 = tpu.memref_slice %arg5[%add3A_123, %dma_wait3A_124] : memref<8192x2048xf32, #tpu.memory_space<hbm>> -> memref<16x2048xf32, #tpu.memory_space<hbm>>
          %dma_wait3A_126 = arith.constant 0 : i32
          %dma_wait3A_127 = tpu.memref_slice %arg5[%add3A_123, %dma_wait3A_126] : memref<8192x2048xf32, #tpu.memory_space<hbm>> -> memref<16x2048xf32, #tpu.memory_space<hbm>>
          tpu.wait_dma2 semaphore(%arg12 : memref<!tpu.dma_semaphore, #tpu.memory_space<semaphore_mem>>) src(%arg8 : memref<16x2048xf32, #tpu.memory_space<vmem>>) dst(%dma_wait3A_127 : memref<16x2048xf32, #tpu.memory_space<hbm>>)
        } else {
        }
        %add3A_113 = arith.constant 1 : i32
        %add3A_114 = arith.addi %add3A_94, %add3A_113 : i32
        %lt3A_115 = arith.constant 16 : i32
        %lt3A_116 = arith.cmpi slt, %add3A_114, %lt3A_115 : i32
        %convert_element_type3A_117 = arith.extui %lt3A_116 : i1 to i32
        %cond3A_118 = arith.constant 0 : i32
        %cond3A_119 = arith.cmpi ne, %convert_element_type3A_117, %cond3A_118 : i32
        scf.if %cond3A_119 {
          %add3A_120 = arith.constant 1 : i32
          %add3A_121 = arith.addi %add3A_94, %add3A_120 : i32
          %mul3A_122 = arith.constant 16 : i32
          %mul3A_123 = arith.muli %add3A_121, %mul3A_122 : i32
          %dma_start3A_124 = tpu.memref_slice %arg6[%mul3A_123] : memref<256xi32, #tpu.memory_space<vmem>> -> memref<16xi32, #tpu.memory_space<vmem>>
          %dma_start3A_125 = arith.constant 0 : i32
          %dma_start3A_126 = arith.constant 0 : i32
          %dma_start3A_127 = tpu.memref_slice %arg2[%dma_start3A_125, %dma_start3A_126] : memref<2048x2048xf32, #tpu.memory_space<hbm>> -> memref<2048x2048xf32, #tpu.memory_space<hbm>>
          tpu.enqueue_indirect_dma source(%dma_start3A_127 : memref<2048x2048xf32, #tpu.memory_space<hbm>>) target(%arg8 : memref<16x2048xf32, #tpu.memory_space<vmem>>) offsets(%dma_start3A_124 : memref<16xi32, #tpu.memory_space<vmem>>) semaphore(%arg10 : memref<!tpu.dma_semaphore, #tpu.memory_space<semaphore_mem>>)
        } else {
        }
      }
      %scan3A_57 = arith.constant 8 : i32
      %add3A_58 = arith.constant 240 : i32
      %add3A_59 = arith.addi %add3A_10, %add3A_58 : i32
      %dma_wait3A = arith.constant 0 : i32
      %dma_wait3A_60 = tpu.memref_slice %arg5[%add3A_59, %dma_wait3A] : memref<8192x2048xf32, #tpu.memory_space<hbm>> -> memref<16x2048xf32, #tpu.memory_space<hbm>>
      %dma_wait3A_61 = arith.constant 0 : i32
      %dma_wait3A_62 = tpu.memref_slice %arg5[%add3A_59, %dma_wait3A_61] : memref<8192x2048xf32, #tpu.memory_space<hbm>> -> memref<16x2048xf32, #tpu.memory_space<hbm>>
      tpu.wait_dma2 semaphore(%arg13 : memref<!tpu.dma_semaphore, #tpu.memory_space<semaphore_mem>>) src(%arg9 : memref<16x2048xf32, #tpu.memory_space<vmem>>) dst(%dma_wait3A_62 : memref<16x2048xf32, #tpu.memory_space<hbm>>)
    } else {
    }
    return
  }
}

#map = affine_map<(d0, d1) -> (0, 0)>
#map1 = affine_map<(d0, d1) -> (0)>
module attributes {stable_mosaic.version = 14 : i64} {
  func.func @_combine_body(%arg0: i32, %arg1: i32, %arg2: memref<8448x2048xf32, #tpu.memory_space<hbm>>, %arg3: memref<4096xi32, #tpu.memory_space<hbm>>, %arg4: memref<2048x2048xf32, #tpu.memory_space<hbm>>, %arg5: memref<128xi32, #tpu.memory_space<vmem>>, %arg6: memref<16x2048xf32, #tpu.memory_space<vmem>>, %arg7: memref<16x2048xf32, #tpu.memory_space<vmem>>, %arg8: memref<8x2048xf32, #tpu.memory_space<vmem>>, %arg9: memref<!tpu.dma_semaphore, #tpu.memory_space<semaphore_mem>>, %arg10: memref<!tpu.dma_semaphore, #tpu.memory_space<semaphore_mem>>) attributes {dimension_semantics = [#tpu.dimension_semantics<core_parallel>, #tpu.dimension_semantics<subcore_parallel>], iteration_bounds = array<i64: 2, 16>, scalar_prefetch = 0 : i64, scratch_operands = 6 : i64, tpu.core_type = #tpu.core_type<sc_vector_subcore>, window_params = [{transform_indices = #map}, {transform_indices = #map1}, {transform_indices = #map}]} {
    %mul3A = arith.constant 2 : i32
    %mul3A_0 = arith.muli %arg1, %mul3A : i32
    %add3A = arith.addi %mul3A_0, %arg0 : i32
    %mul3A_1 = arith.constant 64 : i32
    %mul3A_2 = arith.muli %add3A, %mul3A_1 : i32
    %mul3A_3 = arith.constant 2 : i32
    %mul3A_4 = arith.muli %mul3A_2, %mul3A_3 : i32
    "tpu.region"() ({
      %run_scoped3A = tpu.sem_alloc : memref<!tpu.dma_semaphore, #tpu.memory_space<semaphore_mem>>
      %dma_start3A_14 = tpu.memref_slice %arg3[%mul3A_4] : memref<4096xi32, #tpu.memory_space<hbm>> -> memref<128xi32, #tpu.memory_space<hbm>>
      %dma_start3A_15 = tpu.memref_slice %arg3[%mul3A_4] : memref<4096xi32, #tpu.memory_space<hbm>> -> memref<128xi32, #tpu.memory_space<hbm>>
      tpu.enqueue_dma source(%dma_start3A_15 : memref<128xi32, #tpu.memory_space<hbm>>) target(%arg5 : memref<128xi32, #tpu.memory_space<vmem>>) target_semaphore(%run_scoped3A : memref<!tpu.dma_semaphore, #tpu.memory_space<semaphore_mem>>)
      %dma_wait3A = tpu.memref_slice %arg3[%mul3A_4] : memref<4096xi32, #tpu.memory_space<hbm>> -> memref<128xi32, #tpu.memory_space<hbm>>
      %dma_wait3A_16 = tpu.memref_slice %arg3[%mul3A_4] : memref<4096xi32, #tpu.memory_space<hbm>> -> memref<128xi32, #tpu.memory_space<hbm>>
      tpu.wait_dma2 semaphore(%run_scoped3A : memref<!tpu.dma_semaphore, #tpu.memory_space<semaphore_mem>>) src(%dma_wait3A_16 : memref<128xi32, #tpu.memory_space<hbm>>) dst(%arg5 : memref<128xi32, #tpu.memory_space<vmem>>)
      tpu.yield
    }) : () -> ()
    %dma_start3A = arith.constant 0 : i32
    %dma_start3A_5 = tpu.memref_slice %arg5[%dma_start3A] : memref<128xi32, #tpu.memory_space<vmem>> -> memref<16xi32, #tpu.memory_space<vmem>>
    %dma_start3A_6 = arith.constant 0 : i32
    %dma_start3A_7 = arith.constant 0 : i32
    %dma_start3A_8 = tpu.memref_slice %arg2[%dma_start3A_6, %dma_start3A_7] : memref<8448x2048xf32, #tpu.memory_space<hbm>> -> memref<8448x2048xf32, #tpu.memory_space<hbm>>
    tpu.enqueue_indirect_dma source(%dma_start3A_8 : memref<8448x2048xf32, #tpu.memory_space<hbm>>) target(%arg6 : memref<16x2048xf32, #tpu.memory_space<vmem>>) offsets(%dma_start3A_5 : memref<16xi32, #tpu.memory_space<vmem>>) semaphore(%arg9 : memref<!tpu.dma_semaphore, #tpu.memory_space<semaphore_mem>>)
    %scan3A = arith.constant 0 : i32
    %scan3A_9 = arith.constant 0 : i32
    %scan3A_10 = arith.constant 4 : i32
    %scan3A_11 = arith.addi %scan3A_9, %scan3A_10 : i32
    %scan3A_12 = arith.constant 1 : i32
    scf.for %scan3A_14 = %scan3A_9 to %scan3A_11 step %scan3A_12  : i32 {
      %mul3A_15 = arith.constant 2 : i32
      %mul3A_16 = arith.muli %mul3A_15, %scan3A_14 : i32
      %add3A_17 = arith.constant 0 : i32
      %add3A_18 = arith.addi %mul3A_16, %add3A_17 : i32
      %add3A_19 = arith.constant 1 : i32
      %add3A_20 = arith.addi %add3A_18, %add3A_19 : i32
      %lt3A = arith.constant 8 : i32
      %lt3A_21 = arith.cmpi slt, %add3A_20, %lt3A : i32
      %convert_element_type3A = arith.extui %lt3A_21 : i1 to i32
      %cond3A = arith.constant 0 : i32
      %cond3A_22 = arith.cmpi ne, %convert_element_type3A, %cond3A : i32
      scf.if %cond3A_22 {
        %add3A_67 = arith.constant 1 : i32
        %add3A_68 = arith.addi %add3A_18, %add3A_67 : i32
        %mul3A_69 = arith.constant 8 : i32
        %mul3A_70 = arith.muli %add3A_68, %mul3A_69 : i32
        %mul3A_71 = arith.constant 2 : i32
        %mul3A_72 = arith.muli %mul3A_70, %mul3A_71 : i32
        %dma_start3A_73 = tpu.memref_slice %arg5[%mul3A_72] : memref<128xi32, #tpu.memory_space<vmem>> -> memref<16xi32, #tpu.memory_space<vmem>>
        %dma_start3A_74 = arith.constant 0 : i32
        %dma_start3A_75 = arith.constant 0 : i32
        %dma_start3A_76 = tpu.memref_slice %arg2[%dma_start3A_74, %dma_start3A_75] : memref<8448x2048xf32, #tpu.memory_space<hbm>> -> memref<8448x2048xf32, #tpu.memory_space<hbm>>
        tpu.enqueue_indirect_dma source(%dma_start3A_76 : memref<8448x2048xf32, #tpu.memory_space<hbm>>) target(%arg7 : memref<16x2048xf32, #tpu.memory_space<vmem>>) offsets(%dma_start3A_73 : memref<16xi32, #tpu.memory_space<vmem>>) semaphore(%arg10 : memref<!tpu.dma_semaphore, #tpu.memory_space<semaphore_mem>>)
      } else {
      }
      %mul3A_23 = arith.constant 8 : i32
      %mul3A_24 = arith.muli %add3A_18, %mul3A_23 : i32
      %mul3A_25 = arith.constant 2 : i32
      %mul3A_26 = arith.muli %mul3A_24, %mul3A_25 : i32
      %dma_wait3A = tpu.memref_slice %arg5[%mul3A_26] : memref<128xi32, #tpu.memory_space<vmem>> -> memref<16xi32, #tpu.memory_space<vmem>>
      %dma_wait3A_27 = arith.constant 0 : i32
      %dma_wait3A_28 = arith.constant 0 : i32
      %dma_wait3A_29 = tpu.memref_slice %arg2[%dma_wait3A_27, %dma_wait3A_28] : memref<8448x2048xf32, #tpu.memory_space<hbm>> -> memref<8448x2048xf32, #tpu.memory_space<hbm>>
      tpu.wait_indirect_dma semaphore(%arg9 : memref<!tpu.dma_semaphore, #tpu.memory_space<semaphore_mem>>) src(%dma_wait3A_29 : memref<8448x2048xf32, #tpu.memory_space<hbm>>) dst(%arg6 : memref<16x2048xf32, #tpu.memory_space<vmem>>)
      %scan3A_30 = arith.constant 0 : i32
      %scan3A_31 = arith.constant 0 : i32
      %scan3A_32 = arith.constant 128 : i32
      %scan3A_33 = arith.addi %scan3A_31, %scan3A_32 : i32
      %scan3A_34 = arith.constant 1 : i32
      scf.for %scan3A_67 = %scan3A_31 to %scan3A_33 step %scan3A_34  : i32 {
        %mul3A_68 = arith.constant 16 : i32
        %mul3A_69 = arith.muli %scan3A_67, %mul3A_68 : i32
        %get3A = arith.constant 0 : i32
        %get3A_70 = arith.index_cast %get3A : i32 to index
        %get3A_71 = arith.index_cast %mul3A_69 : i32 to index
        %get3A_72 = tpu.vector_load %arg6[%get3A_70, %get3A_71] {strides = array<i32>} : memref<16x2048xf32, #tpu.memory_space<vmem>>, vector<1x16xf32>,
        %get3A_73 = vector.shape_cast %get3A_72 : vector<1x16xf32> to vector<16xf32>
        %get3A_74 = arith.constant 1 : i32
        %get3A_75 = arith.index_cast %get3A_74 : i32 to index
        %get3A_76 = arith.index_cast %mul3A_69 : i32 to index
        %get3A_77 = tpu.vector_load %arg6[%get3A_75, %get3A_76] {strides = array<i32>} : memref<16x2048xf32, #tpu.memory_space<vmem>>, vector<1x16xf32>,
        %get3A_78 = vector.shape_cast %get3A_77 : vector<1x16xf32> to vector<16xf32>
        %add3A_79 = arith.addf %get3A_73, %get3A_78 : vector<16xf32>
        %swap3A = arith.constant 0 : i32
        %swap3A_80 = arith.index_cast %swap3A : i32 to index
        %swap3A_81 = arith.index_cast %mul3A_69 : i32 to index
        %swap3A_82 = tpu.vector_load %arg8[%swap3A_80, %swap3A_81] {strides = array<i32>} : memref<8x2048xf32, #tpu.memory_space<vmem>>, vector<1x16xf32>,
        %swap3A_83 = vector.shape_cast %swap3A_82 : vector<1x16xf32> to vector<16xf32>
        %swap3A_84 = vector.shape_cast %add3A_79 : vector<16xf32> to vector<1x16xf32>
        tpu.vector_store %arg8[%swap3A_80, %swap3A_81], %swap3A_84 {strides = array<i32>} : memref<8x2048xf32, #tpu.memory_space<vmem>>, vector<1x16xf32>,
        %get3A_85 = arith.constant 2 : i32
        %get3A_86 = arith.index_cast %get3A_85 : i32 to index
        %get3A_87 = arith.index_cast %mul3A_69 : i32 to index
        %get3A_88 = tpu.vector_load %arg6[%get3A_86, %get3A_87] {strides = array<i32>} : memref<16x2048xf32, #tpu.memory_space<vmem>>, vector<1x16xf32>,
        %get3A_89 = vector.shape_cast %get3A_88 : vector<1x16xf32> to vector<16xf32>
        %get3A_90 = arith.constant 3 : i32
        %get3A_91 = arith.index_cast %get3A_90 : i32 to index
        %get3A_92 = arith.index_cast %mul3A_69 : i32 to index
        %get3A_93 = tpu.vector_load %arg6[%get3A_91, %get3A_92] {strides = array<i32>} : memref<16x2048xf32, #tpu.memory_space<vmem>>, vector<1x16xf32>,
        %get3A_94 = vector.shape_cast %get3A_93 : vector<1x16xf32> to vector<16xf32>
        %add3A_95 = arith.addf %get3A_89, %get3A_94 : vector<16xf32>
        %swap3A_96 = arith.constant 1 : i32
        %swap3A_97 = arith.index_cast %swap3A_96 : i32 to index
        %swap3A_98 = arith.index_cast %mul3A_69 : i32 to index
        %swap3A_99 = tpu.vector_load %arg8[%swap3A_97, %swap3A_98] {strides = array<i32>} : memref<8x2048xf32, #tpu.memory_space<vmem>>, vector<1x16xf32>,
        %swap3A_100 = vector.shape_cast %swap3A_99 : vector<1x16xf32> to vector<16xf32>
        %swap3A_101 = vector.shape_cast %add3A_95 : vector<16xf32> to vector<1x16xf32>
        tpu.vector_store %arg8[%swap3A_97, %swap3A_98], %swap3A_101 {strides = array<i32>} : memref<8x2048xf32, #tpu.memory_space<vmem>>, vector<1x16xf32>,
        %get3A_102 = arith.constant 4 : i32
        %get3A_103 = arith.index_cast %get3A_102 : i32 to index
        %get3A_104 = arith.index_cast %mul3A_69 : i32 to index
        %get3A_105 = tpu.vector_load %arg6[%get3A_103, %get3A_104] {strides = array<i32>} : memref<16x2048xf32, #tpu.memory_space<vmem>>, vector<1x16xf32>,
        %get3A_106 = vector.shape_cast %get3A_105 : vector<1x16xf32> to vector<16xf32>
        %get3A_107 = arith.constant 5 : i32
        %get3A_108 = arith.index_cast %get3A_107 : i32 to index
        %get3A_109 = arith.index_cast %mul3A_69 : i32 to index
        %get3A_110 = tpu.vector_load %arg6[%get3A_108, %get3A_109] {strides = array<i32>} : memref<16x2048xf32, #tpu.memory_space<vmem>>, vector<1x16xf32>,
        %get3A_111 = vector.shape_cast %get3A_110 : vector<1x16xf32> to vector<16xf32>
        %add3A_112 = arith.addf %get3A_106, %get3A_111 : vector<16xf32>
        %swap3A_113 = arith.constant 2 : i32
        %swap3A_114 = arith.index_cast %swap3A_113 : i32 to index
        %swap3A_115 = arith.index_cast %mul3A_69 : i32 to index
        %swap3A_116 = tpu.vector_load %arg8[%swap3A_114, %swap3A_115] {strides = array<i32>} : memref<8x2048xf32, #tpu.memory_space<vmem>>, vector<1x16xf32>,
        %swap3A_117 = vector.shape_cast %swap3A_116 : vector<1x16xf32> to vector<16xf32>
        %swap3A_118 = vector.shape_cast %add3A_112 : vector<16xf32> to vector<1x16xf32>
        tpu.vector_store %arg8[%swap3A_114, %swap3A_115], %swap3A_118 {strides = array<i32>} : memref<8x2048xf32, #tpu.memory_space<vmem>>, vector<1x16xf32>,
        %get3A_119 = arith.constant 6 : i32
        %get3A_120 = arith.index_cast %get3A_119 : i32 to index
        %get3A_121 = arith.index_cast %mul3A_69 : i32 to index
        %get3A_122 = tpu.vector_load %arg6[%get3A_120, %get3A_121] {strides = array<i32>} : memref<16x2048xf32, #tpu.memory_space<vmem>>, vector<1x16xf32>,
        %get3A_123 = vector.shape_cast %get3A_122 : vector<1x16xf32> to vector<16xf32>
        %get3A_124 = arith.constant 7 : i32
        %get3A_125 = arith.index_cast %get3A_124 : i32 to index
        %get3A_126 = arith.index_cast %mul3A_69 : i32 to index
        %get3A_127 = tpu.vector_load %arg6[%get3A_125, %get3A_126] {strides = array<i32>} : memref<16x2048xf32, #tpu.memory_space<vmem>>, vector<1x16xf32>,
        %get3A_128 = vector.shape_cast %get3A_127 : vector<1x16xf32> to vector<16xf32>
        %add3A_129 = arith.addf %get3A_123, %get3A_128 : vector<16xf32>
        %swap3A_130 = arith.constant 3 : i32
        %swap3A_131 = arith.index_cast %swap3A_130 : i32 to index
        %swap3A_132 = arith.index_cast %mul3A_69 : i32 to index
        %swap3A_133 = tpu.vector_load %arg8[%swap3A_131, %swap3A_132] {strides = array<i32>} : memref<8x2048xf32, #tpu.memory_space<vmem>>, vector<1x16xf32>,
        %swap3A_134 = vector.shape_cast %swap3A_133 : vector<1x16xf32> to vector<16xf32>
        %swap3A_135 = vector.shape_cast %add3A_129 : vector<16xf32> to vector<1x16xf32>
        tpu.vector_store %arg8[%swap3A_131, %swap3A_132], %swap3A_135 {strides = array<i32>} : memref<8x2048xf32, #tpu.memory_space<vmem>>, vector<1x16xf32>,
        %get3A_136 = arith.constant 8 : i32
        %get3A_137 = arith.index_cast %get3A_136 : i32 to index
        %get3A_138 = arith.index_cast %mul3A_69 : i32 to index
        %get3A_139 = tpu.vector_load %arg6[%get3A_137, %get3A_138] {strides = array<i32>} : memref<16x2048xf32, #tpu.memory_space<vmem>>, vector<1x16xf32>,
        %get3A_140 = vector.shape_cast %get3A_139 : vector<1x16xf32> to vector<16xf32>
        %get3A_141 = arith.constant 9 : i32
        %get3A_142 = arith.index_cast %get3A_141 : i32 to index
        %get3A_143 = arith.index_cast %mul3A_69 : i32 to index
        %get3A_144 = tpu.vector_load %arg6[%get3A_142, %get3A_143] {strides = array<i32>} : memref<16x2048xf32, #tpu.memory_space<vmem>>, vector<1x16xf32>,
        %get3A_145 = vector.shape_cast %get3A_144 : vector<1x16xf32> to vector<16xf32>
        %add3A_146 = arith.addf %get3A_140, %get3A_145 : vector<16xf32>
        %swap3A_147 = arith.constant 4 : i32
        %swap3A_148 = arith.index_cast %swap3A_147 : i32 to index
        %swap3A_149 = arith.index_cast %mul3A_69 : i32 to index
        %swap3A_150 = tpu.vector_load %arg8[%swap3A_148, %swap3A_149] {strides = array<i32>} : memref<8x2048xf32, #tpu.memory_space<vmem>>, vector<1x16xf32>,
        %swap3A_151 = vector.shape_cast %swap3A_150 : vector<1x16xf32> to vector<16xf32>
        %swap3A_152 = vector.shape_cast %add3A_146 : vector<16xf32> to vector<1x16xf32>
        tpu.vector_store %arg8[%swap3A_148, %swap3A_149], %swap3A_152 {strides = array<i32>} : memref<8x2048xf32, #tpu.memory_space<vmem>>, vector<1x16xf32>,
        %get3A_153 = arith.constant 10 : i32
        %get3A_154 = arith.index_cast %get3A_153 : i32 to index
        %get3A_155 = arith.index_cast %mul3A_69 : i32 to index
        %get3A_156 = tpu.vector_load %arg6[%get3A_154, %get3A_155] {strides = array<i32>} : memref<16x2048xf32, #tpu.memory_space<vmem>>, vector<1x16xf32>,
        %get3A_157 = vector.shape_cast %get3A_156 : vector<1x16xf32> to vector<16xf32>
        %get3A_158 = arith.constant 11 : i32
        %get3A_159 = arith.index_cast %get3A_158 : i32 to index
        %get3A_160 = arith.index_cast %mul3A_69 : i32 to index
        %get3A_161 = tpu.vector_load %arg6[%get3A_159, %get3A_160] {strides = array<i32>} : memref<16x2048xf32, #tpu.memory_space<vmem>>, vector<1x16xf32>,
        %get3A_162 = vector.shape_cast %get3A_161 : vector<1x16xf32> to vector<16xf32>
        %add3A_163 = arith.addf %get3A_157, %get3A_162 : vector<16xf32>
        %swap3A_164 = arith.constant 5 : i32
        %swap3A_165 = arith.index_cast %swap3A_164 : i32 to index
        %swap3A_166 = arith.index_cast %mul3A_69 : i32 to index
        %swap3A_167 = tpu.vector_load %arg8[%swap3A_165, %swap3A_166] {strides = array<i32>} : memref<8x2048xf32, #tpu.memory_space<vmem>>, vector<1x16xf32>,
        %swap3A_168 = vector.shape_cast %swap3A_167 : vector<1x16xf32> to vector<16xf32>
        %swap3A_169 = vector.shape_cast %add3A_163 : vector<16xf32> to vector<1x16xf32>
        tpu.vector_store %arg8[%swap3A_165, %swap3A_166], %swap3A_169 {strides = array<i32>} : memref<8x2048xf32, #tpu.memory_space<vmem>>, vector<1x16xf32>,
        %get3A_170 = arith.constant 12 : i32
        %get3A_171 = arith.index_cast %get3A_170 : i32 to index
        %get3A_172 = arith.index_cast %mul3A_69 : i32 to index
        %get3A_173 = tpu.vector_load %arg6[%get3A_171, %get3A_172] {strides = array<i32>} : memref<16x2048xf32, #tpu.memory_space<vmem>>, vector<1x16xf32>,
        %get3A_174 = vector.shape_cast %get3A_173 : vector<1x16xf32> to vector<16xf32>
        %get3A_175 = arith.constant 13 : i32
        %get3A_176 = arith.index_cast %get3A_175 : i32 to index
        %get3A_177 = arith.index_cast %mul3A_69 : i32 to index
        %get3A_178 = tpu.vector_load %arg6[%get3A_176, %get3A_177] {strides = array<i32>} : memref<16x2048xf32, #tpu.memory_space<vmem>>, vector<1x16xf32>,
        %get3A_179 = vector.shape_cast %get3A_178 : vector<1x16xf32> to vector<16xf32>
        %add3A_180 = arith.addf %get3A_174, %get3A_179 : vector<16xf32>
        %swap3A_181 = arith.constant 6 : i32
        %swap3A_182 = arith.index_cast %swap3A_181 : i32 to index
        %swap3A_183 = arith.index_cast %mul3A_69 : i32 to index
        %swap3A_184 = tpu.vector_load %arg8[%swap3A_182, %swap3A_183] {strides = array<i32>} : memref<8x2048xf32, #tpu.memory_space<vmem>>, vector<1x16xf32>,
        %swap3A_185 = vector.shape_cast %swap3A_184 : vector<1x16xf32> to vector<16xf32>
        %swap3A_186 = vector.shape_cast %add3A_180 : vector<16xf32> to vector<1x16xf32>
        tpu.vector_store %arg8[%swap3A_182, %swap3A_183], %swap3A_186 {strides = array<i32>} : memref<8x2048xf32, #tpu.memory_space<vmem>>, vector<1x16xf32>,
        %get3A_187 = arith.constant 14 : i32
        %get3A_188 = arith.index_cast %get3A_187 : i32 to index
        %get3A_189 = arith.index_cast %mul3A_69 : i32 to index
        %get3A_190 = tpu.vector_load %arg6[%get3A_188, %get3A_189] {strides = array<i32>} : memref<16x2048xf32, #tpu.memory_space<vmem>>, vector<1x16xf32>,
        %get3A_191 = vector.shape_cast %get3A_190 : vector<1x16xf32> to vector<16xf32>
        %get3A_192 = arith.constant 15 : i32
        %get3A_193 = arith.index_cast %get3A_192 : i32 to index
        %get3A_194 = arith.index_cast %mul3A_69 : i32 to index
        %get3A_195 = tpu.vector_load %arg6[%get3A_193, %get3A_194] {strides = array<i32>} : memref<16x2048xf32, #tpu.memory_space<vmem>>, vector<1x16xf32>,
        %get3A_196 = vector.shape_cast %get3A_195 : vector<1x16xf32> to vector<16xf32>
        %add3A_197 = arith.addf %get3A_191, %get3A_196 : vector<16xf32>
        %swap3A_198 = arith.constant 7 : i32
        %swap3A_199 = arith.index_cast %swap3A_198 : i32 to index
        %swap3A_200 = arith.index_cast %mul3A_69 : i32 to index
        %swap3A_201 = tpu.vector_load %arg8[%swap3A_199, %swap3A_200] {strides = array<i32>} : memref<8x2048xf32, #tpu.memory_space<vmem>>, vector<1x16xf32>,
        %swap3A_202 = vector.shape_cast %swap3A_201 : vector<1x16xf32> to vector<16xf32>
        %swap3A_203 = vector.shape_cast %add3A_197 : vector<16xf32> to vector<1x16xf32>
        tpu.vector_store %arg8[%swap3A_199, %swap3A_200], %swap3A_203 {strides = array<i32>} : memref<8x2048xf32, #tpu.memory_space<vmem>>, vector<1x16xf32>,
      }
      %scan3A_35 = arith.constant 128 : i32
      %mul3A_36 = arith.constant 8 : i32
      %mul3A_37 = arith.muli %add3A_18, %mul3A_36 : i32
      %add3A_38 = arith.addi %mul3A_2, %mul3A_37 : i32
      "tpu.region"() ({
        %run_scoped3A = tpu.sem_alloc : memref<!tpu.dma_semaphore, #tpu.memory_space<semaphore_mem>>
        %dma_start3A_67 = arith.constant 0 : i32
        %dma_start3A_68 = tpu.memref_slice %arg4[%add3A_38, %dma_start3A_67] : memref<2048x2048xf32, #tpu.memory_space<hbm>> -> memref<8x2048xf32, #tpu.memory_space<hbm>>
        %dma_start3A_69 = arith.constant 0 : i32
        %dma_start3A_70 = tpu.memref_slice %arg4[%add3A_38, %dma_start3A_69] : memref<2048x2048xf32, #tpu.memory_space<hbm>> -> memref<8x2048xf32, #tpu.memory_space<hbm>>
        tpu.enqueue_dma source(%arg8 : memref<8x2048xf32, #tpu.memory_space<vmem>>) target(%dma_start3A_70 : memref<8x2048xf32, #tpu.memory_space<hbm>>) target_semaphore(%run_scoped3A : memref<!tpu.dma_semaphore, #tpu.memory_space<semaphore_mem>>)
        %dma_wait3A_71 = arith.constant 0 : i32
        %dma_wait3A_72 = tpu.memref_slice %arg4[%add3A_38, %dma_wait3A_71] : memref<2048x2048xf32, #tpu.memory_space<hbm>> -> memref<8x2048xf32, #tpu.memory_space<hbm>>
        %dma_wait3A_73 = arith.constant 0 : i32
        %dma_wait3A_74 = tpu.memref_slice %arg4[%add3A_38, %dma_wait3A_73] : memref<2048x2048xf32, #tpu.memory_space<hbm>> -> memref<8x2048xf32, #tpu.memory_space<hbm>>
        tpu.wait_dma2 semaphore(%run_scoped3A : memref<!tpu.dma_semaphore, #tpu.memory_space<semaphore_mem>>) src(%arg8 : memref<8x2048xf32, #tpu.memory_space<vmem>>) dst(%dma_wait3A_74 : memref<8x2048xf32, #tpu.memory_space<hbm>>)
        tpu.yield
      }) : () -> ()
      %mul3A_39 = arith.constant 2 : i32
      %mul3A_40 = arith.muli %mul3A_39, %scan3A_14 : i32
      %add3A_41 = arith.constant 1 : i32
      %add3A_42 = arith.addi %mul3A_40, %add3A_41 : i32
      %add3A_43 = arith.constant 1 : i32
      %add3A_44 = arith.addi %add3A_42, %add3A_43 : i32
      %lt3A_45 = arith.constant 8 : i32
      %lt3A_46 = arith.cmpi slt, %add3A_44, %lt3A_45 : i32
      %convert_element_type3A_47 = arith.extui %lt3A_46 : i1 to i32
      %cond3A_48 = arith.constant 0 : i32
      %cond3A_49 = arith.cmpi ne, %convert_element_type3A_47, %cond3A_48 : i32
      scf.if %cond3A_49 {
        %add3A_67 = arith.constant 1 : i32
        %add3A_68 = arith.addi %add3A_42, %add3A_67 : i32
        %mul3A_69 = arith.constant 8 : i32
        %mul3A_70 = arith.muli %add3A_68, %mul3A_69 : i32
        %mul3A_71 = arith.constant 2 : i32
        %mul3A_72 = arith.muli %mul3A_70, %mul3A_71 : i32
        %dma_start3A_73 = tpu.memref_slice %arg5[%mul3A_72] : memref<128xi32, #tpu.memory_space<vmem>> -> memref<16xi32, #tpu.memory_space<vmem>>
        %dma_start3A_74 = arith.constant 0 : i32
        %dma_start3A_75 = arith.constant 0 : i32
        %dma_start3A_76 = tpu.memref_slice %arg2[%dma_start3A_74, %dma_start3A_75] : memref<8448x2048xf32, #tpu.memory_space<hbm>> -> memref<8448x2048xf32, #tpu.memory_space<hbm>>
        tpu.enqueue_indirect_dma source(%dma_start3A_76 : memref<8448x2048xf32, #tpu.memory_space<hbm>>) target(%arg6 : memref<16x2048xf32, #tpu.memory_space<vmem>>) offsets(%dma_start3A_73 : memref<16xi32, #tpu.memory_space<vmem>>) semaphore(%arg9 : memref<!tpu.dma_semaphore, #tpu.memory_space<semaphore_mem>>)
      } else {
      }
      %mul3A_50 = arith.constant 8 : i32
      %mul3A_51 = arith.muli %add3A_42, %mul3A_50 : i32
      %mul3A_52 = arith.constant 2 : i32
      %mul3A_53 = arith.muli %mul3A_51, %mul3A_52 : i32
      %dma_wait3A_54 = tpu.memref_slice %arg5[%mul3A_53] : memref<128xi32, #tpu.memory_space<vmem>> -> memref<16xi32, #tpu.memory_space<vmem>>
      %dma_wait3A_55 = arith.constant 0 : i32
      %dma_wait3A_56 = arith.constant 0 : i32
      %dma_wait3A_57 = tpu.memref_slice %arg2[%dma_wait3A_55, %dma_wait3A_56] : memref<8448x2048xf32, #tpu.memory_space<hbm>> -> memref<8448x2048xf32, #tpu.memory_space<hbm>>
      tpu.wait_indirect_dma semaphore(%arg10 : memref<!tpu.dma_semaphore, #tpu.memory_space<semaphore_mem>>) src(%dma_wait3A_57 : memref<8448x2048xf32, #tpu.memory_space<hbm>>) dst(%arg7 : memref<16x2048xf32, #tpu.memory_space<vmem>>)
      %scan3A_58 = arith.constant 0 : i32
      %scan3A_59 = arith.constant 0 : i32
      %scan3A_60 = arith.constant 128 : i32
      %scan3A_61 = arith.addi %scan3A_59, %scan3A_60 : i32
      %scan3A_62 = arith.constant 1 : i32
      scf.for %scan3A_67 = %scan3A_59 to %scan3A_61 step %scan3A_62  : i32 {
        %mul3A_68 = arith.constant 16 : i32
        %mul3A_69 = arith.muli %scan3A_67, %mul3A_68 : i32
        %get3A = arith.constant 0 : i32
        %get3A_70 = arith.index_cast %get3A : i32 to index
        %get3A_71 = arith.index_cast %mul3A_69 : i32 to index
        %get3A_72 = tpu.vector_load %arg7[%get3A_70, %get3A_71] {strides = array<i32>} : memref<16x2048xf32, #tpu.memory_space<vmem>>, vector<1x16xf32>,
        %get3A_73 = vector.shape_cast %get3A_72 : vector<1x16xf32> to vector<16xf32>
        %get3A_74 = arith.constant 1 : i32
        %get3A_75 = arith.index_cast %get3A_74 : i32 to index
        %get3A_76 = arith.index_cast %mul3A_69 : i32 to index
        %get3A_77 = tpu.vector_load %arg7[%get3A_75, %get3A_76] {strides = array<i32>} : memref<16x2048xf32, #tpu.memory_space<vmem>>, vector<1x16xf32>,
        %get3A_78 = vector.shape_cast %get3A_77 : vector<1x16xf32> to vector<16xf32>
        %add3A_79 = arith.addf %get3A_73, %get3A_78 : vector<16xf32>
        %swap3A = arith.constant 0 : i32
        %swap3A_80 = arith.index_cast %swap3A : i32 to index
        %swap3A_81 = arith.index_cast %mul3A_69 : i32 to index
        %swap3A_82 = tpu.vector_load %arg8[%swap3A_80, %swap3A_81] {strides = array<i32>} : memref<8x2048xf32, #tpu.memory_space<vmem>>, vector<1x16xf32>,
        %swap3A_83 = vector.shape_cast %swap3A_82 : vector<1x16xf32> to vector<16xf32>
        %swap3A_84 = vector.shape_cast %add3A_79 : vector<16xf32> to vector<1x16xf32>
        tpu.vector_store %arg8[%swap3A_80, %swap3A_81], %swap3A_84 {strides = array<i32>} : memref<8x2048xf32, #tpu.memory_space<vmem>>, vector<1x16xf32>,
        %get3A_85 = arith.constant 2 : i32
        %get3A_86 = arith.index_cast %get3A_85 : i32 to index
        %get3A_87 = arith.index_cast %mul3A_69 : i32 to index
        %get3A_88 = tpu.vector_load %arg7[%get3A_86, %get3A_87] {strides = array<i32>} : memref<16x2048xf32, #tpu.memory_space<vmem>>, vector<1x16xf32>,
        %get3A_89 = vector.shape_cast %get3A_88 : vector<1x16xf32> to vector<16xf32>
        %get3A_90 = arith.constant 3 : i32
        %get3A_91 = arith.index_cast %get3A_90 : i32 to index
        %get3A_92 = arith.index_cast %mul3A_69 : i32 to index
        %get3A_93 = tpu.vector_load %arg7[%get3A_91, %get3A_92] {strides = array<i32>} : memref<16x2048xf32, #tpu.memory_space<vmem>>, vector<1x16xf32>,
        %get3A_94 = vector.shape_cast %get3A_93 : vector<1x16xf32> to vector<16xf32>
        %add3A_95 = arith.addf %get3A_89, %get3A_94 : vector<16xf32>
        %swap3A_96 = arith.constant 1 : i32
        %swap3A_97 = arith.index_cast %swap3A_96 : i32 to index
        %swap3A_98 = arith.index_cast %mul3A_69 : i32 to index
        %swap3A_99 = tpu.vector_load %arg8[%swap3A_97, %swap3A_98] {strides = array<i32>} : memref<8x2048xf32, #tpu.memory_space<vmem>>, vector<1x16xf32>,
        %swap3A_100 = vector.shape_cast %swap3A_99 : vector<1x16xf32> to vector<16xf32>
        %swap3A_101 = vector.shape_cast %add3A_95 : vector<16xf32> to vector<1x16xf32>
        tpu.vector_store %arg8[%swap3A_97, %swap3A_98], %swap3A_101 {strides = array<i32>} : memref<8x2048xf32, #tpu.memory_space<vmem>>, vector<1x16xf32>,
        %get3A_102 = arith.constant 4 : i32
        %get3A_103 = arith.index_cast %get3A_102 : i32 to index
        %get3A_104 = arith.index_cast %mul3A_69 : i32 to index
        %get3A_105 = tpu.vector_load %arg7[%get3A_103, %get3A_104] {strides = array<i32>} : memref<16x2048xf32, #tpu.memory_space<vmem>>, vector<1x16xf32>,
        %get3A_106 = vector.shape_cast %get3A_105 : vector<1x16xf32> to vector<16xf32>
        %get3A_107 = arith.constant 5 : i32
        %get3A_108 = arith.index_cast %get3A_107 : i32 to index
        %get3A_109 = arith.index_cast %mul3A_69 : i32 to index
        %get3A_110 = tpu.vector_load %arg7[%get3A_108, %get3A_109] {strides = array<i32>} : memref<16x2048xf32, #tpu.memory_space<vmem>>, vector<1x16xf32>,
        %get3A_111 = vector.shape_cast %get3A_110 : vector<1x16xf32> to vector<16xf32>
        %add3A_112 = arith.addf %get3A_106, %get3A_111 : vector<16xf32>
        %swap3A_113 = arith.constant 2 : i32
        %swap3A_114 = arith.index_cast %swap3A_113 : i32 to index
        %swap3A_115 = arith.index_cast %mul3A_69 : i32 to index
        %swap3A_116 = tpu.vector_load %arg8[%swap3A_114, %swap3A_115] {strides = array<i32>} : memref<8x2048xf32, #tpu.memory_space<vmem>>, vector<1x16xf32>,
        %swap3A_117 = vector.shape_cast %swap3A_116 : vector<1x16xf32> to vector<16xf32>
        %swap3A_118 = vector.shape_cast %add3A_112 : vector<16xf32> to vector<1x16xf32>
        tpu.vector_store %arg8[%swap3A_114, %swap3A_115], %swap3A_118 {strides = array<i32>} : memref<8x2048xf32, #tpu.memory_space<vmem>>, vector<1x16xf32>,
        %get3A_119 = arith.constant 6 : i32
        %get3A_120 = arith.index_cast %get3A_119 : i32 to index
        %get3A_121 = arith.index_cast %mul3A_69 : i32 to index
        %get3A_122 = tpu.vector_load %arg7[%get3A_120, %get3A_121] {strides = array<i32>} : memref<16x2048xf32, #tpu.memory_space<vmem>>, vector<1x16xf32>,
        %get3A_123 = vector.shape_cast %get3A_122 : vector<1x16xf32> to vector<16xf32>
        %get3A_124 = arith.constant 7 : i32
        %get3A_125 = arith.index_cast %get3A_124 : i32 to index
        %get3A_126 = arith.index_cast %mul3A_69 : i32 to index
        %get3A_127 = tpu.vector_load %arg7[%get3A_125, %get3A_126] {strides = array<i32>} : memref<16x2048xf32, #tpu.memory_space<vmem>>, vector<1x16xf32>,
        %get3A_128 = vector.shape_cast %get3A_127 : vector<1x16xf32> to vector<16xf32>
        %add3A_129 = arith.addf %get3A_123, %get3A_128 : vector<16xf32>
        %swap3A_130 = arith.constant 3 : i32
        %swap3A_131 = arith.index_cast %swap3A_130 : i32 to index
        %swap3A_132 = arith.index_cast %mul3A_69 : i32 to index
        %swap3A_133 = tpu.vector_load %arg8[%swap3A_131, %swap3A_132] {strides = array<i32>} : memref<8x2048xf32, #tpu.memory_space<vmem>>, vector<1x16xf32>,
        %swap3A_134 = vector.shape_cast %swap3A_133 : vector<1x16xf32> to vector<16xf32>
        %swap3A_135 = vector.shape_cast %add3A_129 : vector<16xf32> to vector<1x16xf32>
        tpu.vector_store %arg8[%swap3A_131, %swap3A_132], %swap3A_135 {strides = array<i32>} : memref<8x2048xf32, #tpu.memory_space<vmem>>, vector<1x16xf32>,
        %get3A_136 = arith.constant 8 : i32
        %get3A_137 = arith.index_cast %get3A_136 : i32 to index
        %get3A_138 = arith.index_cast %mul3A_69 : i32 to index
        %get3A_139 = tpu.vector_load %arg7[%get3A_137, %get3A_138] {strides = array<i32>} : memref<16x2048xf32, #tpu.memory_space<vmem>>, vector<1x16xf32>,
        %get3A_140 = vector.shape_cast %get3A_139 : vector<1x16xf32> to vector<16xf32>
        %get3A_141 = arith.constant 9 : i32
        %get3A_142 = arith.index_cast %get3A_141 : i32 to index
        %get3A_143 = arith.index_cast %mul3A_69 : i32 to index
        %get3A_144 = tpu.vector_load %arg7[%get3A_142, %get3A_143] {strides = array<i32>} : memref<16x2048xf32, #tpu.memory_space<vmem>>, vector<1x16xf32>,
        %get3A_145 = vector.shape_cast %get3A_144 : vector<1x16xf32> to vector<16xf32>
        %add3A_146 = arith.addf %get3A_140, %get3A_145 : vector<16xf32>
        %swap3A_147 = arith.constant 4 : i32
        %swap3A_148 = arith.index_cast %swap3A_147 : i32 to index
        %swap3A_149 = arith.index_cast %mul3A_69 : i32 to index
        %swap3A_150 = tpu.vector_load %arg8[%swap3A_148, %swap3A_149] {strides = array<i32>} : memref<8x2048xf32, #tpu.memory_space<vmem>>, vector<1x16xf32>,
        %swap3A_151 = vector.shape_cast %swap3A_150 : vector<1x16xf32> to vector<16xf32>
        %swap3A_152 = vector.shape_cast %add3A_146 : vector<16xf32> to vector<1x16xf32>
        tpu.vector_store %arg8[%swap3A_148, %swap3A_149], %swap3A_152 {strides = array<i32>} : memref<8x2048xf32, #tpu.memory_space<vmem>>, vector<1x16xf32>,
        %get3A_153 = arith.constant 10 : i32
        %get3A_154 = arith.index_cast %get3A_153 : i32 to index
        %get3A_155 = arith.index_cast %mul3A_69 : i32 to index
        %get3A_156 = tpu.vector_load %arg7[%get3A_154, %get3A_155] {strides = array<i32>} : memref<16x2048xf32, #tpu.memory_space<vmem>>, vector<1x16xf32>,
        %get3A_157 = vector.shape_cast %get3A_156 : vector<1x16xf32> to vector<16xf32>
        %get3A_158 = arith.constant 11 : i32
        %get3A_159 = arith.index_cast %get3A_158 : i32 to index
        %get3A_160 = arith.index_cast %mul3A_69 : i32 to index
        %get3A_161 = tpu.vector_load %arg7[%get3A_159, %get3A_160] {strides = array<i32>} : memref<16x2048xf32, #tpu.memory_space<vmem>>, vector<1x16xf32>,
        %get3A_162 = vector.shape_cast %get3A_161 : vector<1x16xf32> to vector<16xf32>
        %add3A_163 = arith.addf %get3A_157, %get3A_162 : vector<16xf32>
        %swap3A_164 = arith.constant 5 : i32
        %swap3A_165 = arith.index_cast %swap3A_164 : i32 to index
        %swap3A_166 = arith.index_cast %mul3A_69 : i32 to index
        %swap3A_167 = tpu.vector_load %arg8[%swap3A_165, %swap3A_166] {strides = array<i32>} : memref<8x2048xf32, #tpu.memory_space<vmem>>, vector<1x16xf32>,
        %swap3A_168 = vector.shape_cast %swap3A_167 : vector<1x16xf32> to vector<16xf32>
        %swap3A_169 = vector.shape_cast %add3A_163 : vector<16xf32> to vector<1x16xf32>
        tpu.vector_store %arg8[%swap3A_165, %swap3A_166], %swap3A_169 {strides = array<i32>} : memref<8x2048xf32, #tpu.memory_space<vmem>>, vector<1x16xf32>,
        %get3A_170 = arith.constant 12 : i32
        %get3A_171 = arith.index_cast %get3A_170 : i32 to index
        %get3A_172 = arith.index_cast %mul3A_69 : i32 to index
        %get3A_173 = tpu.vector_load %arg7[%get3A_171, %get3A_172] {strides = array<i32>} : memref<16x2048xf32, #tpu.memory_space<vmem>>, vector<1x16xf32>,
        %get3A_174 = vector.shape_cast %get3A_173 : vector<1x16xf32> to vector<16xf32>
        %get3A_175 = arith.constant 13 : i32
        %get3A_176 = arith.index_cast %get3A_175 : i32 to index
        %get3A_177 = arith.index_cast %mul3A_69 : i32 to index
        %get3A_178 = tpu.vector_load %arg7[%get3A_176, %get3A_177] {strides = array<i32>} : memref<16x2048xf32, #tpu.memory_space<vmem>>, vector<1x16xf32>,
        %get3A_179 = vector.shape_cast %get3A_178 : vector<1x16xf32> to vector<16xf32>
        %add3A_180 = arith.addf %get3A_174, %get3A_179 : vector<16xf32>
        %swap3A_181 = arith.constant 6 : i32
        %swap3A_182 = arith.index_cast %swap3A_181 : i32 to index
        %swap3A_183 = arith.index_cast %mul3A_69 : i32 to index
        %swap3A_184 = tpu.vector_load %arg8[%swap3A_182, %swap3A_183] {strides = array<i32>} : memref<8x2048xf32, #tpu.memory_space<vmem>>, vector<1x16xf32>,
        %swap3A_185 = vector.shape_cast %swap3A_184 : vector<1x16xf32> to vector<16xf32>
        %swap3A_186 = vector.shape_cast %add3A_180 : vector<16xf32> to vector<1x16xf32>
        tpu.vector_store %arg8[%swap3A_182, %swap3A_183], %swap3A_186 {strides = array<i32>} : memref<8x2048xf32, #tpu.memory_space<vmem>>, vector<1x16xf32>,
        %get3A_187 = arith.constant 14 : i32
        %get3A_188 = arith.index_cast %get3A_187 : i32 to index
        %get3A_189 = arith.index_cast %mul3A_69 : i32 to index
        %get3A_190 = tpu.vector_load %arg7[%get3A_188, %get3A_189] {strides = array<i32>} : memref<16x2048xf32, #tpu.memory_space<vmem>>, vector<1x16xf32>,
        %get3A_191 = vector.shape_cast %get3A_190 : vector<1x16xf32> to vector<16xf32>
        %get3A_192 = arith.constant 15 : i32
        %get3A_193 = arith.index_cast %get3A_192 : i32 to index
        %get3A_194 = arith.index_cast %mul3A_69 : i32 to index
        %get3A_195 = tpu.vector_load %arg7[%get3A_193, %get3A_194] {strides = array<i32>} : memref<16x2048xf32, #tpu.memory_space<vmem>>, vector<1x16xf32>,
        %get3A_196 = vector.shape_cast %get3A_195 : vector<1x16xf32> to vector<16xf32>
        %add3A_197 = arith.addf %get3A_191, %get3A_196 : vector<16xf32>
        %swap3A_198 = arith.constant 7 : i32
        %swap3A_199 = arith.index_cast %swap3A_198 : i32 to index
        %swap3A_200 = arith.index_cast %mul3A_69 : i32 to index
        %swap3A_201 = tpu.vector_load %arg8[%swap3A_199, %swap3A_200] {strides = array<i32>} : memref<8x2048xf32, #tpu.memory_space<vmem>>, vector<1x16xf32>,
        %swap3A_202 = vector.shape_cast %swap3A_201 : vector<1x16xf32> to vector<16xf32>
        %swap3A_203 = vector.shape_cast %add3A_197 : vector<16xf32> to vector<1x16xf32>
        tpu.vector_store %arg8[%swap3A_199, %swap3A_200], %swap3A_203 {strides = array<i32>} : memref<8x2048xf32, #tpu.memory_space<vmem>>, vector<1x16xf32>,
      }
      %scan3A_63 = arith.constant 128 : i32
      %mul3A_64 = arith.constant 8 : i32
      %mul3A_65 = arith.muli %add3A_42, %mul3A_64 : i32
      %add3A_66 = arith.addi %mul3A_2, %mul3A_65 : i32
      "tpu.region"() ({
        %run_scoped3A = tpu.sem_alloc : memref<!tpu.dma_semaphore, #tpu.memory_space<semaphore_mem>>
        %dma_start3A_67 = arith.constant 0 : i32
        %dma_start3A_68 = tpu.memref_slice %arg4[%add3A_66, %dma_start3A_67] : memref<2048x2048xf32, #tpu.memory_space<hbm>> -> memref<8x2048xf32, #tpu.memory_space<hbm>>
        %dma_start3A_69 = arith.constant 0 : i32
        %dma_start3A_70 = tpu.memref_slice %arg4[%add3A_66, %dma_start3A_69] : memref<2048x2048xf32, #tpu.memory_space<hbm>> -> memref<8x2048xf32, #tpu.memory_space<hbm>>
        tpu.enqueue_dma source(%arg8 : memref<8x2048xf32, #tpu.memory_space<vmem>>) target(%dma_start3A_70 : memref<8x2048xf32, #tpu.memory_space<hbm>>) target_semaphore(%run_scoped3A : memref<!tpu.dma_semaphore, #tpu.memory_space<semaphore_mem>>)
        %dma_wait3A_71 = arith.constant 0 : i32
        %dma_wait3A_72 = tpu.memref_slice %arg4[%add3A_66, %dma_wait3A_71] : memref<2048x2048xf32, #tpu.memory_space<hbm>> -> memref<8x2048xf32, #tpu.memory_space<hbm>>
        %dma_wait3A_73 = arith.constant 0 : i32
        %dma_wait3A_74 = tpu.memref_slice %arg4[%add3A_66, %dma_wait3A_73] : memref<2048x2048xf32, #tpu.memory_space<hbm>> -> memref<8x2048xf32, #tpu.memory_space<hbm>>
        tpu.wait_dma2 semaphore(%run_scoped3A : memref<!tpu.dma_semaphore, #tpu.memory_space<semaphore_mem>>) src(%arg8 : memref<8x2048xf32, #tpu.memory_space<vmem>>) dst(%dma_wait3A_74 : memref<8x2048xf32, #tpu.memory_space<hbm>>)
        tpu.yield
      }) : () -> ()
    }
    %scan3A_13 = arith.constant 4 : i32
    return
  }
}

#map = affine_map<(d0, d1) -> (0, 0)>
#map1 = affine_map<(d0, d1) -> (0)>
module attributes {stable_mosaic.version = 14 : i64} {
  func.func @_dispatch_body(%arg0: i32, %arg1: i32, %arg2: memref<8x2048xi32, #tpu.memory_space<hbm>>, %arg3: memref<8x2048xf32, #tpu.memory_space<hbm>>, %arg4: memref<8208xi32, #tpu.memory_space<hbm>>, %arg5: memref<8208xf32, #tpu.memory_space<hbm>>, %arg6: memref<4096xi32, #tpu.memory_space<hbm>>, %arg7: memref<16xi32, #tpu.memory_space<hbm>>, %arg8: memref<2x2048xi32, #tpu.memory_space<vmem>>, %arg9: memref<2x2048xf32, #tpu.memory_space<vmem>>, %arg10: memref<4096xi32, #tpu.memory_space<vmem>>, %arg11: memref<1024xi32, #tpu.memory_space<vmem>>, %arg12: memref<1024xf32, #tpu.memory_space<vmem>>, %arg13: memref<128xi32, #tpu.memory_space<vmem>>, %arg14: memref<128xi32, #tpu.memory_space<vmem>>, %arg15: memref<128xf32, #tpu.memory_space<vmem>>, %arg16: memref<16xi32, #tpu.memory_space<vmem>>, %arg17: memref<!tpu.dma_semaphore, #tpu.memory_space<semaphore_mem>>) attributes {dimension_semantics = [#tpu.dimension_semantics<core_parallel>, #tpu.dimension_semantics<subcore_parallel>], iteration_bounds = array<i64: 2, 16>, scalar_prefetch = 0 : i64, scratch_operands = 10 : i64, tpu.core_type = #tpu.core_type<sc_vector_subcore>, window_params = [{transform_indices = #map}, {transform_indices = #map}, {transform_indices = #map1}, {transform_indices = #map1}, {transform_indices = #map1}, {transform_indices = #map1}]} {
    %mul3A = arith.constant 2 : i32
    %mul3A_0 = arith.muli %arg1, %mul3A : i32
    %add3A = arith.addi %mul3A_0, %arg0 : i32
    %eq3A = arith.constant 0 : i32
    %eq3A_1 = arith.cmpi eq, %add3A, %eq3A : i32
    %convert_element_type3A = arith.extui %eq3A_1 : i1 to i32
    %cond3A = arith.constant 0 : i32
    %cond3A_2 = arith.cmpi ne, %convert_element_type3A, %cond3A : i32
    scf.if %cond3A_2 {
      "tpu.region"() ({
        %run_scoped3A = tpu.sem_alloc : memref<!tpu.dma_semaphore, #tpu.memory_space<semaphore_mem>>
        %dma_start3A = arith.constant 0 : i32
        %dma_start3A_74 = arith.constant 0 : i32
        %dma_start3A_75 = tpu.memref_slice %arg2[%dma_start3A, %dma_start3A_74] : memref<8x2048xi32, #tpu.memory_space<hbm>> -> memref<2x2048xi32, #tpu.memory_space<hbm>>
        %dma_start3A_76 = arith.constant 0 : i32
        %dma_start3A_77 = arith.constant 0 : i32
        %dma_start3A_78 = tpu.memref_slice %arg2[%dma_start3A_76, %dma_start3A_77] : memref<8x2048xi32, #tpu.memory_space<hbm>> -> memref<2x2048xi32, #tpu.memory_space<hbm>>
        tpu.enqueue_dma source(%dma_start3A_78 : memref<2x2048xi32, #tpu.memory_space<hbm>>) target(%arg8 : memref<2x2048xi32, #tpu.memory_space<vmem>>) target_semaphore(%run_scoped3A : memref<!tpu.dma_semaphore, #tpu.memory_space<semaphore_mem>>)
        %dma_wait3A = arith.constant 0 : i32
        %dma_wait3A_79 = arith.constant 0 : i32
        %dma_wait3A_80 = tpu.memref_slice %arg2[%dma_wait3A, %dma_wait3A_79] : memref<8x2048xi32, #tpu.memory_space<hbm>> -> memref<2x2048xi32, #tpu.memory_space<hbm>>
        %dma_wait3A_81 = arith.constant 0 : i32
        %dma_wait3A_82 = arith.constant 0 : i32
        %dma_wait3A_83 = tpu.memref_slice %arg2[%dma_wait3A_81, %dma_wait3A_82] : memref<8x2048xi32, #tpu.memory_space<hbm>> -> memref<2x2048xi32, #tpu.memory_space<hbm>>
        tpu.wait_dma2 semaphore(%run_scoped3A : memref<!tpu.dma_semaphore, #tpu.memory_space<semaphore_mem>>) src(%dma_wait3A_83 : memref<2x2048xi32, #tpu.memory_space<hbm>>) dst(%arg8 : memref<2x2048xi32, #tpu.memory_space<vmem>>)
        tpu.yield
      }) : () -> ()
      "tpu.region"() ({
        %run_scoped3A = tpu.sem_alloc : memref<!tpu.dma_semaphore, #tpu.memory_space<semaphore_mem>>
        %dma_start3A = arith.constant 0 : i32
        %dma_start3A_74 = arith.constant 0 : i32
        %dma_start3A_75 = tpu.memref_slice %arg3[%dma_start3A, %dma_start3A_74] : memref<8x2048xf32, #tpu.memory_space<hbm>> -> memref<2x2048xf32, #tpu.memory_space<hbm>>
        %dma_start3A_76 = arith.constant 0 : i32
        %dma_start3A_77 = arith.constant 0 : i32
        %dma_start3A_78 = tpu.memref_slice %arg3[%dma_start3A_76, %dma_start3A_77] : memref<8x2048xf32, #tpu.memory_space<hbm>> -> memref<2x2048xf32, #tpu.memory_space<hbm>>
        tpu.enqueue_dma source(%dma_start3A_78 : memref<2x2048xf32, #tpu.memory_space<hbm>>) target(%arg9 : memref<2x2048xf32, #tpu.memory_space<vmem>>) target_semaphore(%run_scoped3A : memref<!tpu.dma_semaphore, #tpu.memory_space<semaphore_mem>>)
        %dma_wait3A = arith.constant 0 : i32
        %dma_wait3A_79 = arith.constant 0 : i32
        %dma_wait3A_80 = tpu.memref_slice %arg3[%dma_wait3A, %dma_wait3A_79] : memref<8x2048xf32, #tpu.memory_space<hbm>> -> memref<2x2048xf32, #tpu.memory_space<hbm>>
        %dma_wait3A_81 = arith.constant 0 : i32
        %dma_wait3A_82 = arith.constant 0 : i32
        %dma_wait3A_83 = tpu.memref_slice %arg3[%dma_wait3A_81, %dma_wait3A_82] : memref<8x2048xf32, #tpu.memory_space<hbm>> -> memref<2x2048xf32, #tpu.memory_space<hbm>>
        tpu.wait_dma2 semaphore(%run_scoped3A : memref<!tpu.dma_semaphore, #tpu.memory_space<semaphore_mem>>) src(%dma_wait3A_83 : memref<2x2048xf32, #tpu.memory_space<hbm>>) dst(%arg9 : memref<2x2048xf32, #tpu.memory_space<vmem>>)
        tpu.yield
      }) : () -> ()
      %iota3A = tpu.iota {dimensions = array<i32: 0>} : vector<16xi32>
      %shift_right_arithmetic3A = arith.constant 1 : i32
      %shift_right_arithmetic3A_3 = vector.broadcast %shift_right_arithmetic3A : i32 to vector<16xi32>
      %shift_right_arithmetic3A_4 = arith.shrsi %iota3A, %shift_right_arithmetic3A_3 : vector<16xi32>
      %and3A = arith.constant 1 : i32
      %and3A_5 = vector.broadcast %and3A : i32 to vector<16xi32>
      %and3A_6 = arith.andi %iota3A, %and3A_5 : vector<16xi32>
      %eq3A_7 = arith.constant 1 : i32
      %eq3A_8 = vector.broadcast %eq3A_7 : i32 to vector<16xi32>
      %eq3A_9 = arith.cmpi eq, %and3A_6, %eq3A_8 : vector<16xi32>
      %sub3A = arith.constant 1 : i32
      %sub3A_10 = vector.broadcast %sub3A : i32 to vector<16xi32>
      %sub3A_11 = arith.subi %iota3A, %sub3A_10 : vector<16xi32>
      %max3A = arith.constant 0 : i32
      %max3A_12 = vector.broadcast %max3A : i32 to vector<16xi32>
      %max3A_13 = arith.maxsi %sub3A_11, %max3A_12 : vector<16xi32>
      %sub3A_14 = arith.constant 2 : i32
      %sub3A_15 = vector.broadcast %sub3A_14 : i32 to vector<16xi32>
      %sub3A_16 = arith.subi %iota3A, %sub3A_15 : vector<16xi32>
      %max3A_17 = arith.constant 0 : i32
      %max3A_18 = vector.broadcast %max3A_17 : i32 to vector<16xi32>
      %max3A_19 = arith.maxsi %sub3A_16, %max3A_18 : vector<16xi32>
      %sub3A_20 = arith.constant 4 : i32
      %sub3A_21 = vector.broadcast %sub3A_20 : i32 to vector<16xi32>
      %sub3A_22 = arith.subi %iota3A, %sub3A_21 : vector<16xi32>
      %max3A_23 = arith.constant 0 : i32
      %max3A_24 = vector.broadcast %max3A_23 : i32 to vector<16xi32>
      %max3A_25 = arith.maxsi %sub3A_22, %max3A_24 : vector<16xi32>
      %sub3A_26 = arith.constant 8 : i32
      %sub3A_27 = vector.broadcast %sub3A_26 : i32 to vector<16xi32>
      %sub3A_28 = arith.subi %iota3A, %sub3A_27 : vector<16xi32>
      %max3A_29 = arith.constant 0 : i32
      %max3A_30 = vector.broadcast %max3A_29 : i32 to vector<16xi32>
      %max3A_31 = arith.maxsi %sub3A_28, %max3A_30 : vector<16xi32>
      %ge3A = arith.constant 1 : i32
      %ge3A_32 = vector.broadcast %ge3A : i32 to vector<16xi32>
      %ge3A_33 = arith.cmpi sge, %iota3A, %ge3A_32 : vector<16xi32>
      %ge3A_34 = arith.constant 2 : i32
      %ge3A_35 = vector.broadcast %ge3A_34 : i32 to vector<16xi32>
      %ge3A_36 = arith.cmpi sge, %iota3A, %ge3A_35 : vector<16xi32>
      %ge3A_37 = arith.constant 4 : i32
      %ge3A_38 = vector.broadcast %ge3A_37 : i32 to vector<16xi32>
      %ge3A_39 = arith.cmpi sge, %iota3A, %ge3A_38 : vector<16xi32>
      %ge3A_40 = arith.constant 8 : i32
      %ge3A_41 = vector.broadcast %ge3A_40 : i32 to vector<16xi32>
      %ge3A_42 = arith.cmpi sge, %iota3A, %ge3A_41 : vector<16xi32>
      %broadcast_in_dim3A = arith.constant 15 : i32
      %broadcast_in_dim3A_43 = vector.broadcast %broadcast_in_dim3A : i32 to vector<16xi32>
      %scan3A = arith.constant 0 : i32
      %scan3A_44 = arith.constant 0 : i32
      %scan3A_45 = arith.constant 64 : i32
      %scan3A_46 = arith.addi %scan3A_44, %scan3A_45 : i32
      %scan3A_47 = arith.constant 1 : i32
      scf.for %scan3A_74 = %scan3A_44 to %scan3A_46 step %scan3A_47  : i32 {
        %broadcast_in_dim3A_75 = arith.constant 0 : i32
        %broadcast_in_dim3A_76 = vector.broadcast %broadcast_in_dim3A_75 : i32 to vector<16xi32>
        %mul3A_77 = arith.constant 16 : i32
        %mul3A_78 = arith.muli %scan3A_74, %mul3A_77 : i32
        %swap3A_79 = arith.index_cast %mul3A_78 : i32 to index
        %swap3A_80 = tpu.vector_load %arg11[%swap3A_79] {strides = array<i32>} : memref<1024xi32, #tpu.memory_space<vmem>>, vector<16xi32>,
        %swap3A_81 = vector.shape_cast %swap3A_80 : vector<16xi32> to vector<16xi32>
        %swap3A_82 = vector.shape_cast %broadcast_in_dim3A_76 : vector<16xi32> to vector<16xi32>
        tpu.vector_store %arg11[%swap3A_79], %swap3A_82 {strides = array<i32>} : memref<1024xi32, #tpu.memory_space<vmem>>, vector<16xi32>,
        %broadcast_in_dim3A_83 = arith.constant 0.000000e+00 : f32
        %broadcast_in_dim3A_84 = vector.broadcast %broadcast_in_dim3A_83 : f32 to vector<16xf32>
        %mul3A_85 = arith.constant 16 : i32
        %mul3A_86 = arith.muli %scan3A_74, %mul3A_85 : i32
        %swap3A_87 = arith.index_cast %mul3A_86 : i32 to index
        %swap3A_88 = tpu.vector_load %arg12[%swap3A_87] {strides = array<i32>} : memref<1024xf32, #tpu.memory_space<vmem>>, vector<16xf32>,
        %swap3A_89 = vector.shape_cast %swap3A_88 : vector<16xf32> to vector<16xf32>
        %swap3A_90 = vector.shape_cast %broadcast_in_dim3A_84 : vector<16xf32> to vector<16xf32>
        tpu.vector_store %arg12[%swap3A_87], %swap3A_90 {strides = array<i32>} : memref<1024xf32, #tpu.memory_space<vmem>>, vector<16xf32>,
      }
      %scan3A_48 = arith.constant 64 : i32
      %scan3A_49 = arith.constant 0 : i32
      %scan3A_50 = arith.constant 0 : i32
      %scan3A_51 = arith.constant 8 : i32
      %scan3A_52 = arith.addi %scan3A_50, %scan3A_51 : i32
      %scan3A_53 = arith.constant 1 : i32
      scf.for %scan3A_74 = %scan3A_50 to %scan3A_52 step %scan3A_53  : i32 {
        %mul3A_75 = arith.constant 1024 : i32
        %mul3A_76 = arith.muli %scan3A_74, %mul3A_75 : i32
        "tpu.region"() ({
          %run_scoped3A = tpu.sem_alloc : memref<!tpu.dma_semaphore, #tpu.memory_space<semaphore_mem>>
          %dma_start3A = tpu.memref_slice %arg4[%mul3A_76] : memref<8208xi32, #tpu.memory_space<hbm>> -> memref<1024xi32, #tpu.memory_space<hbm>>
          %dma_start3A_79 = tpu.memref_slice %arg4[%mul3A_76] : memref<8208xi32, #tpu.memory_space<hbm>> -> memref<1024xi32, #tpu.memory_space<hbm>>
          tpu.enqueue_dma source(%arg11 : memref<1024xi32, #tpu.memory_space<vmem>>) target(%dma_start3A_79 : memref<1024xi32, #tpu.memory_space<hbm>>) target_semaphore(%run_scoped3A : memref<!tpu.dma_semaphore, #tpu.memory_space<semaphore_mem>>)
          %dma_wait3A = tpu.memref_slice %arg4[%mul3A_76] : memref<8208xi32, #tpu.memory_space<hbm>> -> memref<1024xi32, #tpu.memory_space<hbm>>
          %dma_wait3A_80 = tpu.memref_slice %arg4[%mul3A_76] : memref<8208xi32, #tpu.memory_space<hbm>> -> memref<1024xi32, #tpu.memory_space<hbm>>
          tpu.wait_dma2 semaphore(%run_scoped3A : memref<!tpu.dma_semaphore, #tpu.memory_space<semaphore_mem>>) src(%arg11 : memref<1024xi32, #tpu.memory_space<vmem>>) dst(%dma_wait3A_80 : memref<1024xi32, #tpu.memory_space<hbm>>)
          tpu.yield
        }) : () -> ()
        %mul3A_77 = arith.constant 1024 : i32
        %mul3A_78 = arith.muli %scan3A_74, %mul3A_77 : i32
        "tpu.region"() ({
          %run_scoped3A = tpu.sem_alloc : memref<!tpu.dma_semaphore, #tpu.memory_space<semaphore_mem>>
          %dma_start3A = tpu.memref_slice %arg5[%mul3A_78] : memref<8208xf32, #tpu.memory_space<hbm>> -> memref<1024xf32, #tpu.memory_space<hbm>>
          %dma_start3A_79 = tpu.memref_slice %arg5[%mul3A_78] : memref<8208xf32, #tpu.memory_space<hbm>> -> memref<1024xf32, #tpu.memory_space<hbm>>
          tpu.enqueue_dma source(%arg12 : memref<1024xf32, #tpu.memory_space<vmem>>) target(%dma_start3A_79 : memref<1024xf32, #tpu.memory_space<hbm>>) target_semaphore(%run_scoped3A : memref<!tpu.dma_semaphore, #tpu.memory_space<semaphore_mem>>)
          %dma_wait3A = tpu.memref_slice %arg5[%mul3A_78] : memref<8208xf32, #tpu.memory_space<hbm>> -> memref<1024xf32, #tpu.memory_space<hbm>>
          %dma_wait3A_80 = tpu.memref_slice %arg5[%mul3A_78] : memref<8208xf32, #tpu.memory_space<hbm>> -> memref<1024xf32, #tpu.memory_space<hbm>>
          tpu.wait_dma2 semaphore(%run_scoped3A : memref<!tpu.dma_semaphore, #tpu.memory_space<semaphore_mem>>) src(%arg12 : memref<1024xf32, #tpu.memory_space<vmem>>) dst(%dma_wait3A_80 : memref<1024xf32, #tpu.memory_space<hbm>>)
          tpu.yield
        }) : () -> ()
      }
      %scan3A_54 = arith.constant 8 : i32
      %broadcast_in_dim3A_55 = arith.constant 0 : i32
      %broadcast_in_dim3A_56 = vector.broadcast %broadcast_in_dim3A_55 : i32 to vector<16xi32>
      %scan3A_57 = arith.constant 0 : i32
      %scan3A_58 = arith.constant 128 : i32
      %scan3A_59 = arith.addi %scan3A_57, %scan3A_58 : i32
      %scan3A_60 = arith.constant 1 : i32
      %scan3A_61 = scf.for %scan3A_74 = %scan3A_57 to %scan3A_59 step %scan3A_60 iter_args(%scan3A_75 = %broadcast_in_dim3A_56) -> (vector<16xi32>)  : i32 {
        %mul3A_76 = arith.constant 16 : i32
        %mul3A_77 = arith.muli %scan3A_74, %mul3A_76 : i32
        %get3A = arith.constant 0 : i32
        %get3A_78 = arith.index_cast %get3A : i32 to index
        %get3A_79 = arith.index_cast %mul3A_77 : i32 to index
        %get3A_80 = tpu.vector_load %arg8[%get3A_78, %get3A_79] {strides = array<i32>} : memref<2x2048xi32, #tpu.memory_space<vmem>>, vector<1x16xi32>,
        %get3A_81 = vector.shape_cast %get3A_80 : vector<1x16xi32> to vector<16xi32>
        %mul3A_82 = arith.constant 16 : i32
        %mul3A_83 = arith.muli %scan3A_74, %mul3A_82 : i32
        %get3A_84 = arith.constant 1 : i32
        %get3A_85 = arith.index_cast %get3A_84 : i32 to index
        %get3A_86 = arith.index_cast %mul3A_83 : i32 to index
        %get3A_87 = tpu.vector_load %arg8[%get3A_85, %get3A_86] {strides = array<i32>} : memref<2x2048xi32, #tpu.memory_space<vmem>>, vector<1x16xi32>,
        %get3A_88 = vector.shape_cast %get3A_87 : vector<1x16xi32> to vector<16xi32>
        %mul3A_89 = arith.constant 16 : i32
        %mul3A_90 = arith.muli %scan3A_74, %mul3A_89 : i32
        %get3A_91 = arith.constant 0 : i32
        %get3A_92 = arith.index_cast %get3A_91 : i32 to index
        %get3A_93 = arith.index_cast %mul3A_90 : i32 to index
        %get3A_94 = tpu.vector_load %arg9[%get3A_92, %get3A_93] {strides = array<i32>} : memref<2x2048xf32, #tpu.memory_space<vmem>>, vector<1x16xf32>,
        %get3A_95 = vector.shape_cast %get3A_94 : vector<1x16xf32> to vector<16xf32>
        %mul3A_96 = arith.constant 16 : i32
        %mul3A_97 = arith.muli %scan3A_74, %mul3A_96 : i32
        %get3A_98 = arith.constant 1 : i32
        %get3A_99 = arith.index_cast %get3A_98 : i32 to index
        %get3A_100 = arith.index_cast %mul3A_97 : i32 to index
        %get3A_101 = tpu.vector_load %arg9[%get3A_99, %get3A_100] {strides = array<i32>} : memref<2x2048xf32, #tpu.memory_space<vmem>>, vector<1x16xf32>,
        %get3A_102 = vector.shape_cast %get3A_101 : vector<1x16xf32> to vector<16xf32>
        %add3A_103 = arith.constant 0 : i32
        %add3A_104 = vector.broadcast %add3A_103 : i32 to vector<16xi32>
        %add3A_105 = arith.addi %shift_right_arithmetic3A_4, %add3A_104 : vector<16xi32>
        %broadcast_in_dim3A_106 = vector.shape_cast %add3A_105 : vector<16xi32> to vector<16x1xi32>
        %gather3A = vector.shape_cast %broadcast_in_dim3A_106 : vector<16x1xi32> to vector<16xi32>
        %gather3A_107 = tpu.dynamic_gather %get3A_88[%gather3A] in [0] : vector<16xi32>, vector<16xi32> -> vector<16xi32>
        %broadcast_in_dim3A_108 = vector.shape_cast %add3A_105 : vector<16xi32> to vector<16x1xi32>
        %gather3A_109 = vector.shape_cast %broadcast_in_dim3A_108 : vector<16x1xi32> to vector<16xi32>
        %gather3A_110 = tpu.dynamic_gather %get3A_81[%gather3A_109] in [0] : vector<16xi32>, vector<16xi32> -> vector<16xi32>
        %select_n3A = arith.select %eq3A_9, %gather3A_107, %gather3A_110 : vector<16xi1>, vector<16xi32>
        %broadcast_in_dim3A_111 = vector.shape_cast %add3A_105 : vector<16xi32> to vector<16x1xi32>
        %gather3A_112 = vector.shape_cast %broadcast_in_dim3A_111 : vector<16x1xi32> to vector<16xi32>
        %gather3A_113 = tpu.dynamic_gather %get3A_102[%gather3A_112] in [0] : vector<16xf32>, vector<16xi32> -> vector<16xf32>
        %broadcast_in_dim3A_114 = vector.shape_cast %add3A_105 : vector<16xi32> to vector<16x1xi32>
        %gather3A_115 = vector.shape_cast %broadcast_in_dim3A_114 : vector<16x1xi32> to vector<16xi32>
        %gather3A_116 = tpu.dynamic_gather %get3A_95[%gather3A_115] in [0] : vector<16xf32>, vector<16xi32> -> vector<16xf32>
        %select_n3A_117 = arith.select %eq3A_9, %gather3A_113, %gather3A_116 : vector<16xi1>, vector<16xf32>
        %mul3A_118 = arith.constant 16 : i32
        %mul3A_119 = arith.muli %scan3A_74, %mul3A_118 : i32
        %add3A_120 = arith.constant 0 : i32
        %add3A_121 = arith.addi %mul3A_119, %add3A_120 : i32
        %add3A_122 = vector.broadcast %add3A_121 : i32 to vector<16xi32>
        %add3A_123 = arith.addi %add3A_122, %shift_right_arithmetic3A_4 : vector<16xi32>
        %broadcast_in_dim3A_124 = vector.shape_cast %select_n3A : vector<16xi32> to vector<16x1xi32>
        %gather3A_125 = vector.shape_cast %broadcast_in_dim3A_124 : vector<16x1xi32> to vector<16xi32>
        %gather3A_126 = tpu.dynamic_gather %scan3A_75[%gather3A_125] in [0] : vector<16xi32>, vector<16xi32> -> vector<16xi32>
        %broadcast_in_dim3A_127 = arith.constant 0 : i32
        %broadcast_in_dim3A_128 = vector.broadcast %broadcast_in_dim3A_127 : i32 to vector<16xi32>
        %eq3A_129 = arith.constant 0 : i32
        %eq3A_130 = vector.broadcast %eq3A_129 : i32 to vector<16xi32>
        %eq3A_131 = arith.cmpi eq, %select_n3A, %eq3A_130 : vector<16xi32>
        %jit3A = arith.constant 1 : i32
        %jit3A_132 = arith.constant 0 : i32
        %broadcast_in_dim3A_133 = vector.broadcast %jit3A : i32 to vector<16xi32>
        %broadcast_in_dim3A_134 = vector.broadcast %jit3A_132 : i32 to vector<16xi32>
        %select_n3A_135 = arith.select %eq3A_131, %broadcast_in_dim3A_133, %broadcast_in_dim3A_134 : vector<16xi1>, vector<16xi32>
        %broadcast_in_dim3A_136 = vector.shape_cast %max3A_13 : vector<16xi32> to vector<16x1xi32>
        %gather3A_137 = vector.shape_cast %broadcast_in_dim3A_136 : vector<16x1xi32> to vector<16xi32>
        %gather3A_138 = tpu.dynamic_gather %select_n3A_135[%gather3A_137] in [0] : vector<16xi32>, vector<16xi32> -> vector<16xi32>
        %jit3A_139 = arith.constant 0 : i32
        %broadcast_in_dim3A_140 = vector.broadcast %jit3A_139 : i32 to vector<16xi32>
        %select_n3A_141 = arith.select %ge3A_33, %gather3A_138, %broadcast_in_dim3A_140 : vector<16xi1>, vector<16xi32>
        %add3A_142 = arith.addi %select_n3A_135, %select_n3A_141 : vector<16xi32>
        %broadcast_in_dim3A_143 = vector.shape_cast %max3A_19 : vector<16xi32> to vector<16x1xi32>
        %gather3A_144 = vector.shape_cast %broadcast_in_dim3A_143 : vector<16x1xi32> to vector<16xi32>
        %gather3A_145 = tpu.dynamic_gather %add3A_142[%gather3A_144] in [0] : vector<16xi32>, vector<16xi32> -> vector<16xi32>
        %jit3A_146 = arith.constant 0 : i32
        %broadcast_in_dim3A_147 = vector.broadcast %jit3A_146 : i32 to vector<16xi32>
        %select_n3A_148 = arith.select %ge3A_36, %gather3A_145, %broadcast_in_dim3A_147 : vector<16xi1>, vector<16xi32>
        %add3A_149 = arith.addi %add3A_142, %select_n3A_148 : vector<16xi32>
        %broadcast_in_dim3A_150 = vector.shape_cast %max3A_25 : vector<16xi32> to vector<16x1xi32>
        %gather3A_151 = vector.shape_cast %broadcast_in_dim3A_150 : vector<16x1xi32> to vector<16xi32>
        %gather3A_152 = tpu.dynamic_gather %add3A_149[%gather3A_151] in [0] : vector<16xi32>, vector<16xi32> -> vector<16xi32>
        %jit3A_153 = arith.constant 0 : i32
        %broadcast_in_dim3A_154 = vector.broadcast %jit3A_153 : i32 to vector<16xi32>
        %select_n3A_155 = arith.select %ge3A_39, %gather3A_152, %broadcast_in_dim3A_154 : vector<16xi1>, vector<16xi32>
        %add3A_156 = arith.addi %add3A_149, %select_n3A_155 : vector<16xi32>
        %broadcast_in_dim3A_157 = vector.shape_cast %max3A_31 : vector<16xi32> to vector<16x1xi32>
        %gather3A_158 = vector.shape_cast %broadcast_in_dim3A_157 : vector<16x1xi32> to vector<16xi32>
        %gather3A_159 = tpu.dynamic_gather %add3A_156[%gather3A_158] in [0] : vector<16xi32>, vector<16xi32> -> vector<16xi32>
        %jit3A_160 = arith.constant 0 : i32
        %broadcast_in_dim3A_161 = vector.broadcast %jit3A_160 : i32 to vector<16xi32>
        %select_n3A_162 = arith.select %ge3A_42, %gather3A_159, %broadcast_in_dim3A_161 : vector<16xi1>, vector<16xi32>
        %add3A_163 = arith.addi %add3A_156, %select_n3A_162 : vector<16xi32>
        %sub3A_164 = arith.constant 1 : i32
        %sub3A_165 = vector.broadcast %sub3A_164 : i32 to vector<16xi32>
        %sub3A_166 = arith.subi %add3A_163, %sub3A_165 : vector<16xi32>
        %select_n3A_167 = arith.select %eq3A_131, %sub3A_166, %broadcast_in_dim3A_128 : vector<16xi1>, vector<16xi32>
        %eq3A_168 = arith.constant 0 : i32
        %eq3A_169 = vector.broadcast %eq3A_168 : i32 to vector<16xi32>
        %eq3A_170 = arith.cmpi eq, %iota3A, %eq3A_169 : vector<16xi32>
        %broadcast_in_dim3A_171 = vector.shape_cast %broadcast_in_dim3A_43 : vector<16xi32> to vector<16x1xi32>
        %gather3A_172 = vector.shape_cast %broadcast_in_dim3A_171 : vector<16x1xi32> to vector<16xi32>
        %gather3A_173 = tpu.dynamic_gather %add3A_163[%gather3A_172] in [0] : vector<16xi32>, vector<16xi32> -> vector<16xi32>
        %jit3A_174 = arith.constant 0 : i32
        %broadcast_in_dim3A_175 = vector.broadcast %jit3A_174 : i32 to vector<16xi32>
        %select_n3A_176 = arith.select %eq3A_170, %gather3A_173, %broadcast_in_dim3A_175 : vector<16xi1>, vector<16xi32>
        %add3A_177 = arith.addi %scan3A_75, %select_n3A_176 : vector<16xi32>
        %eq3A_178 = arith.constant 1 : i32
        %eq3A_179 = vector.broadcast %eq3A_178 : i32 to vector<16xi32>
        %eq3A_180 = arith.cmpi eq, %select_n3A, %eq3A_179 : vector<16xi32>
        %jit3A_181 = arith.constant 1 : i32
        %jit3A_182 = arith.constant 0 : i32
        %broadcast_in_dim3A_183 = vector.broadcast %jit3A_181 : i32 to vector<16xi32>
        %broadcast_in_dim3A_184 = vector.broadcast %jit3A_182 : i32 to vector<16xi32>
        %select_n3A_185 = arith.select %eq3A_180, %broadcast_in_dim3A_183, %broadcast_in_dim3A_184 : vector<16xi1>, vector<16xi32>
        %broadcast_in_dim3A_186 = vector.shape_cast %max3A_13 : vector<16xi32> to vector<16x1xi32>
        %gather3A_187 = vector.shape_cast %broadcast_in_dim3A_186 : vector<16x1xi32> to vector<16xi32>
        %gather3A_188 = tpu.dynamic_gather %select_n3A_185[%gather3A_187] in [0] : vector<16xi32>, vector<16xi32> -> vector<16xi32>
        %jit3A_189 = arith.constant 0 : i32
        %broadcast_in_dim3A_190 = vector.broadcast %jit3A_189 : i32 to vector<16xi32>
        %select_n3A_191 = arith.select %ge3A_33, %gather3A_188, %broadcast_in_dim3A_190 : vector<16xi1>, vector<16xi32>
        %add3A_192 = arith.addi %select_n3A_185, %select_n3A_191 : vector<16xi32>
        %broadcast_in_dim3A_193 = vector.shape_cast %max3A_19 : vector<16xi32> to vector<16x1xi32>
        %gather3A_194 = vector.shape_cast %broadcast_in_dim3A_193 : vector<16x1xi32> to vector<16xi32>
        %gather3A_195 = tpu.dynamic_gather %add3A_192[%gather3A_194] in [0] : vector<16xi32>, vector<16xi32> -> vector<16xi32>
        %jit3A_196 = arith.constant 0 : i32
        %broadcast_in_dim3A_197 = vector.broadcast %jit3A_196 : i32 to vector<16xi32>
        %select_n3A_198 = arith.select %ge3A_36, %gather3A_195, %broadcast_in_dim3A_197 : vector<16xi1>, vector<16xi32>
        %add3A_199 = arith.addi %add3A_192, %select_n3A_198 : vector<16xi32>
        %broadcast_in_dim3A_200 = vector.shape_cast %max3A_25 : vector<16xi32> to vector<16x1xi32>
        %gather3A_201 = vector.shape_cast %broadcast_in_dim3A_200 : vector<16x1xi32> to vector<16xi32>
        %gather3A_202 = tpu.dynamic_gather %add3A_199[%gather3A_201] in [0] : vector<16xi32>, vector<16xi32> -> vector<16xi32>
        %jit3A_203 = arith.constant 0 : i32
        %broadcast_in_dim3A_204 = vector.broadcast %jit3A_203 : i32 to vector<16xi32>
        %select_n3A_205 = arith.select %ge3A_39, %gather3A_202, %broadcast_in_dim3A_204 : vector<16xi1>, vector<16xi32>
        %add3A_206 = arith.addi %add3A_199, %select_n3A_205 : vector<16xi32>
        %broadcast_in_dim3A_207 = vector.shape_cast %max3A_31 : vector<16xi32> to vector<16x1xi32>
        %gather3A_208 = vector.shape_cast %broadcast_in_dim3A_207 : vector<16x1xi32> to vector<16xi32>
        %gather3A_209 = tpu.dynamic_gather %add3A_206[%gather3A_208] in [0] : vector<16xi32>, vector<16xi32> -> vector<16xi32>
        %jit3A_210 = arith.constant 0 : i32
        %broadcast_in_dim3A_211 = vector.broadcast %jit3A_210 : i32 to vector<16xi32>
        %select_n3A_212 = arith.select %ge3A_42, %gather3A_209, %broadcast_in_dim3A_211 : vector<16xi1>, vector<16xi32>
        %add3A_213 = arith.addi %add3A_206, %select_n3A_212 : vector<16xi32>
        %sub3A_214 = arith.constant 1 : i32
        %sub3A_215 = vector.broadcast %sub3A_214 : i32 to vector<16xi32>
        %sub3A_216 = arith.subi %add3A_213, %sub3A_215 : vector<16xi32>
        %select_n3A_217 = arith.select %eq3A_180, %sub3A_216, %select_n3A_167 : vector<16xi1>, vector<16xi32>
        %eq3A_218 = arith.constant 1 : i32
        %eq3A_219 = vector.broadcast %eq3A_218 : i32 to vector<16xi32>
        %eq3A_220 = arith.cmpi eq, %iota3A, %eq3A_219 : vector<16xi32>
        %broadcast_in_dim3A_221 = vector.shape_cast %broadcast_in_dim3A_43 : vector<16xi32> to vector<16x1xi32>
        %gather3A_222 = vector.shape_cast %broadcast_in_dim3A_221 : vector<16x1xi32> to vector<16xi32>
        %gather3A_223 = tpu.dynamic_gather %add3A_213[%gather3A_222] in [0] : vector<16xi32>, vector<16xi32> -> vector<16xi32>
        %jit3A_224 = arith.constant 0 : i32
        %broadcast_in_dim3A_225 = vector.broadcast %jit3A_224 : i32 to vector<16xi32>
        %select_n3A_226 = arith.select %eq3A_220, %gather3A_223, %broadcast_in_dim3A_225 : vector<16xi1>, vector<16xi32>
        %add3A_227 = arith.addi %add3A_177, %select_n3A_226 : vector<16xi32>
        %eq3A_228 = arith.constant 2 : i32
        %eq3A_229 = vector.broadcast %eq3A_228 : i32 to vector<16xi32>
        %eq3A_230 = arith.cmpi eq, %select_n3A, %eq3A_229 : vector<16xi32>
        %jit3A_231 = arith.constant 1 : i32
        %jit3A_232 = arith.constant 0 : i32
        %broadcast_in_dim3A_233 = vector.broadcast %jit3A_231 : i32 to vector<16xi32>
        %broadcast_in_dim3A_234 = vector.broadcast %jit3A_232 : i32 to vector<16xi32>
        %select_n3A_235 = arith.select %eq3A_230, %broadcast_in_dim3A_233, %broadcast_in_dim3A_234 : vector<16xi1>, vector<16xi32>
        %broadcast_in_dim3A_236 = vector.shape_cast %max3A_13 : vector<16xi32> to vector<16x1xi32>
        %gather3A_237 = vector.shape_cast %broadcast_in_dim3A_236 : vector<16x1xi32> to vector<16xi32>
        %gather3A_238 = tpu.dynamic_gather %select_n3A_235[%gather3A_237] in [0] : vector<16xi32>, vector<16xi32> -> vector<16xi32>
        %jit3A_239 = arith.constant 0 : i32
        %broadcast_in_dim3A_240 = vector.broadcast %jit3A_239 : i32 to vector<16xi32>
        %select_n3A_241 = arith.select %ge3A_33, %gather3A_238, %broadcast_in_dim3A_240 : vector<16xi1>, vector<16xi32>
        %add3A_242 = arith.addi %select_n3A_235, %select_n3A_241 : vector<16xi32>
        %broadcast_in_dim3A_243 = vector.shape_cast %max3A_19 : vector<16xi32> to vector<16x1xi32>
        %gather3A_244 = vector.shape_cast %broadcast_in_dim3A_243 : vector<16x1xi32> to vector<16xi32>
        %gather3A_245 = tpu.dynamic_gather %add3A_242[%gather3A_244] in [0] : vector<16xi32>, vector<16xi32> -> vector<16xi32>
        %jit3A_246 = arith.constant 0 : i32
        %broadcast_in_dim3A_247 = vector.broadcast %jit3A_246 : i32 to vector<16xi32>
        %select_n3A_248 = arith.select %ge3A_36, %gather3A_245, %broadcast_in_dim3A_247 : vector<16xi1>, vector<16xi32>
        %add3A_249 = arith.addi %add3A_242, %select_n3A_248 : vector<16xi32>
        %broadcast_in_dim3A_250 = vector.shape_cast %max3A_25 : vector<16xi32> to vector<16x1xi32>
        %gather3A_251 = vector.shape_cast %broadcast_in_dim3A_250 : vector<16x1xi32> to vector<16xi32>
        %gather3A_252 = tpu.dynamic_gather %add3A_249[%gather3A_251] in [0] : vector<16xi32>, vector<16xi32> -> vector<16xi32>
        %jit3A_253 = arith.constant 0 : i32
        %broadcast_in_dim3A_254 = vector.broadcast %jit3A_253 : i32 to vector<16xi32>
        %select_n3A_255 = arith.select %ge3A_39, %gather3A_252, %broadcast_in_dim3A_254 : vector<16xi1>, vector<16xi32>
        %add3A_256 = arith.addi %add3A_249, %select_n3A_255 : vector<16xi32>
        %broadcast_in_dim3A_257 = vector.shape_cast %max3A_31 : vector<16xi32> to vector<16x1xi32>
        %gather3A_258 = vector.shape_cast %broadcast_in_dim3A_257 : vector<16x1xi32> to vector<16xi32>
        %gather3A_259 = tpu.dynamic_gather %add3A_256[%gather3A_258] in [0] : vector<16xi32>, vector<16xi32> -> vector<16xi32>
        %jit3A_260 = arith.constant 0 : i32
        %broadcast_in_dim3A_261 = vector.broadcast %jit3A_260 : i32 to vector<16xi32>
        %select_n3A_262 = arith.select %ge3A_42, %gather3A_259, %broadcast_in_dim3A_261 : vector<16xi1>, vector<16xi32>
        %add3A_263 = arith.addi %add3A_256, %select_n3A_262 : vector<16xi32>
        %sub3A_264 = arith.constant 1 : i32
        %sub3A_265 = vector.broadcast %sub3A_264 : i32 to vector<16xi32>
        %sub3A_266 = arith.subi %add3A_263, %sub3A_265 : vector<16xi32>
        %select_n3A_267 = arith.select %eq3A_230, %sub3A_266, %select_n3A_217 : vector<16xi1>, vector<16xi32>
        %eq3A_268 = arith.constant 2 : i32
        %eq3A_269 = vector.broadcast %eq3A_268 : i32 to vector<16xi32>
        %eq3A_270 = arith.cmpi eq, %iota3A, %eq3A_269 : vector<16xi32>
        %broadcast_in_dim3A_271 = vector.shape_cast %broadcast_in_dim3A_43 : vector<16xi32> to vector<16x1xi32>
        %gather3A_272 = vector.shape_cast %broadcast_in_dim3A_271 : vector<16x1xi32> to vector<16xi32>
        %gather3A_273 = tpu.dynamic_gather %add3A_263[%gather3A_272] in [0] : vector<16xi32>, vector<16xi32> -> vector<16xi32>
        %jit3A_274 = arith.constant 0 : i32
        %broadcast_in_dim3A_275 = vector.broadcast %jit3A_274 : i32 to vector<16xi32>
        %select_n3A_276 = arith.select %eq3A_270, %gather3A_273, %broadcast_in_dim3A_275 : vector<16xi1>, vector<16xi32>
        %add3A_277 = arith.addi %add3A_227, %select_n3A_276 : vector<16xi32>
        %eq3A_278 = arith.constant 3 : i32
        %eq3A_279 = vector.broadcast %eq3A_278 : i32 to vector<16xi32>
        %eq3A_280 = arith.cmpi eq, %select_n3A, %eq3A_279 : vector<16xi32>
        %jit3A_281 = arith.constant 1 : i32
        %jit3A_282 = arith.constant 0 : i32
        %broadcast_in_dim3A_283 = vector.broadcast %jit3A_281 : i32 to vector<16xi32>
        %broadcast_in_dim3A_284 = vector.broadcast %jit3A_282 : i32 to vector<16xi32>
        %select_n3A_285 = arith.select %eq3A_280, %broadcast_in_dim3A_283, %broadcast_in_dim3A_284 : vector<16xi1>, vector<16xi32>
        %broadcast_in_dim3A_286 = vector.shape_cast %max3A_13 : vector<16xi32> to vector<16x1xi32>
        %gather3A_287 = vector.shape_cast %broadcast_in_dim3A_286 : vector<16x1xi32> to vector<16xi32>
        %gather3A_288 = tpu.dynamic_gather %select_n3A_285[%gather3A_287] in [0] : vector<16xi32>, vector<16xi32> -> vector<16xi32>
        %jit3A_289 = arith.constant 0 : i32
        %broadcast_in_dim3A_290 = vector.broadcast %jit3A_289 : i32 to vector<16xi32>
        %select_n3A_291 = arith.select %ge3A_33, %gather3A_288, %broadcast_in_dim3A_290 : vector<16xi1>, vector<16xi32>
        %add3A_292 = arith.addi %select_n3A_285, %select_n3A_291 : vector<16xi32>
        %broadcast_in_dim3A_293 = vector.shape_cast %max3A_19 : vector<16xi32> to vector<16x1xi32>
        %gather3A_294 = vector.shape_cast %broadcast_in_dim3A_293 : vector<16x1xi32> to vector<16xi32>
        %gather3A_295 = tpu.dynamic_gather %add3A_292[%gather3A_294] in [0] : vector<16xi32>, vector<16xi32> -> vector<16xi32>
        %jit3A_296 = arith.constant 0 : i32
        %broadcast_in_dim3A_297 = vector.broadcast %jit3A_296 : i32 to vector<16xi32>
        %select_n3A_298 = arith.select %ge3A_36, %gather3A_295, %broadcast_in_dim3A_297 : vector<16xi1>, vector<16xi32>
        %add3A_299 = arith.addi %add3A_292, %select_n3A_298 : vector<16xi32>
        %broadcast_in_dim3A_300 = vector.shape_cast %max3A_25 : vector<16xi32> to vector<16x1xi32>
        %gather3A_301 = vector.shape_cast %broadcast_in_dim3A_300 : vector<16x1xi32> to vector<16xi32>
        %gather3A_302 = tpu.dynamic_gather %add3A_299[%gather3A_301] in [0] : vector<16xi32>, vector<16xi32> -> vector<16xi32>
        %jit3A_303 = arith.constant 0 : i32
        %broadcast_in_dim3A_304 = vector.broadcast %jit3A_303 : i32 to vector<16xi32>
        %select_n3A_305 = arith.select %ge3A_39, %gather3A_302, %broadcast_in_dim3A_304 : vector<16xi1>, vector<16xi32>
        %add3A_306 = arith.addi %add3A_299, %select_n3A_305 : vector<16xi32>
        %broadcast_in_dim3A_307 = vector.shape_cast %max3A_31 : vector<16xi32> to vector<16x1xi32>
        %gather3A_308 = vector.shape_cast %broadcast_in_dim3A_307 : vector<16x1xi32> to vector<16xi32>
        %gather3A_309 = tpu.dynamic_gather %add3A_306[%gather3A_308] in [0] : vector<16xi32>, vector<16xi32> -> vector<16xi32>
        %jit3A_310 = arith.constant 0 : i32
        %broadcast_in_dim3A_311 = vector.broadcast %jit3A_310 : i32 to vector<16xi32>
        %select_n3A_312 = arith.select %ge3A_42, %gather3A_309, %broadcast_in_dim3A_311 : vector<16xi1>, vector<16xi32>
        %add3A_313 = arith.addi %add3A_306, %select_n3A_312 : vector<16xi32>
        %sub3A_314 = arith.constant 1 : i32
        %sub3A_315 = vector.broadcast %sub3A_314 : i32 to vector<16xi32>
        %sub3A_316 = arith.subi %add3A_313, %sub3A_315 : vector<16xi32>
        %select_n3A_317 = arith.select %eq3A_280, %sub3A_316, %select_n3A_267 : vector<16xi1>, vector<16xi32>
        %eq3A_318 = arith.constant 3 : i32
        %eq3A_319 = vector.broadcast %eq3A_318 : i32 to vector<16xi32>
        %eq3A_320 = arith.cmpi eq, %iota3A, %eq3A_319 : vector<16xi32>
        %broadcast_in_dim3A_321 = vector.shape_cast %broadcast_in_dim3A_43 : vector<16xi32> to vector<16x1xi32>
        %gather3A_322 = vector.shape_cast %broadcast_in_dim3A_321 : vector<16x1xi32> to vector<16xi32>
        %gather3A_323 = tpu.dynamic_gather %add3A_313[%gather3A_322] in [0] : vector<16xi32>, vector<16xi32> -> vector<16xi32>
        %jit3A_324 = arith.constant 0 : i32
        %broadcast_in_dim3A_325 = vector.broadcast %jit3A_324 : i32 to vector<16xi32>
        %select_n3A_326 = arith.select %eq3A_320, %gather3A_323, %broadcast_in_dim3A_325 : vector<16xi1>, vector<16xi32>
        %add3A_327 = arith.addi %add3A_277, %select_n3A_326 : vector<16xi32>
        %eq3A_328 = arith.constant 4 : i32
        %eq3A_329 = vector.broadcast %eq3A_328 : i32 to vector<16xi32>
        %eq3A_330 = arith.cmpi eq, %select_n3A, %eq3A_329 : vector<16xi32>
        %jit3A_331 = arith.constant 1 : i32
        %jit3A_332 = arith.constant 0 : i32
        %broadcast_in_dim3A_333 = vector.broadcast %jit3A_331 : i32 to vector<16xi32>
        %broadcast_in_dim3A_334 = vector.broadcast %jit3A_332 : i32 to vector<16xi32>
        %select_n3A_335 = arith.select %eq3A_330, %broadcast_in_dim3A_333, %broadcast_in_dim3A_334 : vector<16xi1>, vector<16xi32>
        %broadcast_in_dim3A_336 = vector.shape_cast %max3A_13 : vector<16xi32> to vector<16x1xi32>
        %gather3A_337 = vector.shape_cast %broadcast_in_dim3A_336 : vector<16x1xi32> to vector<16xi32>
        %gather3A_338 = tpu.dynamic_gather %select_n3A_335[%gather3A_337] in [0] : vector<16xi32>, vector<16xi32> -> vector<16xi32>
        %jit3A_339 = arith.constant 0 : i32
        %broadcast_in_dim3A_340 = vector.broadcast %jit3A_339 : i32 to vector<16xi32>
        %select_n3A_341 = arith.select %ge3A_33, %gather3A_338, %broadcast_in_dim3A_340 : vector<16xi1>, vector<16xi32>
        %add3A_342 = arith.addi %select_n3A_335, %select_n3A_341 : vector<16xi32>
        %broadcast_in_dim3A_343 = vector.shape_cast %max3A_19 : vector<16xi32> to vector<16x1xi32>
        %gather3A_344 = vector.shape_cast %broadcast_in_dim3A_343 : vector<16x1xi32> to vector<16xi32>
        %gather3A_345 = tpu.dynamic_gather %add3A_342[%gather3A_344] in [0] : vector<16xi32>, vector<16xi32> -> vector<16xi32>
        %jit3A_346 = arith.constant 0 : i32
        %broadcast_in_dim3A_347 = vector.broadcast %jit3A_346 : i32 to vector<16xi32>
        %select_n3A_348 = arith.select %ge3A_36, %gather3A_345, %broadcast_in_dim3A_347 : vector<16xi1>, vector<16xi32>
        %add3A_349 = arith.addi %add3A_342, %select_n3A_348 : vector<16xi32>
        %broadcast_in_dim3A_350 = vector.shape_cast %max3A_25 : vector<16xi32> to vector<16x1xi32>
        %gather3A_351 = vector.shape_cast %broadcast_in_dim3A_350 : vector<16x1xi32> to vector<16xi32>
        %gather3A_352 = tpu.dynamic_gather %add3A_349[%gather3A_351] in [0] : vector<16xi32>, vector<16xi32> -> vector<16xi32>
        %jit3A_353 = arith.constant 0 : i32
        %broadcast_in_dim3A_354 = vector.broadcast %jit3A_353 : i32 to vector<16xi32>
        %select_n3A_355 = arith.select %ge3A_39, %gather3A_352, %broadcast_in_dim3A_354 : vector<16xi1>, vector<16xi32>
        %add3A_356 = arith.addi %add3A_349, %select_n3A_355 : vector<16xi32>
        %broadcast_in_dim3A_357 = vector.shape_cast %max3A_31 : vector<16xi32> to vector<16x1xi32>
        %gather3A_358 = vector.shape_cast %broadcast_in_dim3A_357 : vector<16x1xi32> to vector<16xi32>
        %gather3A_359 = tpu.dynamic_gather %add3A_356[%gather3A_358] in [0] : vector<16xi32>, vector<16xi32> -> vector<16xi32>
        %jit3A_360 = arith.constant 0 : i32
        %broadcast_in_dim3A_361 = vector.broadcast %jit3A_360 : i32 to vector<16xi32>
        %select_n3A_362 = arith.select %ge3A_42, %gather3A_359, %broadcast_in_dim3A_361 : vector<16xi1>, vector<16xi32>
        %add3A_363 = arith.addi %add3A_356, %select_n3A_362 : vector<16xi32>
        %sub3A_364 = arith.constant 1 : i32
        %sub3A_365 = vector.broadcast %sub3A_364 : i32 to vector<16xi32>
        %sub3A_366 = arith.subi %add3A_363, %sub3A_365 : vector<16xi32>
        %select_n3A_367 = arith.select %eq3A_330, %sub3A_366, %select_n3A_317 : vector<16xi1>, vector<16xi32>
        %eq3A_368 = arith.constant 4 : i32
        %eq3A_369 = vector.broadcast %eq3A_368 : i32 to vector<16xi32>
        %eq3A_370 = arith.cmpi eq, %iota3A, %eq3A_369 : vector<16xi32>
        %broadcast_in_dim3A_371 = vector.shape_cast %broadcast_in_dim3A_43 : vector<16xi32> to vector<16x1xi32>
        %gather3A_372 = vector.shape_cast %broadcast_in_dim3A_371 : vector<16x1xi32> to vector<16xi32>
        %gather3A_373 = tpu.dynamic_gather %add3A_363[%gather3A_372] in [0] : vector<16xi32>, vector<16xi32> -> vector<16xi32>
        %jit3A_374 = arith.constant 0 : i32
        %broadcast_in_dim3A_375 = vector.broadcast %jit3A_374 : i32 to vector<16xi32>
        %select_n3A_376 = arith.select %eq3A_370, %gather3A_373, %broadcast_in_dim3A_375 : vector<16xi1>, vector<16xi32>
        %add3A_377 = arith.addi %add3A_327, %select_n3A_376 : vector<16xi32>
        %eq3A_378 = arith.constant 5 : i32
        %eq3A_379 = vector.broadcast %eq3A_378 : i32 to vector<16xi32>
        %eq3A_380 = arith.cmpi eq, %select_n3A, %eq3A_379 : vector<16xi32>
        %jit3A_381 = arith.constant 1 : i32
        %jit3A_382 = arith.constant 0 : i32
        %broadcast_in_dim3A_383 = vector.broadcast %jit3A_381 : i32 to vector<16xi32>
        %broadcast_in_dim3A_384 = vector.broadcast %jit3A_382 : i32 to vector<16xi32>
        %select_n3A_385 = arith.select %eq3A_380, %broadcast_in_dim3A_383, %broadcast_in_dim3A_384 : vector<16xi1>, vector<16xi32>
        %broadcast_in_dim3A_386 = vector.shape_cast %max3A_13 : vector<16xi32> to vector<16x1xi32>
        %gather3A_387 = vector.shape_cast %broadcast_in_dim3A_386 : vector<16x1xi32> to vector<16xi32>
        %gather3A_388 = tpu.dynamic_gather %select_n3A_385[%gather3A_387] in [0] : vector<16xi32>, vector<16xi32> -> vector<16xi32>
        %jit3A_389 = arith.constant 0 : i32
        %broadcast_in_dim3A_390 = vector.broadcast %jit3A_389 : i32 to vector<16xi32>
        %select_n3A_391 = arith.select %ge3A_33, %gather3A_388, %broadcast_in_dim3A_390 : vector<16xi1>, vector<16xi32>
        %add3A_392 = arith.addi %select_n3A_385, %select_n3A_391 : vector<16xi32>
        %broadcast_in_dim3A_393 = vector.shape_cast %max3A_19 : vector<16xi32> to vector<16x1xi32>
        %gather3A_394 = vector.shape_cast %broadcast_in_dim3A_393 : vector<16x1xi32> to vector<16xi32>
        %gather3A_395 = tpu.dynamic_gather %add3A_392[%gather3A_394] in [0] : vector<16xi32>, vector<16xi32> -> vector<16xi32>
        %jit3A_396 = arith.constant 0 : i32
        %broadcast_in_dim3A_397 = vector.broadcast %jit3A_396 : i32 to vector<16xi32>
        %select_n3A_398 = arith.select %ge3A_36, %gather3A_395, %broadcast_in_dim3A_397 : vector<16xi1>, vector<16xi32>
        %add3A_399 = arith.addi %add3A_392, %select_n3A_398 : vector<16xi32>
        %broadcast_in_dim3A_400 = vector.shape_cast %max3A_25 : vector<16xi32> to vector<16x1xi32>
        %gather3A_401 = vector.shape_cast %broadcast_in_dim3A_400 : vector<16x1xi32> to vector<16xi32>
        %gather3A_402 = tpu.dynamic_gather %add3A_399[%gather3A_401] in [0] : vector<16xi32>, vector<16xi32> -> vector<16xi32>
        %jit3A_403 = arith.constant 0 : i32
        %broadcast_in_dim3A_404 = vector.broadcast %jit3A_403 : i32 to vector<16xi32>
        %select_n3A_405 = arith.select %ge3A_39, %gather3A_402, %broadcast_in_dim3A_404 : vector<16xi1>, vector<16xi32>
        %add3A_406 = arith.addi %add3A_399, %select_n3A_405 : vector<16xi32>
        %broadcast_in_dim3A_407 = vector.shape_cast %max3A_31 : vector<16xi32> to vector<16x1xi32>
        %gather3A_408 = vector.shape_cast %broadcast_in_dim3A_407 : vector<16x1xi32> to vector<16xi32>
        %gather3A_409 = tpu.dynamic_gather %add3A_406[%gather3A_408] in [0] : vector<16xi32>, vector<16xi32> -> vector<16xi32>
        %jit3A_410 = arith.constant 0 : i32
        %broadcast_in_dim3A_411 = vector.broadcast %jit3A_410 : i32 to vector<16xi32>
        %select_n3A_412 = arith.select %ge3A_42, %gather3A_409, %broadcast_in_dim3A_411 : vector<16xi1>, vector<16xi32>
        %add3A_413 = arith.addi %add3A_406, %select_n3A_412 : vector<16xi32>
        %sub3A_414 = arith.constant 1 : i32
        %sub3A_415 = vector.broadcast %sub3A_414 : i32 to vector<16xi32>
        %sub3A_416 = arith.subi %add3A_413, %sub3A_415 : vector<16xi32>
        %select_n3A_417 = arith.select %eq3A_380, %sub3A_416, %select_n3A_367 : vector<16xi1>, vector<16xi32>
        %eq3A_418 = arith.constant 5 : i32
        %eq3A_419 = vector.broadcast %eq3A_418 : i32 to vector<16xi32>
        %eq3A_420 = arith.cmpi eq, %iota3A, %eq3A_419 : vector<16xi32>
        %broadcast_in_dim3A_421 = vector.shape_cast %broadcast_in_dim3A_43 : vector<16xi32> to vector<16x1xi32>
        %gather3A_422 = vector.shape_cast %broadcast_in_dim3A_421 : vector<16x1xi32> to vector<16xi32>
        %gather3A_423 = tpu.dynamic_gather %add3A_413[%gather3A_422] in [0] : vector<16xi32>, vector<16xi32> -> vector<16xi32>
        %jit3A_424 = arith.constant 0 : i32
        %broadcast_in_dim3A_425 = vector.broadcast %jit3A_424 : i32 to vector<16xi32>
        %select_n3A_426 = arith.select %eq3A_420, %gather3A_423, %broadcast_in_dim3A_425 : vector<16xi1>, vector<16xi32>
        %add3A_427 = arith.addi %add3A_377, %select_n3A_426 : vector<16xi32>
        %eq3A_428 = arith.constant 6 : i32
        %eq3A_429 = vector.broadcast %eq3A_428 : i32 to vector<16xi32>
        %eq3A_430 = arith.cmpi eq, %select_n3A, %eq3A_429 : vector<16xi32>
        %jit3A_431 = arith.constant 1 : i32
        %jit3A_432 = arith.constant 0 : i32
        %broadcast_in_dim3A_433 = vector.broadcast %jit3A_431 : i32 to vector<16xi32>
        %broadcast_in_dim3A_434 = vector.broadcast %jit3A_432 : i32 to vector<16xi32>
        %select_n3A_435 = arith.select %eq3A_430, %broadcast_in_dim3A_433, %broadcast_in_dim3A_434 : vector<16xi1>, vector<16xi32>
        %broadcast_in_dim3A_436 = vector.shape_cast %max3A_13 : vector<16xi32> to vector<16x1xi32>
        %gather3A_437 = vector.shape_cast %broadcast_in_dim3A_436 : vector<16x1xi32> to vector<16xi32>
        %gather3A_438 = tpu.dynamic_gather %select_n3A_435[%gather3A_437] in [0] : vector<16xi32>, vector<16xi32> -> vector<16xi32>
        %jit3A_439 = arith.constant 0 : i32
        %broadcast_in_dim3A_440 = vector.broadcast %jit3A_439 : i32 to vector<16xi32>
        %select_n3A_441 = arith.select %ge3A_33, %gather3A_438, %broadcast_in_dim3A_440 : vector<16xi1>, vector<16xi32>
        %add3A_442 = arith.addi %select_n3A_435, %select_n3A_441 : vector<16xi32>
        %broadcast_in_dim3A_443 = vector.shape_cast %max3A_19 : vector<16xi32> to vector<16x1xi32>
        %gather3A_444 = vector.shape_cast %broadcast_in_dim3A_443 : vector<16x1xi32> to vector<16xi32>
        %gather3A_445 = tpu.dynamic_gather %add3A_442[%gather3A_444] in [0] : vector<16xi32>, vector<16xi32> -> vector<16xi32>
        %jit3A_446 = arith.constant 0 : i32
        %broadcast_in_dim3A_447 = vector.broadcast %jit3A_446 : i32 to vector<16xi32>
        %select_n3A_448 = arith.select %ge3A_36, %gather3A_445, %broadcast_in_dim3A_447 : vector<16xi1>, vector<16xi32>
        %add3A_449 = arith.addi %add3A_442, %select_n3A_448 : vector<16xi32>
        %broadcast_in_dim3A_450 = vector.shape_cast %max3A_25 : vector<16xi32> to vector<16x1xi32>
        %gather3A_451 = vector.shape_cast %broadcast_in_dim3A_450 : vector<16x1xi32> to vector<16xi32>
        %gather3A_452 = tpu.dynamic_gather %add3A_449[%gather3A_451] in [0] : vector<16xi32>, vector<16xi32> -> vector<16xi32>
        %jit3A_453 = arith.constant 0 : i32
        %broadcast_in_dim3A_454 = vector.broadcast %jit3A_453 : i32 to vector<16xi32>
        %select_n3A_455 = arith.select %ge3A_39, %gather3A_452, %broadcast_in_dim3A_454 : vector<16xi1>, vector<16xi32>
        %add3A_456 = arith.addi %add3A_449, %select_n3A_455 : vector<16xi32>
        %broadcast_in_dim3A_457 = vector.shape_cast %max3A_31 : vector<16xi32> to vector<16x1xi32>
        %gather3A_458 = vector.shape_cast %broadcast_in_dim3A_457 : vector<16x1xi32> to vector<16xi32>
        %gather3A_459 = tpu.dynamic_gather %add3A_456[%gather3A_458] in [0] : vector<16xi32>, vector<16xi32> -> vector<16xi32>
        %jit3A_460 = arith.constant 0 : i32
        %broadcast_in_dim3A_461 = vector.broadcast %jit3A_460 : i32 to vector<16xi32>
        %select_n3A_462 = arith.select %ge3A_42, %gather3A_459, %broadcast_in_dim3A_461 : vector<16xi1>, vector<16xi32>
        %add3A_463 = arith.addi %add3A_456, %select_n3A_462 : vector<16xi32>
        %sub3A_464 = arith.constant 1 : i32
        %sub3A_465 = vector.broadcast %sub3A_464 : i32 to vector<16xi32>
        %sub3A_466 = arith.subi %add3A_463, %sub3A_465 : vector<16xi32>
        %select_n3A_467 = arith.select %eq3A_430, %sub3A_466, %select_n3A_417 : vector<16xi1>, vector<16xi32>
        %eq3A_468 = arith.constant 6 : i32
        %eq3A_469 = vector.broadcast %eq3A_468 : i32 to vector<16xi32>
        %eq3A_470 = arith.cmpi eq, %iota3A, %eq3A_469 : vector<16xi32>
        %broadcast_in_dim3A_471 = vector.shape_cast %broadcast_in_dim3A_43 : vector<16xi32> to vector<16x1xi32>
        %gather3A_472 = vector.shape_cast %broadcast_in_dim3A_471 : vector<16x1xi32> to vector<16xi32>
        %gather3A_473 = tpu.dynamic_gather %add3A_463[%gather3A_472] in [0] : vector<16xi32>, vector<16xi32> -> vector<16xi32>
        %jit3A_474 = arith.constant 0 : i32
        %broadcast_in_dim3A_475 = vector.broadcast %jit3A_474 : i32 to vector<16xi32>
        %select_n3A_476 = arith.select %eq3A_470, %gather3A_473, %broadcast_in_dim3A_475 : vector<16xi1>, vector<16xi32>
        %add3A_477 = arith.addi %add3A_427, %select_n3A_476 : vector<16xi32>
        %eq3A_478 = arith.constant 7 : i32
        %eq3A_479 = vector.broadcast %eq3A_478 : i32 to vector<16xi32>
        %eq3A_480 = arith.cmpi eq, %select_n3A, %eq3A_479 : vector<16xi32>
        %jit3A_481 = arith.constant 1 : i32
        %jit3A_482 = arith.constant 0 : i32
        %broadcast_in_dim3A_483 = vector.broadcast %jit3A_481 : i32 to vector<16xi32>
        %broadcast_in_dim3A_484 = vector.broadcast %jit3A_482 : i32 to vector<16xi32>
        %select_n3A_485 = arith.select %eq3A_480, %broadcast_in_dim3A_483, %broadcast_in_dim3A_484 : vector<16xi1>, vector<16xi32>
        %broadcast_in_dim3A_486 = vector.shape_cast %max3A_13 : vector<16xi32> to vector<16x1xi32>
        %gather3A_487 = vector.shape_cast %broadcast_in_dim3A_486 : vector<16x1xi32> to vector<16xi32>
        %gather3A_488 = tpu.dynamic_gather %select_n3A_485[%gather3A_487] in [0] : vector<16xi32>, vector<16xi32> -> vector<16xi32>
        %jit3A_489 = arith.constant 0 : i32
        %broadcast_in_dim3A_490 = vector.broadcast %jit3A_489 : i32 to vector<16xi32>
        %select_n3A_491 = arith.select %ge3A_33, %gather3A_488, %broadcast_in_dim3A_490 : vector<16xi1>, vector<16xi32>
        %add3A_492 = arith.addi %select_n3A_485, %select_n3A_491 : vector<16xi32>
        %broadcast_in_dim3A_493 = vector.shape_cast %max3A_19 : vector<16xi32> to vector<16x1xi32>
        %gather3A_494 = vector.shape_cast %broadcast_in_dim3A_493 : vector<16x1xi32> to vector<16xi32>
        %gather3A_495 = tpu.dynamic_gather %add3A_492[%gather3A_494] in [0] : vector<16xi32>, vector<16xi32> -> vector<16xi32>
        %jit3A_496 = arith.constant 0 : i32
        %broadcast_in_dim3A_497 = vector.broadcast %jit3A_496 : i32 to vector<16xi32>
        %select_n3A_498 = arith.select %ge3A_36, %gather3A_495, %broadcast_in_dim3A_497 : vector<16xi1>, vector<16xi32>
        %add3A_499 = arith.addi %add3A_492, %select_n3A_498 : vector<16xi32>
        %broadcast_in_dim3A_500 = vector.shape_cast %max3A_25 : vector<16xi32> to vector<16x1xi32>
        %gather3A_501 = vector.shape_cast %broadcast_in_dim3A_500 : vector<16x1xi32> to vector<16xi32>
        %gather3A_502 = tpu.dynamic_gather %add3A_499[%gather3A_501] in [0] : vector<16xi32>, vector<16xi32> -> vector<16xi32>
        %jit3A_503 = arith.constant 0 : i32
        %broadcast_in_dim3A_504 = vector.broadcast %jit3A_503 : i32 to vector<16xi32>
        %select_n3A_505 = arith.select %ge3A_39, %gather3A_502, %broadcast_in_dim3A_504 : vector<16xi1>, vector<16xi32>
        %add3A_506 = arith.addi %add3A_499, %select_n3A_505 : vector<16xi32>
        %broadcast_in_dim3A_507 = vector.shape_cast %max3A_31 : vector<16xi32> to vector<16x1xi32>
        %gather3A_508 = vector.shape_cast %broadcast_in_dim3A_507 : vector<16x1xi32> to vector<16xi32>
        %gather3A_509 = tpu.dynamic_gather %add3A_506[%gather3A_508] in [0] : vector<16xi32>, vector<16xi32> -> vector<16xi32>
        %jit3A_510 = arith.constant 0 : i32
        %broadcast_in_dim3A_511 = vector.broadcast %jit3A_510 : i32 to vector<16xi32>
        %select_n3A_512 = arith.select %ge3A_42, %gather3A_509, %broadcast_in_dim3A_511 : vector<16xi1>, vector<16xi32>
        %add3A_513 = arith.addi %add3A_506, %select_n3A_512 : vector<16xi32>
        %sub3A_514 = arith.constant 1 : i32
        %sub3A_515 = vector.broadcast %sub3A_514 : i32 to vector<16xi32>
        %sub3A_516 = arith.subi %add3A_513, %sub3A_515 : vector<16xi32>
        %select_n3A_517 = arith.select %eq3A_480, %sub3A_516, %select_n3A_467 : vector<16xi1>, vector<16xi32>
        %eq3A_518 = arith.constant 7 : i32
        %eq3A_519 = vector.broadcast %eq3A_518 : i32 to vector<16xi32>
        %eq3A_520 = arith.cmpi eq, %iota3A, %eq3A_519 : vector<16xi32>
        %broadcast_in_dim3A_521 = vector.shape_cast %broadcast_in_dim3A_43 : vector<16xi32> to vector<16x1xi32>
        %gather3A_522 = vector.shape_cast %broadcast_in_dim3A_521 : vector<16x1xi32> to vector<16xi32>
        %gather3A_523 = tpu.dynamic_gather %add3A_513[%gather3A_522] in [0] : vector<16xi32>, vector<16xi32> -> vector<16xi32>
        %jit3A_524 = arith.constant 0 : i32
        %broadcast_in_dim3A_525 = vector.broadcast %jit3A_524 : i32 to vector<16xi32>
        %select_n3A_526 = arith.select %eq3A_520, %gather3A_523, %broadcast_in_dim3A_525 : vector<16xi1>, vector<16xi32>
        %add3A_527 = arith.addi %add3A_477, %select_n3A_526 : vector<16xi32>
        %add3A_528 = arith.addi %gather3A_126, %select_n3A_517 : vector<16xi32>
        %lt3A = arith.constant 1024 : i32
        %lt3A_529 = vector.broadcast %lt3A : i32 to vector<16xi32>
        %lt3A_530 = arith.cmpi slt, %add3A_528, %lt3A_529 : vector<16xi32>
        %mul3A_531 = arith.constant 1024 : i32
        %mul3A_532 = vector.broadcast %mul3A_531 : i32 to vector<16xi32>
        %mul3A_533 = arith.muli %select_n3A, %mul3A_532 : vector<16xi32>
        %add3A_534 = arith.addi %mul3A_533, %add3A_528 : vector<16xi32>
        %and3A_535 = arith.constant 3 : i32
        %and3A_536 = arith.andi %scan3A_74, %and3A_535 : i32
        %mul3A_537 = arith.constant 32 : i32
        %mul3A_538 = arith.muli %and3A_536, %mul3A_537 : i32
        %add3A_539 = arith.constant 0 : i32
        %add3A_540 = arith.addi %mul3A_538, %add3A_539 : i32
        %add3A_541 = arith.constant 8192 : i32
        %add3A_542 = vector.broadcast %add3A_541 : i32 to vector<16xi32>
        %add3A_543 = arith.addi %add3A_542, %iota3A : vector<16xi32>
        %select_n3A_544 = arith.select %lt3A_530, %add3A_534, %add3A_543 : vector<16xi1>, vector<16xi32>
        %swap3A_545 = arith.index_cast %add3A_540 : i32 to index
        %swap3A_546 = tpu.vector_load %arg13[%swap3A_545] {strides = array<i32>} : memref<128xi32, #tpu.memory_space<vmem>>, vector<16xi32>,
        %swap3A_547 = vector.shape_cast %swap3A_546 : vector<16xi32> to vector<16xi32>
        %swap3A_548 = vector.shape_cast %select_n3A_544 : vector<16xi32> to vector<16xi32>
        tpu.vector_store %arg13[%swap3A_545], %swap3A_548 {strides = array<i32>} : memref<128xi32, #tpu.memory_space<vmem>>, vector<16xi32>,
        %swap3A_549 = arith.index_cast %add3A_540 : i32 to index
        %swap3A_550 = tpu.vector_load %arg14[%swap3A_549] {strides = array<i32>} : memref<128xi32, #tpu.memory_space<vmem>>, vector<16xi32>,
        %swap3A_551 = vector.shape_cast %swap3A_550 : vector<16xi32> to vector<16xi32>
        %swap3A_552 = vector.shape_cast %add3A_123 : vector<16xi32> to vector<16xi32>
        tpu.vector_store %arg14[%swap3A_549], %swap3A_552 {strides = array<i32>} : memref<128xi32, #tpu.memory_space<vmem>>, vector<16xi32>,
        %swap3A_553 = arith.index_cast %add3A_540 : i32 to index
        %swap3A_554 = tpu.vector_load %arg15[%swap3A_553] {strides = array<i32>} : memref<128xf32, #tpu.memory_space<vmem>>, vector<16xf32>,
        %swap3A_555 = vector.shape_cast %swap3A_554 : vector<16xf32> to vector<16xf32>
        %swap3A_556 = vector.shape_cast %select_n3A_117 : vector<16xf32> to vector<16xf32>
        tpu.vector_store %arg15[%swap3A_553], %swap3A_556 {strides = array<i32>} : memref<128xf32, #tpu.memory_space<vmem>>, vector<16xf32>,
        %jit3A_557 = arith.constant -1 : i32
        %broadcast_in_dim3A_558 = vector.broadcast %jit3A_557 : i32 to vector<16xi32>
        %select_n3A_559 = arith.select %lt3A_530, %add3A_534, %broadcast_in_dim3A_558 : vector<16xi1>, vector<16xi32>
        %mul3A_560 = arith.constant 32 : i32
        %mul3A_561 = arith.muli %scan3A_74, %mul3A_560 : i32
        %add3A_562 = arith.constant 0 : i32
        %add3A_563 = arith.addi %mul3A_561, %add3A_562 : i32
        %swap3A_564 = arith.index_cast %add3A_563 : i32 to index
        %swap3A_565 = tpu.vector_load %arg10[%swap3A_564] {strides = array<i32>} : memref<4096xi32, #tpu.memory_space<vmem>>, vector<16xi32>,
        %swap3A_566 = vector.shape_cast %swap3A_565 : vector<16xi32> to vector<16xi32>
        %swap3A_567 = vector.shape_cast %select_n3A_559 : vector<16xi32> to vector<16xi32>
        tpu.vector_store %arg10[%swap3A_564], %swap3A_567 {strides = array<i32>} : memref<4096xi32, #tpu.memory_space<vmem>>, vector<16xi32>,
        %add3A_568 = arith.constant 8 : i32
        %add3A_569 = vector.broadcast %add3A_568 : i32 to vector<16xi32>
        %add3A_570 = arith.addi %shift_right_arithmetic3A_4, %add3A_569 : vector<16xi32>
        %broadcast_in_dim3A_571 = vector.shape_cast %add3A_570 : vector<16xi32> to vector<16x1xi32>
        %gather3A_572 = vector.shape_cast %broadcast_in_dim3A_571 : vector<16x1xi32> to vector<16xi32>
        %gather3A_573 = tpu.dynamic_gather %get3A_88[%gather3A_572] in [0] : vector<16xi32>, vector<16xi32> -> vector<16xi32>
        %broadcast_in_dim3A_574 = vector.shape_cast %add3A_570 : vector<16xi32> to vector<16x1xi32>
        %gather3A_575 = vector.shape_cast %broadcast_in_dim3A_574 : vector<16x1xi32> to vector<16xi32>
        %gather3A_576 = tpu.dynamic_gather %get3A_81[%gather3A_575] in [0] : vector<16xi32>, vector<16xi32> -> vector<16xi32>
        %select_n3A_577 = arith.select %eq3A_9, %gather3A_573, %gather3A_576 : vector<16xi1>, vector<16xi32>
        %broadcast_in_dim3A_578 = vector.shape_cast %add3A_570 : vector<16xi32> to vector<16x1xi32>
        %gather3A_579 = vector.shape_cast %broadcast_in_dim3A_578 : vector<16x1xi32> to vector<16xi32>
        %gather3A_580 = tpu.dynamic_gather %get3A_102[%gather3A_579] in [0] : vector<16xf32>, vector<16xi32> -> vector<16xf32>
        %broadcast_in_dim3A_581 = vector.shape_cast %add3A_570 : vector<16xi32> to vector<16x1xi32>
        %gather3A_582 = vector.shape_cast %broadcast_in_dim3A_581 : vector<16x1xi32> to vector<16xi32>
        %gather3A_583 = tpu.dynamic_gather %get3A_95[%gather3A_582] in [0] : vector<16xf32>, vector<16xi32> -> vector<16xf32>
        %select_n3A_584 = arith.select %eq3A_9, %gather3A_580, %gather3A_583 : vector<16xi1>, vector<16xf32>
        %mul3A_585 = arith.constant 16 : i32
        %mul3A_586 = arith.muli %scan3A_74, %mul3A_585 : i32
        %add3A_587 = arith.constant 8 : i32
        %add3A_588 = arith.addi %mul3A_586, %add3A_587 : i32
        %add3A_589 = vector.broadcast %add3A_588 : i32 to vector<16xi32>
        %add3A_590 = arith.addi %add3A_589, %shift_right_arithmetic3A_4 : vector<16xi32>
        %broadcast_in_dim3A_591 = vector.shape_cast %select_n3A_577 : vector<16xi32> to vector<16x1xi32>
        %gather3A_592 = vector.shape_cast %broadcast_in_dim3A_591 : vector<16x1xi32> to vector<16xi32>
        %gather3A_593 = tpu.dynamic_gather %add3A_527[%gather3A_592] in [0] : vector<16xi32>, vector<16xi32> -> vector<16xi32>
        %broadcast_in_dim3A_594 = arith.constant 0 : i32
        %broadcast_in_dim3A_595 = vector.broadcast %broadcast_in_dim3A_594 : i32 to vector<16xi32>
        %eq3A_596 = arith.constant 0 : i32
        %eq3A_597 = vector.broadcast %eq3A_596 : i32 to vector<16xi32>
        %eq3A_598 = arith.cmpi eq, %select_n3A_577, %eq3A_597 : vector<16xi32>
        %jit3A_599 = arith.constant 1 : i32
        %jit3A_600 = arith.constant 0 : i32
        %broadcast_in_dim3A_601 = vector.broadcast %jit3A_599 : i32 to vector<16xi32>
        %broadcast_in_dim3A_602 = vector.broadcast %jit3A_600 : i32 to vector<16xi32>
        %select_n3A_603 = arith.select %eq3A_598, %broadcast_in_dim3A_601, %broadcast_in_dim3A_602 : vector<16xi1>, vector<16xi32>
        %broadcast_in_dim3A_604 = vector.shape_cast %max3A_13 : vector<16xi32> to vector<16x1xi32>
        %gather3A_605 = vector.shape_cast %broadcast_in_dim3A_604 : vector<16x1xi32> to vector<16xi32>
        %gather3A_606 = tpu.dynamic_gather %select_n3A_603[%gather3A_605] in [0] : vector<16xi32>, vector<16xi32> -> vector<16xi32>
        %jit3A_607 = arith.constant 0 : i32
        %broadcast_in_dim3A_608 = vector.broadcast %jit3A_607 : i32 to vector<16xi32>
        %select_n3A_609 = arith.select %ge3A_33, %gather3A_606, %broadcast_in_dim3A_608 : vector<16xi1>, vector<16xi32>
        %add3A_610 = arith.addi %select_n3A_603, %select_n3A_609 : vector<16xi32>
        %broadcast_in_dim3A_611 = vector.shape_cast %max3A_19 : vector<16xi32> to vector<16x1xi32>
        %gather3A_612 = vector.shape_cast %broadcast_in_dim3A_611 : vector<16x1xi32> to vector<16xi32>
        %gather3A_613 = tpu.dynamic_gather %add3A_610[%gather3A_612] in [0] : vector<16xi32>, vector<16xi32> -> vector<16xi32>
        %jit3A_614 = arith.constant 0 : i32
        %broadcast_in_dim3A_615 = vector.broadcast %jit3A_614 : i32 to vector<16xi32>
        %select_n3A_616 = arith.select %ge3A_36, %gather3A_613, %broadcast_in_dim3A_615 : vector<16xi1>, vector<16xi32>
        %add3A_617 = arith.addi %add3A_610, %select_n3A_616 : vector<16xi32>
        %broadcast_in_dim3A_618 = vector.shape_cast %max3A_25 : vector<16xi32> to vector<16x1xi32>
        %gather3A_619 = vector.shape_cast %broadcast_in_dim3A_618 : vector<16x1xi32> to vector<16xi32>
        %gather3A_620 = tpu.dynamic_gather %add3A_617[%gather3A_619] in [0] : vector<16xi32>, vector<16xi32> -> vector<16xi32>
        %jit3A_621 = arith.constant 0 : i32
        %broadcast_in_dim3A_622 = vector.broadcast %jit3A_621 : i32 to vector<16xi32>
        %select_n3A_623 = arith.select %ge3A_39, %gather3A_620, %broadcast_in_dim3A_622 : vector<16xi1>, vector<16xi32>
        %add3A_624 = arith.addi %add3A_617, %select_n3A_623 : vector<16xi32>
        %broadcast_in_dim3A_625 = vector.shape_cast %max3A_31 : vector<16xi32> to vector<16x1xi32>
        %gather3A_626 = vector.shape_cast %broadcast_in_dim3A_625 : vector<16x1xi32> to vector<16xi32>
        %gather3A_627 = tpu.dynamic_gather %add3A_624[%gather3A_626] in [0] : vector<16xi32>, vector<16xi32> -> vector<16xi32>
        %jit3A_628 = arith.constant 0 : i32
        %broadcast_in_dim3A_629 = vector.broadcast %jit3A_628 : i32 to vector<16xi32>
        %select_n3A_630 = arith.select %ge3A_42, %gather3A_627, %broadcast_in_dim3A_629 : vector<16xi1>, vector<16xi32>
        %add3A_631 = arith.addi %add3A_624, %select_n3A_630 : vector<16xi32>
        %sub3A_632 = arith.constant 1 : i32
        %sub3A_633 = vector.broadcast %sub3A_632 : i32 to vector<16xi32>
        %sub3A_634 = arith.subi %add3A_631, %sub3A_633 : vector<16xi32>
        %select_n3A_635 = arith.select %eq3A_598, %sub3A_634, %broadcast_in_dim3A_595 : vector<16xi1>, vector<16xi32>
        %eq3A_636 = arith.constant 0 : i32
        %eq3A_637 = vector.broadcast %eq3A_636 : i32 to vector<16xi32>
        %eq3A_638 = arith.cmpi eq, %iota3A, %eq3A_637 : vector<16xi32>
        %broadcast_in_dim3A_639 = vector.shape_cast %broadcast_in_dim3A_43 : vector<16xi32> to vector<16x1xi32>
        %gather3A_640 = vector.shape_cast %broadcast_in_dim3A_639 : vector<16x1xi32> to vector<16xi32>
        %gather3A_641 = tpu.dynamic_gather %add3A_631[%gather3A_640] in [0] : vector<16xi32>, vector<16xi32> -> vector<16xi32>
        %jit3A_642 = arith.constant 0 : i32
        %broadcast_in_dim3A_643 = vector.broadcast %jit3A_642 : i32 to vector<16xi32>
        %select_n3A_644 = arith.select %eq3A_638, %gather3A_641, %broadcast_in_dim3A_643 : vector<16xi1>, vector<16xi32>
        %add3A_645 = arith.addi %add3A_527, %select_n3A_644 : vector<16xi32>
        %eq3A_646 = arith.constant 1 : i32
        %eq3A_647 = vector.broadcast %eq3A_646 : i32 to vector<16xi32>
        %eq3A_648 = arith.cmpi eq, %select_n3A_577, %eq3A_647 : vector<16xi32>
        %jit3A_649 = arith.constant 1 : i32
        %jit3A_650 = arith.constant 0 : i32
        %broadcast_in_dim3A_651 = vector.broadcast %jit3A_649 : i32 to vector<16xi32>
        %broadcast_in_dim3A_652 = vector.broadcast %jit3A_650 : i32 to vector<16xi32>
        %select_n3A_653 = arith.select %eq3A_648, %broadcast_in_dim3A_651, %broadcast_in_dim3A_652 : vector<16xi1>, vector<16xi32>
        %broadcast_in_dim3A_654 = vector.shape_cast %max3A_13 : vector<16xi32> to vector<16x1xi32>
        %gather3A_655 = vector.shape_cast %broadcast_in_dim3A_654 : vector<16x1xi32> to vector<16xi32>
        %gather3A_656 = tpu.dynamic_gather %select_n3A_653[%gather3A_655] in [0] : vector<16xi32>, vector<16xi32> -> vector<16xi32>
        %jit3A_657 = arith.constant 0 : i32
        %broadcast_in_dim3A_658 = vector.broadcast %jit3A_657 : i32 to vector<16xi32>
        %select_n3A_659 = arith.select %ge3A_33, %gather3A_656, %broadcast_in_dim3A_658 : vector<16xi1>, vector<16xi32>
        %add3A_660 = arith.addi %select_n3A_653, %select_n3A_659 : vector<16xi32>
        %broadcast_in_dim3A_661 = vector.shape_cast %max3A_19 : vector<16xi32> to vector<16x1xi32>
        %gather3A_662 = vector.shape_cast %broadcast_in_dim3A_661 : vector<16x1xi32> to vector<16xi32>
        %gather3A_663 = tpu.dynamic_gather %add3A_660[%gather3A_662] in [0] : vector<16xi32>, vector<16xi32> -> vector<16xi32>
        %jit3A_664 = arith.constant 0 : i32
        %broadcast_in_dim3A_665 = vector.broadcast %jit3A_664 : i32 to vector<16xi32>
        %select_n3A_666 = arith.select %ge3A_36, %gather3A_663, %broadcast_in_dim3A_665 : vector<16xi1>, vector<16xi32>
        %add3A_667 = arith.addi %add3A_660, %select_n3A_666 : vector<16xi32>
        %broadcast_in_dim3A_668 = vector.shape_cast %max3A_25 : vector<16xi32> to vector<16x1xi32>
        %gather3A_669 = vector.shape_cast %broadcast_in_dim3A_668 : vector<16x1xi32> to vector<16xi32>
        %gather3A_670 = tpu.dynamic_gather %add3A_667[%gather3A_669] in [0] : vector<16xi32>, vector<16xi32> -> vector<16xi32>
        %jit3A_671 = arith.constant 0 : i32
        %broadcast_in_dim3A_672 = vector.broadcast %jit3A_671 : i32 to vector<16xi32>
        %select_n3A_673 = arith.select %ge3A_39, %gather3A_670, %broadcast_in_dim3A_672 : vector<16xi1>, vector<16xi32>
        %add3A_674 = arith.addi %add3A_667, %select_n3A_673 : vector<16xi32>
        %broadcast_in_dim3A_675 = vector.shape_cast %max3A_31 : vector<16xi32> to vector<16x1xi32>
        %gather3A_676 = vector.shape_cast %broadcast_in_dim3A_675 : vector<16x1xi32> to vector<16xi32>
        %gather3A_677 = tpu.dynamic_gather %add3A_674[%gather3A_676] in [0] : vector<16xi32>, vector<16xi32> -> vector<16xi32>
        %jit3A_678 = arith.constant 0 : i32
        %broadcast_in_dim3A_679 = vector.broadcast %jit3A_678 : i32 to vector<16xi32>
        %select_n3A_680 = arith.select %ge3A_42, %gather3A_677, %broadcast_in_dim3A_679 : vector<16xi1>, vector<16xi32>
        %add3A_681 = arith.addi %add3A_674, %select_n3A_680 : vector<16xi32>
        %sub3A_682 = arith.constant 1 : i32
        %sub3A_683 = vector.broadcast %sub3A_682 : i32 to vector<16xi32>
        %sub3A_684 = arith.subi %add3A_681, %sub3A_683 : vector<16xi32>
        %select_n3A_685 = arith.select %eq3A_648, %sub3A_684, %select_n3A_635 : vector<16xi1>, vector<16xi32>
        %eq3A_686 = arith.constant 1 : i32
        %eq3A_687 = vector.broadcast %eq3A_686 : i32 to vector<16xi32>
        %eq3A_688 = arith.cmpi eq, %iota3A, %eq3A_687 : vector<16xi32>
        %broadcast_in_dim3A_689 = vector.shape_cast %broadcast_in_dim3A_43 : vector<16xi32> to vector<16x1xi32>
        %gather3A_690 = vector.shape_cast %broadcast_in_dim3A_689 : vector<16x1xi32> to vector<16xi32>
        %gather3A_691 = tpu.dynamic_gather %add3A_681[%gather3A_690] in [0] : vector<16xi32>, vector<16xi32> -> vector<16xi32>
        %jit3A_692 = arith.constant 0 : i32
        %broadcast_in_dim3A_693 = vector.broadcast %jit3A_692 : i32 to vector<16xi32>
        %select_n3A_694 = arith.select %eq3A_688, %gather3A_691, %broadcast_in_dim3A_693 : vector<16xi1>, vector<16xi32>
        %add3A_695 = arith.addi %add3A_645, %select_n3A_694 : vector<16xi32>
        %eq3A_696 = arith.constant 2 : i32
        %eq3A_697 = vector.broadcast %eq3A_696 : i32 to vector<16xi32>
        %eq3A_698 = arith.cmpi eq, %select_n3A_577, %eq3A_697 : vector<16xi32>
        %jit3A_699 = arith.constant 1 : i32
        %jit3A_700 = arith.constant 0 : i32
        %broadcast_in_dim3A_701 = vector.broadcast %jit3A_699 : i32 to vector<16xi32>
        %broadcast_in_dim3A_702 = vector.broadcast %jit3A_700 : i32 to vector<16xi32>
        %select_n3A_703 = arith.select %eq3A_698, %broadcast_in_dim3A_701, %broadcast_in_dim3A_702 : vector<16xi1>, vector<16xi32>
        %broadcast_in_dim3A_704 = vector.shape_cast %max3A_13 : vector<16xi32> to vector<16x1xi32>
        %gather3A_705 = vector.shape_cast %broadcast_in_dim3A_704 : vector<16x1xi32> to vector<16xi32>
        %gather3A_706 = tpu.dynamic_gather %select_n3A_703[%gather3A_705] in [0] : vector<16xi32>, vector<16xi32> -> vector<16xi32>
        %jit3A_707 = arith.constant 0 : i32
        %broadcast_in_dim3A_708 = vector.broadcast %jit3A_707 : i32 to vector<16xi32>
        %select_n3A_709 = arith.select %ge3A_33, %gather3A_706, %broadcast_in_dim3A_708 : vector<16xi1>, vector<16xi32>
        %add3A_710 = arith.addi %select_n3A_703, %select_n3A_709 : vector<16xi32>
        %broadcast_in_dim3A_711 = vector.shape_cast %max3A_19 : vector<16xi32> to vector<16x1xi32>
        %gather3A_712 = vector.shape_cast %broadcast_in_dim3A_711 : vector<16x1xi32> to vector<16xi32>
        %gather3A_713 = tpu.dynamic_gather %add3A_710[%gather3A_712] in [0] : vector<16xi32>, vector<16xi32> -> vector<16xi32>
        %jit3A_714 = arith.constant 0 : i32
        %broadcast_in_dim3A_715 = vector.broadcast %jit3A_714 : i32 to vector<16xi32>
        %select_n3A_716 = arith.select %ge3A_36, %gather3A_713, %broadcast_in_dim3A_715 : vector<16xi1>, vector<16xi32>
        %add3A_717 = arith.addi %add3A_710, %select_n3A_716 : vector<16xi32>
        %broadcast_in_dim3A_718 = vector.shape_cast %max3A_25 : vector<16xi32> to vector<16x1xi32>
        %gather3A_719 = vector.shape_cast %broadcast_in_dim3A_718 : vector<16x1xi32> to vector<16xi32>
        %gather3A_720 = tpu.dynamic_gather %add3A_717[%gather3A_719] in [0] : vector<16xi32>, vector<16xi32> -> vector<16xi32>
        %jit3A_721 = arith.constant 0 : i32
        %broadcast_in_dim3A_722 = vector.broadcast %jit3A_721 : i32 to vector<16xi32>
        %select_n3A_723 = arith.select %ge3A_39, %gather3A_720, %broadcast_in_dim3A_722 : vector<16xi1>, vector<16xi32>
        %add3A_724 = arith.addi %add3A_717, %select_n3A_723 : vector<16xi32>
        %broadcast_in_dim3A_725 = vector.shape_cast %max3A_31 : vector<16xi32> to vector<16x1xi32>
        %gather3A_726 = vector.shape_cast %broadcast_in_dim3A_725 : vector<16x1xi32> to vector<16xi32>
        %gather3A_727 = tpu.dynamic_gather %add3A_724[%gather3A_726] in [0] : vector<16xi32>, vector<16xi32> -> vector<16xi32>
        %jit3A_728 = arith.constant 0 : i32
        %broadcast_in_dim3A_729 = vector.broadcast %jit3A_728 : i32 to vector<16xi32>
        %select_n3A_730 = arith.select %ge3A_42, %gather3A_727, %broadcast_in_dim3A_729 : vector<16xi1>, vector<16xi32>
        %add3A_731 = arith.addi %add3A_724, %select_n3A_730 : vector<16xi32>
        %sub3A_732 = arith.constant 1 : i32
        %sub3A_733 = vector.broadcast %sub3A_732 : i32 to vector<16xi32>
        %sub3A_734 = arith.subi %add3A_731, %sub3A_733 : vector<16xi32>
        %select_n3A_735 = arith.select %eq3A_698, %sub3A_734, %select_n3A_685 : vector<16xi1>, vector<16xi32>
        %eq3A_736 = arith.constant 2 : i32
        %eq3A_737 = vector.broadcast %eq3A_736 : i32 to vector<16xi32>
        %eq3A_738 = arith.cmpi eq, %iota3A, %eq3A_737 : vector<16xi32>
        %broadcast_in_dim3A_739 = vector.shape_cast %broadcast_in_dim3A_43 : vector<16xi32> to vector<16x1xi32>
        %gather3A_740 = vector.shape_cast %broadcast_in_dim3A_739 : vector<16x1xi32> to vector<16xi32>
        %gather3A_741 = tpu.dynamic_gather %add3A_731[%gather3A_740] in [0] : vector<16xi32>, vector<16xi32> -> vector<16xi32>
        %jit3A_742 = arith.constant 0 : i32
        %broadcast_in_dim3A_743 = vector.broadcast %jit3A_742 : i32 to vector<16xi32>
        %select_n3A_744 = arith.select %eq3A_738, %gather3A_741, %broadcast_in_dim3A_743 : vector<16xi1>, vector<16xi32>
        %add3A_745 = arith.addi %add3A_695, %select_n3A_744 : vector<16xi32>
        %eq3A_746 = arith.constant 3 : i32
        %eq3A_747 = vector.broadcast %eq3A_746 : i32 to vector<16xi32>
        %eq3A_748 = arith.cmpi eq, %select_n3A_577, %eq3A_747 : vector<16xi32>
        %jit3A_749 = arith.constant 1 : i32
        %jit3A_750 = arith.constant 0 : i32
        %broadcast_in_dim3A_751 = vector.broadcast %jit3A_749 : i32 to vector<16xi32>
        %broadcast_in_dim3A_752 = vector.broadcast %jit3A_750 : i32 to vector<16xi32>
        %select_n3A_753 = arith.select %eq3A_748, %broadcast_in_dim3A_751, %broadcast_in_dim3A_752 : vector<16xi1>, vector<16xi32>
        %broadcast_in_dim3A_754 = vector.shape_cast %max3A_13 : vector<16xi32> to vector<16x1xi32>
        %gather3A_755 = vector.shape_cast %broadcast_in_dim3A_754 : vector<16x1xi32> to vector<16xi32>
        %gather3A_756 = tpu.dynamic_gather %select_n3A_753[%gather3A_755] in [0] : vector<16xi32>, vector<16xi32> -> vector<16xi32>
        %jit3A_757 = arith.constant 0 : i32
        %broadcast_in_dim3A_758 = vector.broadcast %jit3A_757 : i32 to vector<16xi32>
        %select_n3A_759 = arith.select %ge3A_33, %gather3A_756, %broadcast_in_dim3A_758 : vector<16xi1>, vector<16xi32>
        %add3A_760 = arith.addi %select_n3A_753, %select_n3A_759 : vector<16xi32>
        %broadcast_in_dim3A_761 = vector.shape_cast %max3A_19 : vector<16xi32> to vector<16x1xi32>
        %gather3A_762 = vector.shape_cast %broadcast_in_dim3A_761 : vector<16x1xi32> to vector<16xi32>
        %gather3A_763 = tpu.dynamic_gather %add3A_760[%gather3A_762] in [0] : vector<16xi32>, vector<16xi32> -> vector<16xi32>
        %jit3A_764 = arith.constant 0 : i32
        %broadcast_in_dim3A_765 = vector.broadcast %jit3A_764 : i32 to vector<16xi32>
        %select_n3A_766 = arith.select %ge3A_36, %gather3A_763, %broadcast_in_dim3A_765 : vector<16xi1>, vector<16xi32>
        %add3A_767 = arith.addi %add3A_760, %select_n3A_766 : vector<16xi32>
        %broadcast_in_dim3A_768 = vector.shape_cast %max3A_25 : vector<16xi32> to vector<16x1xi32>
        %gather3A_769 = vector.shape_cast %broadcast_in_dim3A_768 : vector<16x1xi32> to vector<16xi32>
        %gather3A_770 = tpu.dynamic_gather %add3A_767[%gather3A_769] in [0] : vector<16xi32>, vector<16xi32> -> vector<16xi32>
        %jit3A_771 = arith.constant 0 : i32
        %broadcast_in_dim3A_772 = vector.broadcast %jit3A_771 : i32 to vector<16xi32>
        %select_n3A_773 = arith.select %ge3A_39, %gather3A_770, %broadcast_in_dim3A_772 : vector<16xi1>, vector<16xi32>
        %add3A_774 = arith.addi %add3A_767, %select_n3A_773 : vector<16xi32>
        %broadcast_in_dim3A_775 = vector.shape_cast %max3A_31 : vector<16xi32> to vector<16x1xi32>
        %gather3A_776 = vector.shape_cast %broadcast_in_dim3A_775 : vector<16x1xi32> to vector<16xi32>
        %gather3A_777 = tpu.dynamic_gather %add3A_774[%gather3A_776] in [0] : vector<16xi32>, vector<16xi32> -> vector<16xi32>
        %jit3A_778 = arith.constant 0 : i32
        %broadcast_in_dim3A_779 = vector.broadcast %jit3A_778 : i32 to vector<16xi32>
        %select_n3A_780 = arith.select %ge3A_42, %gather3A_777, %broadcast_in_dim3A_779 : vector<16xi1>, vector<16xi32>
        %add3A_781 = arith.addi %add3A_774, %select_n3A_780 : vector<16xi32>
        %sub3A_782 = arith.constant 1 : i32
        %sub3A_783 = vector.broadcast %sub3A_782 : i32 to vector<16xi32>
        %sub3A_784 = arith.subi %add3A_781, %sub3A_783 : vector<16xi32>
        %select_n3A_785 = arith.select %eq3A_748, %sub3A_784, %select_n3A_735 : vector<16xi1>, vector<16xi32>
        %eq3A_786 = arith.constant 3 : i32
        %eq3A_787 = vector.broadcast %eq3A_786 : i32 to vector<16xi32>
        %eq3A_788 = arith.cmpi eq, %iota3A, %eq3A_787 : vector<16xi32>
        %broadcast_in_dim3A_789 = vector.shape_cast %broadcast_in_dim3A_43 : vector<16xi32> to vector<16x1xi32>
        %gather3A_790 = vector.shape_cast %broadcast_in_dim3A_789 : vector<16x1xi32> to vector<16xi32>
        %gather3A_791 = tpu.dynamic_gather %add3A_781[%gather3A_790] in [0] : vector<16xi32>, vector<16xi32> -> vector<16xi32>
        %jit3A_792 = arith.constant 0 : i32
        %broadcast_in_dim3A_793 = vector.broadcast %jit3A_792 : i32 to vector<16xi32>
        %select_n3A_794 = arith.select %eq3A_788, %gather3A_791, %broadcast_in_dim3A_793 : vector<16xi1>, vector<16xi32>
        %add3A_795 = arith.addi %add3A_745, %select_n3A_794 : vector<16xi32>
        %eq3A_796 = arith.constant 4 : i32
        %eq3A_797 = vector.broadcast %eq3A_796 : i32 to vector<16xi32>
        %eq3A_798 = arith.cmpi eq, %select_n3A_577, %eq3A_797 : vector<16xi32>
        %jit3A_799 = arith.constant 1 : i32
        %jit3A_800 = arith.constant 0 : i32
        %broadcast_in_dim3A_801 = vector.broadcast %jit3A_799 : i32 to vector<16xi32>
        %broadcast_in_dim3A_802 = vector.broadcast %jit3A_800 : i32 to vector<16xi32>
        %select_n3A_803 = arith.select %eq3A_798, %broadcast_in_dim3A_801, %broadcast_in_dim3A_802 : vector<16xi1>, vector<16xi32>
        %broadcast_in_dim3A_804 = vector.shape_cast %max3A_13 : vector<16xi32> to vector<16x1xi32>
        %gather3A_805 = vector.shape_cast %broadcast_in_dim3A_804 : vector<16x1xi32> to vector<16xi32>
        %gather3A_806 = tpu.dynamic_gather %select_n3A_803[%gather3A_805] in [0] : vector<16xi32>, vector<16xi32> -> vector<16xi32>
        %jit3A_807 = arith.constant 0 : i32
        %broadcast_in_dim3A_808 = vector.broadcast %jit3A_807 : i32 to vector<16xi32>
        %select_n3A_809 = arith.select %ge3A_33, %gather3A_806, %broadcast_in_dim3A_808 : vector<16xi1>, vector<16xi32>
        %add3A_810 = arith.addi %select_n3A_803, %select_n3A_809 : vector<16xi32>
        %broadcast_in_dim3A_811 = vector.shape_cast %max3A_19 : vector<16xi32> to vector<16x1xi32>
        %gather3A_812 = vector.shape_cast %broadcast_in_dim3A_811 : vector<16x1xi32> to vector<16xi32>
        %gather3A_813 = tpu.dynamic_gather %add3A_810[%gather3A_812] in [0] : vector<16xi32>, vector<16xi32> -> vector<16xi32>
        %jit3A_814 = arith.constant 0 : i32
        %broadcast_in_dim3A_815 = vector.broadcast %jit3A_814 : i32 to vector<16xi32>
        %select_n3A_816 = arith.select %ge3A_36, %gather3A_813, %broadcast_in_dim3A_815 : vector<16xi1>, vector<16xi32>
        %add3A_817 = arith.addi %add3A_810, %select_n3A_816 : vector<16xi32>
        %broadcast_in_dim3A_818 = vector.shape_cast %max3A_25 : vector<16xi32> to vector<16x1xi32>
        %gather3A_819 = vector.shape_cast %broadcast_in_dim3A_818 : vector<16x1xi32> to vector<16xi32>
        %gather3A_820 = tpu.dynamic_gather %add3A_817[%gather3A_819] in [0] : vector<16xi32>, vector<16xi32> -> vector<16xi32>
        %jit3A_821 = arith.constant 0 : i32
        %broadcast_in_dim3A_822 = vector.broadcast %jit3A_821 : i32 to vector<16xi32>
        %select_n3A_823 = arith.select %ge3A_39, %gather3A_820, %broadcast_in_dim3A_822 : vector<16xi1>, vector<16xi32>
        %add3A_824 = arith.addi %add3A_817, %select_n3A_823 : vector<16xi32>
        %broadcast_in_dim3A_825 = vector.shape_cast %max3A_31 : vector<16xi32> to vector<16x1xi32>
        %gather3A_826 = vector.shape_cast %broadcast_in_dim3A_825 : vector<16x1xi32> to vector<16xi32>
        %gather3A_827 = tpu.dynamic_gather %add3A_824[%gather3A_826] in [0] : vector<16xi32>, vector<16xi32> -> vector<16xi32>
        %jit3A_828 = arith.constant 0 : i32
        %broadcast_in_dim3A_829 = vector.broadcast %jit3A_828 : i32 to vector<16xi32>
        %select_n3A_830 = arith.select %ge3A_42, %gather3A_827, %broadcast_in_dim3A_829 : vector<16xi1>, vector<16xi32>
        %add3A_831 = arith.addi %add3A_824, %select_n3A_830 : vector<16xi32>
        %sub3A_832 = arith.constant 1 : i32
        %sub3A_833 = vector.broadcast %sub3A_832 : i32 to vector<16xi32>
        %sub3A_834 = arith.subi %add3A_831, %sub3A_833 : vector<16xi32>
        %select_n3A_835 = arith.select %eq3A_798, %sub3A_834, %select_n3A_785 : vector<16xi1>, vector<16xi32>
        %eq3A_836 = arith.constant 4 : i32
        %eq3A_837 = vector.broadcast %eq3A_836 : i32 to vector<16xi32>
        %eq3A_838 = arith.cmpi eq, %iota3A, %eq3A_837 : vector<16xi32>
        %broadcast_in_dim3A_839 = vector.shape_cast %broadcast_in_dim3A_43 : vector<16xi32> to vector<16x1xi32>
        %gather3A_840 = vector.shape_cast %broadcast_in_dim3A_839 : vector<16x1xi32> to vector<16xi32>
        %gather3A_841 = tpu.dynamic_gather %add3A_831[%gather3A_840] in [0] : vector<16xi32>, vector<16xi32> -> vector<16xi32>
        %jit3A_842 = arith.constant 0 : i32
        %broadcast_in_dim3A_843 = vector.broadcast %jit3A_842 : i32 to vector<16xi32>
        %select_n3A_844 = arith.select %eq3A_838, %gather3A_841, %broadcast_in_dim3A_843 : vector<16xi1>, vector<16xi32>
        %add3A_845 = arith.addi %add3A_795, %select_n3A_844 : vector<16xi32>
        %eq3A_846 = arith.constant 5 : i32
        %eq3A_847 = vector.broadcast %eq3A_846 : i32 to vector<16xi32>
        %eq3A_848 = arith.cmpi eq, %select_n3A_577, %eq3A_847 : vector<16xi32>
        %jit3A_849 = arith.constant 1 : i32
        %jit3A_850 = arith.constant 0 : i32
        %broadcast_in_dim3A_851 = vector.broadcast %jit3A_849 : i32 to vector<16xi32>
        %broadcast_in_dim3A_852 = vector.broadcast %jit3A_850 : i32 to vector<16xi32>
        %select_n3A_853 = arith.select %eq3A_848, %broadcast_in_dim3A_851, %broadcast_in_dim3A_852 : vector<16xi1>, vector<16xi32>
        %broadcast_in_dim3A_854 = vector.shape_cast %max3A_13 : vector<16xi32> to vector<16x1xi32>
        %gather3A_855 = vector.shape_cast %broadcast_in_dim3A_854 : vector<16x1xi32> to vector<16xi32>
        %gather3A_856 = tpu.dynamic_gather %select_n3A_853[%gather3A_855] in [0] : vector<16xi32>, vector<16xi32> -> vector<16xi32>
        %jit3A_857 = arith.constant 0 : i32
        %broadcast_in_dim3A_858 = vector.broadcast %jit3A_857 : i32 to vector<16xi32>
        %select_n3A_859 = arith.select %ge3A_33, %gather3A_856, %broadcast_in_dim3A_858 : vector<16xi1>, vector<16xi32>
        %add3A_860 = arith.addi %select_n3A_853, %select_n3A_859 : vector<16xi32>
        %broadcast_in_dim3A_861 = vector.shape_cast %max3A_19 : vector<16xi32> to vector<16x1xi32>
        %gather3A_862 = vector.shape_cast %broadcast_in_dim3A_861 : vector<16x1xi32> to vector<16xi32>
        %gather3A_863 = tpu.dynamic_gather %add3A_860[%gather3A_862] in [0] : vector<16xi32>, vector<16xi32> -> vector<16xi32>
        %jit3A_864 = arith.constant 0 : i32
        %broadcast_in_dim3A_865 = vector.broadcast %jit3A_864 : i32 to vector<16xi32>
        %select_n3A_866 = arith.select %ge3A_36, %gather3A_863, %broadcast_in_dim3A_865 : vector<16xi1>, vector<16xi32>
        %add3A_867 = arith.addi %add3A_860, %select_n3A_866 : vector<16xi32>
        %broadcast_in_dim3A_868 = vector.shape_cast %max3A_25 : vector<16xi32> to vector<16x1xi32>
        %gather3A_869 = vector.shape_cast %broadcast_in_dim3A_868 : vector<16x1xi32> to vector<16xi32>
        %gather3A_870 = tpu.dynamic_gather %add3A_867[%gather3A_869] in [0] : vector<16xi32>, vector<16xi32> -> vector<16xi32>
        %jit3A_871 = arith.constant 0 : i32
        %broadcast_in_dim3A_872 = vector.broadcast %jit3A_871 : i32 to vector<16xi32>
        %select_n3A_873 = arith.select %ge3A_39, %gather3A_870, %broadcast_in_dim3A_872 : vector<16xi1>, vector<16xi32>
        %add3A_874 = arith.addi %add3A_867, %select_n3A_873 : vector<16xi32>
        %broadcast_in_dim3A_875 = vector.shape_cast %max3A_31 : vector<16xi32> to vector<16x1xi32>
        %gather3A_876 = vector.shape_cast %broadcast_in_dim3A_875 : vector<16x1xi32> to vector<16xi32>
        %gather3A_877 = tpu.dynamic_gather %add3A_874[%gather3A_876] in [0] : vector<16xi32>, vector<16xi32> -> vector<16xi32>
        %jit3A_878 = arith.constant 0 : i32
        %broadcast_in_dim3A_879 = vector.broadcast %jit3A_878 : i32 to vector<16xi32>
        %select_n3A_880 = arith.select %ge3A_42, %gather3A_877, %broadcast_in_dim3A_879 : vector<16xi1>, vector<16xi32>
        %add3A_881 = arith.addi %add3A_874, %select_n3A_880 : vector<16xi32>
        %sub3A_882 = arith.constant 1 : i32
        %sub3A_883 = vector.broadcast %sub3A_882 : i32 to vector<16xi32>
        %sub3A_884 = arith.subi %add3A_881, %sub3A_883 : vector<16xi32>
        %select_n3A_885 = arith.select %eq3A_848, %sub3A_884, %select_n3A_835 : vector<16xi1>, vector<16xi32>
        %eq3A_886 = arith.constant 5 : i32
        %eq3A_887 = vector.broadcast %eq3A_886 : i32 to vector<16xi32>
        %eq3A_888 = arith.cmpi eq, %iota3A, %eq3A_887 : vector<16xi32>
        %broadcast_in_dim3A_889 = vector.shape_cast %broadcast_in_dim3A_43 : vector<16xi32> to vector<16x1xi32>
        %gather3A_890 = vector.shape_cast %broadcast_in_dim3A_889 : vector<16x1xi32> to vector<16xi32>
        %gather3A_891 = tpu.dynamic_gather %add3A_881[%gather3A_890] in [0] : vector<16xi32>, vector<16xi32> -> vector<16xi32>
        %jit3A_892 = arith.constant 0 : i32
        %broadcast_in_dim3A_893 = vector.broadcast %jit3A_892 : i32 to vector<16xi32>
        %select_n3A_894 = arith.select %eq3A_888, %gather3A_891, %broadcast_in_dim3A_893 : vector<16xi1>, vector<16xi32>
        %add3A_895 = arith.addi %add3A_845, %select_n3A_894 : vector<16xi32>
        %eq3A_896 = arith.constant 6 : i32
        %eq3A_897 = vector.broadcast %eq3A_896 : i32 to vector<16xi32>
        %eq3A_898 = arith.cmpi eq, %select_n3A_577, %eq3A_897 : vector<16xi32>
        %jit3A_899 = arith.constant 1 : i32
        %jit3A_900 = arith.constant 0 : i32
        %broadcast_in_dim3A_901 = vector.broadcast %jit3A_899 : i32 to vector<16xi32>
        %broadcast_in_dim3A_902 = vector.broadcast %jit3A_900 : i32 to vector<16xi32>
        %select_n3A_903 = arith.select %eq3A_898, %broadcast_in_dim3A_901, %broadcast_in_dim3A_902 : vector<16xi1>, vector<16xi32>
        %broadcast_in_dim3A_904 = vector.shape_cast %max3A_13 : vector<16xi32> to vector<16x1xi32>
        %gather3A_905 = vector.shape_cast %broadcast_in_dim3A_904 : vector<16x1xi32> to vector<16xi32>
        %gather3A_906 = tpu.dynamic_gather %select_n3A_903[%gather3A_905] in [0] : vector<16xi32>, vector<16xi32> -> vector<16xi32>
        %jit3A_907 = arith.constant 0 : i32
        %broadcast_in_dim3A_908 = vector.broadcast %jit3A_907 : i32 to vector<16xi32>
        %select_n3A_909 = arith.select %ge3A_33, %gather3A_906, %broadcast_in_dim3A_908 : vector<16xi1>, vector<16xi32>
        %add3A_910 = arith.addi %select_n3A_903, %select_n3A_909 : vector<16xi32>
        %broadcast_in_dim3A_911 = vector.shape_cast %max3A_19 : vector<16xi32> to vector<16x1xi32>
        %gather3A_912 = vector.shape_cast %broadcast_in_dim3A_911 : vector<16x1xi32> to vector<16xi32>
        %gather3A_913 = tpu.dynamic_gather %add3A_910[%gather3A_912] in [0] : vector<16xi32>, vector<16xi32> -> vector<16xi32>
        %jit3A_914 = arith.constant 0 : i32
        %broadcast_in_dim3A_915 = vector.broadcast %jit3A_914 : i32 to vector<16xi32>
        %select_n3A_916 = arith.select %ge3A_36, %gather3A_913, %broadcast_in_dim3A_915 : vector<16xi1>, vector<16xi32>
        %add3A_917 = arith.addi %add3A_910, %select_n3A_916 : vector<16xi32>
        %broadcast_in_dim3A_918 = vector.shape_cast %max3A_25 : vector<16xi32> to vector<16x1xi32>
        %gather3A_919 = vector.shape_cast %broadcast_in_dim3A_918 : vector<16x1xi32> to vector<16xi32>
        %gather3A_920 = tpu.dynamic_gather %add3A_917[%gather3A_919] in [0] : vector<16xi32>, vector<16xi32> -> vector<16xi32>
        %jit3A_921 = arith.constant 0 : i32
        %broadcast_in_dim3A_922 = vector.broadcast %jit3A_921 : i32 to vector<16xi32>
        %select_n3A_923 = arith.select %ge3A_39, %gather3A_920, %broadcast_in_dim3A_922 : vector<16xi1>, vector<16xi32>
        %add3A_924 = arith.addi %add3A_917, %select_n3A_923 : vector<16xi32>
        %broadcast_in_dim3A_925 = vector.shape_cast %max3A_31 : vector<16xi32> to vector<16x1xi32>
        %gather3A_926 = vector.shape_cast %broadcast_in_dim3A_925 : vector<16x1xi32> to vector<16xi32>
        %gather3A_927 = tpu.dynamic_gather %add3A_924[%gather3A_926] in [0] : vector<16xi32>, vector<16xi32> -> vector<16xi32>
        %jit3A_928 = arith.constant 0 : i32
        %broadcast_in_dim3A_929 = vector.broadcast %jit3A_928 : i32 to vector<16xi32>
        %select_n3A_930 = arith.select %ge3A_42, %gather3A_927, %broadcast_in_dim3A_929 : vector<16xi1>, vector<16xi32>
        %add3A_931 = arith.addi %add3A_924, %select_n3A_930 : vector<16xi32>
        %sub3A_932 = arith.constant 1 : i32
        %sub3A_933 = vector.broadcast %sub3A_932 : i32 to vector<16xi32>
        %sub3A_934 = arith.subi %add3A_931, %sub3A_933 : vector<16xi32>
        %select_n3A_935 = arith.select %eq3A_898, %sub3A_934, %select_n3A_885 : vector<16xi1>, vector<16xi32>
        %eq3A_936 = arith.constant 6 : i32
        %eq3A_937 = vector.broadcast %eq3A_936 : i32 to vector<16xi32>
        %eq3A_938 = arith.cmpi eq, %iota3A, %eq3A_937 : vector<16xi32>
        %broadcast_in_dim3A_939 = vector.shape_cast %broadcast_in_dim3A_43 : vector<16xi32> to vector<16x1xi32>
        %gather3A_940 = vector.shape_cast %broadcast_in_dim3A_939 : vector<16x1xi32> to vector<16xi32>
        %gather3A_941 = tpu.dynamic_gather %add3A_931[%gather3A_940] in [0] : vector<16xi32>, vector<16xi32> -> vector<16xi32>
        %jit3A_942 = arith.constant 0 : i32
        %broadcast_in_dim3A_943 = vector.broadcast %jit3A_942 : i32 to vector<16xi32>
        %select_n3A_944 = arith.select %eq3A_938, %gather3A_941, %broadcast_in_dim3A_943 : vector<16xi1>, vector<16xi32>
        %add3A_945 = arith.addi %add3A_895, %select_n3A_944 : vector<16xi32>
        %eq3A_946 = arith.constant 7 : i32
        %eq3A_947 = vector.broadcast %eq3A_946 : i32 to vector<16xi32>
        %eq3A_948 = arith.cmpi eq, %select_n3A_577, %eq3A_947 : vector<16xi32>
        %jit3A_949 = arith.constant 1 : i32
        %jit3A_950 = arith.constant 0 : i32
        %broadcast_in_dim3A_951 = vector.broadcast %jit3A_949 : i32 to vector<16xi32>
        %broadcast_in_dim3A_952 = vector.broadcast %jit3A_950 : i32 to vector<16xi32>
        %select_n3A_953 = arith.select %eq3A_948, %broadcast_in_dim3A_951, %broadcast_in_dim3A_952 : vector<16xi1>, vector<16xi32>
        %broadcast_in_dim3A_954 = vector.shape_cast %max3A_13 : vector<16xi32> to vector<16x1xi32>
        %gather3A_955 = vector.shape_cast %broadcast_in_dim3A_954 : vector<16x1xi32> to vector<16xi32>
        %gather3A_956 = tpu.dynamic_gather %select_n3A_953[%gather3A_955] in [0] : vector<16xi32>, vector<16xi32> -> vector<16xi32>
        %jit3A_957 = arith.constant 0 : i32
        %broadcast_in_dim3A_958 = vector.broadcast %jit3A_957 : i32 to vector<16xi32>
        %select_n3A_959 = arith.select %ge3A_33, %gather3A_956, %broadcast_in_dim3A_958 : vector<16xi1>, vector<16xi32>
        %add3A_960 = arith.addi %select_n3A_953, %select_n3A_959 : vector<16xi32>
        %broadcast_in_dim3A_961 = vector.shape_cast %max3A_19 : vector<16xi32> to vector<16x1xi32>
        %gather3A_962 = vector.shape_cast %broadcast_in_dim3A_961 : vector<16x1xi32> to vector<16xi32>
        %gather3A_963 = tpu.dynamic_gather %add3A_960[%gather3A_962] in [0] : vector<16xi32>, vector<16xi32> -> vector<16xi32>
        %jit3A_964 = arith.constant 0 : i32
        %broadcast_in_dim3A_965 = vector.broadcast %jit3A_964 : i32 to vector<16xi32>
        %select_n3A_966 = arith.select %ge3A_36, %gather3A_963, %broadcast_in_dim3A_965 : vector<16xi1>, vector<16xi32>
        %add3A_967 = arith.addi %add3A_960, %select_n3A_966 : vector<16xi32>
        %broadcast_in_dim3A_968 = vector.shape_cast %max3A_25 : vector<16xi32> to vector<16x1xi32>
        %gather3A_969 = vector.shape_cast %broadcast_in_dim3A_968 : vector<16x1xi32> to vector<16xi32>
        %gather3A_970 = tpu.dynamic_gather %add3A_967[%gather3A_969] in [0] : vector<16xi32>, vector<16xi32> -> vector<16xi32>
        %jit3A_971 = arith.constant 0 : i32
        %broadcast_in_dim3A_972 = vector.broadcast %jit3A_971 : i32 to vector<16xi32>
        %select_n3A_973 = arith.select %ge3A_39, %gather3A_970, %broadcast_in_dim3A_972 : vector<16xi1>, vector<16xi32>
        %add3A_974 = arith.addi %add3A_967, %select_n3A_973 : vector<16xi32>
        %broadcast_in_dim3A_975 = vector.shape_cast %max3A_31 : vector<16xi32> to vector<16x1xi32>
        %gather3A_976 = vector.shape_cast %broadcast_in_dim3A_975 : vector<16x1xi32> to vector<16xi32>
        %gather3A_977 = tpu.dynamic_gather %add3A_974[%gather3A_976] in [0] : vector<16xi32>, vector<16xi32> -> vector<16xi32>
        %jit3A_978 = arith.constant 0 : i32
        %broadcast_in_dim3A_979 = vector.broadcast %jit3A_978 : i32 to vector<16xi32>
        %select_n3A_980 = arith.select %ge3A_42, %gather3A_977, %broadcast_in_dim3A_979 : vector<16xi1>, vector<16xi32>
        %add3A_981 = arith.addi %add3A_974, %select_n3A_980 : vector<16xi32>
        %sub3A_982 = arith.constant 1 : i32
        %sub3A_983 = vector.broadcast %sub3A_982 : i32 to vector<16xi32>
        %sub3A_984 = arith.subi %add3A_981, %sub3A_983 : vector<16xi32>
        %select_n3A_985 = arith.select %eq3A_948, %sub3A_984, %select_n3A_935 : vector<16xi1>, vector<16xi32>
        %eq3A_986 = arith.constant 7 : i32
        %eq3A_987 = vector.broadcast %eq3A_986 : i32 to vector<16xi32>
        %eq3A_988 = arith.cmpi eq, %iota3A, %eq3A_987 : vector<16xi32>
        %broadcast_in_dim3A_989 = vector.shape_cast %broadcast_in_dim3A_43 : vector<16xi32> to vector<16x1xi32>
        %gather3A_990 = vector.shape_cast %broadcast_in_dim3A_989 : vector<16x1xi32> to vector<16xi32>
        %gather3A_991 = tpu.dynamic_gather %add3A_981[%gather3A_990] in [0] : vector<16xi32>, vector<16xi32> -> vector<16xi32>
        %jit3A_992 = arith.constant 0 : i32
        %broadcast_in_dim3A_993 = vector.broadcast %jit3A_992 : i32 to vector<16xi32>
        %select_n3A_994 = arith.select %eq3A_988, %gather3A_991, %broadcast_in_dim3A_993 : vector<16xi1>, vector<16xi32>
        %add3A_995 = arith.addi %add3A_945, %select_n3A_994 : vector<16xi32>
        %add3A_996 = arith.addi %gather3A_593, %select_n3A_985 : vector<16xi32>
        %lt3A_997 = arith.constant 1024 : i32
        %lt3A_998 = vector.broadcast %lt3A_997 : i32 to vector<16xi32>
        %lt3A_999 = arith.cmpi slt, %add3A_996, %lt3A_998 : vector<16xi32>
        %mul3A_1000 = arith.constant 1024 : i32
        %mul3A_1001 = vector.broadcast %mul3A_1000 : i32 to vector<16xi32>
        %mul3A_1002 = arith.muli %select_n3A_577, %mul3A_1001 : vector<16xi32>
        %add3A_1003 = arith.addi %mul3A_1002, %add3A_996 : vector<16xi32>
        %and3A_1004 = arith.constant 3 : i32
        %and3A_1005 = arith.andi %scan3A_74, %and3A_1004 : i32
        %mul3A_1006 = arith.constant 32 : i32
        %mul3A_1007 = arith.muli %and3A_1005, %mul3A_1006 : i32
        %add3A_1008 = arith.constant 16 : i32
        %add3A_1009 = arith.addi %mul3A_1007, %add3A_1008 : i32
        %add3A_1010 = arith.constant 8192 : i32
        %add3A_1011 = vector.broadcast %add3A_1010 : i32 to vector<16xi32>
        %add3A_1012 = arith.addi %add3A_1011, %iota3A : vector<16xi32>
        %select_n3A_1013 = arith.select %lt3A_999, %add3A_1003, %add3A_1012 : vector<16xi1>, vector<16xi32>
        %swap3A_1014 = arith.index_cast %add3A_1009 : i32 to index
        %swap3A_1015 = tpu.vector_load %arg13[%swap3A_1014] {strides = array<i32>} : memref<128xi32, #tpu.memory_space<vmem>>, vector<16xi32>,
        %swap3A_1016 = vector.shape_cast %swap3A_1015 : vector<16xi32> to vector<16xi32>
        %swap3A_1017 = vector.shape_cast %select_n3A_1013 : vector<16xi32> to vector<16xi32>
        tpu.vector_store %arg13[%swap3A_1014], %swap3A_1017 {strides = array<i32>} : memref<128xi32, #tpu.memory_space<vmem>>, vector<16xi32>,
        %swap3A_1018 = arith.index_cast %add3A_1009 : i32 to index
        %swap3A_1019 = tpu.vector_load %arg14[%swap3A_1018] {strides = array<i32>} : memref<128xi32, #tpu.memory_space<vmem>>, vector<16xi32>,
        %swap3A_1020 = vector.shape_cast %swap3A_1019 : vector<16xi32> to vector<16xi32>
        %swap3A_1021 = vector.shape_cast %add3A_590 : vector<16xi32> to vector<16xi32>
        tpu.vector_store %arg14[%swap3A_1018], %swap3A_1021 {strides = array<i32>} : memref<128xi32, #tpu.memory_space<vmem>>, vector<16xi32>,
        %swap3A_1022 = arith.index_cast %add3A_1009 : i32 to index
        %swap3A_1023 = tpu.vector_load %arg15[%swap3A_1022] {strides = array<i32>} : memref<128xf32, #tpu.memory_space<vmem>>, vector<16xf32>,
        %swap3A_1024 = vector.shape_cast %swap3A_1023 : vector<16xf32> to vector<16xf32>
        %swap3A_1025 = vector.shape_cast %select_n3A_584 : vector<16xf32> to vector<16xf32>
        tpu.vector_store %arg15[%swap3A_1022], %swap3A_1025 {strides = array<i32>} : memref<128xf32, #tpu.memory_space<vmem>>, vector<16xf32>,
        %jit3A_1026 = arith.constant -1 : i32
        %broadcast_in_dim3A_1027 = vector.broadcast %jit3A_1026 : i32 to vector<16xi32>
        %select_n3A_1028 = arith.select %lt3A_999, %add3A_1003, %broadcast_in_dim3A_1027 : vector<16xi1>, vector<16xi32>
        %mul3A_1029 = arith.constant 32 : i32
        %mul3A_1030 = arith.muli %scan3A_74, %mul3A_1029 : i32
        %add3A_1031 = arith.constant 16 : i32
        %add3A_1032 = arith.addi %mul3A_1030, %add3A_1031 : i32
        %swap3A_1033 = arith.index_cast %add3A_1032 : i32 to index
        %swap3A_1034 = tpu.vector_load %arg10[%swap3A_1033] {strides = array<i32>} : memref<4096xi32, #tpu.memory_space<vmem>>, vector<16xi32>,
        %swap3A_1035 = vector.shape_cast %swap3A_1034 : vector<16xi32> to vector<16xi32>
        %swap3A_1036 = vector.shape_cast %select_n3A_1028 : vector<16xi32> to vector<16xi32>
        tpu.vector_store %arg10[%swap3A_1033], %swap3A_1036 {strides = array<i32>} : memref<4096xi32, #tpu.memory_space<vmem>>, vector<16xi32>,
        %and3A_1037 = arith.constant 3 : i32
        %and3A_1038 = arith.andi %scan3A_74, %and3A_1037 : i32
        %eq3A_1039 = arith.constant 3 : i32
        %eq3A_1040 = arith.cmpi eq, %and3A_1038, %eq3A_1039 : i32
        %convert_element_type3A_1041 = arith.extui %eq3A_1040 : i1 to i32
        %cond3A_1042 = arith.constant 0 : i32
        %cond3A_1043 = arith.cmpi ne, %convert_element_type3A_1041, %cond3A_1042 : i32
        scf.if %cond3A_1043 {
          %dma_start3A = arith.constant 0 : i32
          %dma_start3A_1044 = tpu.memref_slice %arg4[%dma_start3A] : memref<8208xi32, #tpu.memory_space<hbm>> -> memref<8208xi32, #tpu.memory_space<hbm>>
          tpu.enqueue_indirect_dma source(%arg14 : memref<128xi32, #tpu.memory_space<vmem>>) target(%dma_start3A_1044 : memref<8208xi32, #tpu.memory_space<hbm>>) offsets(%arg13 : memref<128xi32, #tpu.memory_space<vmem>>) semaphore(%arg17 : memref<!tpu.dma_semaphore, #tpu.memory_space<semaphore_mem>>)
          %dma_wait3A = arith.constant 0 : i32
          %dma_wait3A_1045 = tpu.memref_slice %arg4[%dma_wait3A] : memref<8208xi32, #tpu.memory_space<hbm>> -> memref<8208xi32, #tpu.memory_space<hbm>>
          tpu.wait_indirect_dma semaphore(%arg17 : memref<!tpu.dma_semaphore, #tpu.memory_space<semaphore_mem>>) src(%arg14 : memref<128xi32, #tpu.memory_space<vmem>>) dst(%dma_wait3A_1045 : memref<8208xi32, #tpu.memory_space<hbm>>)
          %dma_start3A_1046 = arith.constant 0 : i32
          %dma_start3A_1047 = tpu.memref_slice %arg5[%dma_start3A_1046] : memref<8208xf32, #tpu.memory_space<hbm>> -> memref<8208xf32, #tpu.memory_space<hbm>>
          tpu.enqueue_indirect_dma source(%arg15 : memref<128xf32, #tpu.memory_space<vmem>>) target(%dma_start3A_1047 : memref<8208xf32, #tpu.memory_space<hbm>>) offsets(%arg13 : memref<128xi32, #tpu.memory_space<vmem>>) semaphore(%arg17 : memref<!tpu.dma_semaphore, #tpu.memory_space<semaphore_mem>>)
          %dma_wait3A_1048 = arith.constant 0 : i32
          %dma_wait3A_1049 = tpu.memref_slice %arg5[%dma_wait3A_1048] : memref<8208xf32, #tpu.memory_space<hbm>> -> memref<8208xf32, #tpu.memory_space<hbm>>
          tpu.wait_indirect_dma semaphore(%arg17 : memref<!tpu.dma_semaphore, #tpu.memory_space<semaphore_mem>>) src(%arg15 : memref<128xf32, #tpu.memory_space<vmem>>) dst(%dma_wait3A_1049 : memref<8208xf32, #tpu.memory_space<hbm>>)
        } else {
        }
        scf.yield %add3A_995 : vector<16xi32>
      }
      %scan3A_62 = arith.constant 128 : i32
      %min3A = arith.constant 1024 : i32
      %min3A_63 = vector.broadcast %min3A : i32 to vector<16xi32>
      %min3A_64 = arith.minsi %scan3A_61, %min3A_63 : vector<16xi32>
      %swap3A = arith.constant 0 : index
      %swap3A_65 = tpu.vector_load %arg16[%swap3A] {strides = array<i32>} : memref<16xi32, #tpu.memory_space<vmem>>, vector<16xi32>,
      %swap3A_66 = vector.shape_cast %swap3A_65 : vector<16xi32> to vector<16xi32>
      %swap3A_67 = vector.shape_cast %min3A_64 : vector<16xi32> to vector<16xi32>
      tpu.vector_store %arg16[%swap3A], %swap3A_67 {strides = array<i32>} : memref<16xi32, #tpu.memory_space<vmem>>, vector<16xi32>,
      "tpu.region"() ({
        %run_scoped3A = tpu.sem_alloc : memref<!tpu.dma_semaphore, #tpu.memory_space<semaphore_mem>>
        tpu.enqueue_dma source(%arg16 : memref<16xi32, #tpu.memory_space<vmem>>) target(%arg7 : memref<16xi32, #tpu.memory_space<hbm>>) target_semaphore(%run_scoped3A : memref<!tpu.dma_semaphore, #tpu.memory_space<semaphore_mem>>)
        tpu.wait_dma2 semaphore(%run_scoped3A : memref<!tpu.dma_semaphore, #tpu.memory_space<semaphore_mem>>) src(%arg16 : memref<16xi32, #tpu.memory_space<vmem>>) dst(%arg7 : memref<16xi32, #tpu.memory_space<hbm>>)
        tpu.yield
      }) : () -> ()
      %scan3A_68 = arith.constant 0 : i32
      %scan3A_69 = arith.constant 0 : i32
      %scan3A_70 = arith.constant 256 : i32
      %scan3A_71 = arith.addi %scan3A_69, %scan3A_70 : i32
      %scan3A_72 = arith.constant 1 : i32
      scf.for %scan3A_74 = %scan3A_69 to %scan3A_71 step %scan3A_72  : i32 {
        %mul3A_75 = arith.constant 16 : i32
        %mul3A_76 = arith.muli %scan3A_74, %mul3A_75 : i32
        %get3A = arith.index_cast %mul3A_76 : i32 to index
        %get3A_77 = tpu.vector_load %arg10[%get3A] {strides = array<i32>} : memref<4096xi32, #tpu.memory_space<vmem>>, vector<16xi32>,
        %get3A_78 = vector.shape_cast %get3A_77 : vector<16xi32> to vector<16xi32>
        %lt3A = arith.constant 0 : i32
        %lt3A_79 = vector.broadcast %lt3A : i32 to vector<16xi32>
        %lt3A_80 = arith.cmpi slt, %get3A_78, %lt3A_79 : vector<16xi32>
        %jit3A = arith.constant 8192 : i32
        %broadcast_in_dim3A_81 = vector.broadcast %jit3A : i32 to vector<16xi32>
        %select_n3A = arith.select %lt3A_80, %broadcast_in_dim3A_81, %get3A_78 : vector<16xi1>, vector<16xi32>
        %mul3A_82 = arith.constant 16 : i32
        %mul3A_83 = arith.muli %scan3A_74, %mul3A_82 : i32
        %swap3A_84 = arith.index_cast %mul3A_83 : i32 to index
        %swap3A_85 = tpu.vector_load %arg10[%swap3A_84] {strides = array<i32>} : memref<4096xi32, #tpu.memory_space<vmem>>, vector<16xi32>,
        %swap3A_86 = vector.shape_cast %swap3A_85 : vector<16xi32> to vector<16xi32>
        %swap3A_87 = vector.shape_cast %select_n3A : vector<16xi32> to vector<16xi32>
        tpu.vector_store %arg10[%swap3A_84], %swap3A_87 {strides = array<i32>} : memref<4096xi32, #tpu.memory_space<vmem>>, vector<16xi32>,
      }
      %scan3A_73 = arith.constant 256 : i32
      "tpu.region"() ({
        %run_scoped3A = tpu.sem_alloc : memref<!tpu.dma_semaphore, #tpu.memory_space<semaphore_mem>>
        tpu.enqueue_dma source(%arg10 : memref<4096xi32, #tpu.memory_space<vmem>>) target(%arg6 : memref<4096xi32, #tpu.memory_space<hbm>>) target_semaphore(%run_scoped3A : memref<!tpu.dma_semaphore, #tpu.memory_space<semaphore_mem>>)
        tpu.wait_dma2 semaphore(%run_scoped3A : memref<!tpu.dma_semaphore, #tpu.memory_space<semaphore_mem>>) src(%arg10 : memref<4096xi32, #tpu.memory_space<vmem>>) dst(%arg6 : memref<4096xi32, #tpu.memory_space<hbm>>)
        tpu.yield
      }) : () -> ()
    } else {
    }
    return
  }
}

module attributes {stable_mosaic.version = 14 : i64} {
  func.func @_routing_body(%arg0: i32, %arg1: memref<256x2048xf32, #tpu.memory_space<vmem>>, %arg2: memref<2048x8xf32, #tpu.memory_space<vmem>>, %arg3: memref<8x256xi32, #tpu.memory_space<vmem>>, %arg4: memref<8x256xf32, #tpu.memory_space<vmem>>) attributes {dimension_semantics = [#tpu.dimension_semantics<arbitrary>], iteration_bounds = array<i64: 8>, scalar_prefetch = 0 : i64, scratch_operands = 0 : i64, tpu.core_type = #tpu.core_type<tc>, window_params = [{transform_indices = @transform_0, window_bounds = array<i64: 256, 2048>}, {pipeline_mode = #tpu.pipeline_mode<synchronous>, transform_indices = @transform_1, window_bounds = array<i64: 2048, 8>}, {transform_indices = @transform_2, window_bounds = array<i64: 8, 256>}, {transform_indices = @transform_3, window_bounds = array<i64: 8, 256>}]} {
    %get3A = arith.constant 0 : index
    %get3A_0 = arith.constant 0 : index
    %get3A_1 = vector.load %arg2[%get3A, %get3A_0] : memref<2048x8xf32, #tpu.memory_space<vmem>>, vector<2048x8xf32>
    %get3A_2 = arith.constant 0 : index
    %get3A_3 = arith.constant 0 : index
    %get3A_4 = vector.load %arg1[%get3A_2, %get3A_3] : memref<256x2048xf32, #tpu.memory_space<vmem>>, vector<256x2048xf32>
    %dot_general3A = arith.constant dense<0.000000e+00> : vector<8x256xf32>
    %dot_general3A_5 = tpu.matmul %get3A_1, %get3A_4, %dot_general3A {dimension_numbers = #tpu.dot_dimension_numbers<[0], [1], [1], [0], [0, 1, 1, 0], [], []>, transpose_lhs_hint = false} : vector<2048x8xf32>, vector<256x2048xf32>, vector<8x256xf32> -> vector<8x256xf32>
    %iota3A = tpu.iota {dimensions = array<i32: 0>} : vector<8x256xi32>
    %reduce_max3A = arith.constant dense<0xFF800000> : vector<256xf32>
    %reduce_max3A_6 = vector.multi_reduction <maximumf>, %dot_general3A_5, %reduce_max3A [0] : vector<8x256xf32> to vector<256xf32>
    %broadcast_in_dim3A = vector.shape_cast %reduce_max3A_6 : vector<256xf32> to vector<1x256xf32>
    %eq3A = vector.broadcast %broadcast_in_dim3A : vector<1x256xf32> to vector<8x256xf32>
    %eq3A_7 = arith.cmpf oeq, %dot_general3A_5, %eq3A : vector<8x256xf32>
    %jit3A = arith.constant 8 : i32
    %broadcast_in_dim3A_8 = vector.broadcast %jit3A : i32 to vector<8x256xi32>
    %select_n3A = arith.select %eq3A_7, %iota3A, %broadcast_in_dim3A_8 : vector<8x256xi1>, vector<8x256xi32>
    %reduce_min3A = arith.constant dense<2147483647> : vector<256xi32>
    %reduce_min3A_9 = vector.multi_reduction <minsi>, %select_n3A, %reduce_min3A [0] : vector<8x256xi32> to vector<256xi32>
    %broadcast_in_dim3A_10 = vector.shape_cast %reduce_min3A_9 : vector<256xi32> to vector<1x256xi32>
    %eq3A_11 = vector.broadcast %broadcast_in_dim3A_10 : vector<1x256xi32> to vector<8x256xi32>
    %eq3A_12 = arith.cmpi eq, %iota3A, %eq3A_11 : vector<8x256xi32>
    %jit3A_13 = arith.constant -3.000000e+38 : f32
    %broadcast_in_dim3A_14 = vector.broadcast %jit3A_13 : f32 to vector<8x256xf32>
    %select_n3A_15 = arith.select %eq3A_12, %broadcast_in_dim3A_14, %dot_general3A_5 : vector<8x256xi1>, vector<8x256xf32>
    %reduce_max3A_16 = arith.constant dense<0xFF800000> : vector<256xf32>
    %reduce_max3A_17 = vector.multi_reduction <maximumf>, %select_n3A_15, %reduce_max3A_16 [0] : vector<8x256xf32> to vector<256xf32>
    %broadcast_in_dim3A_18 = vector.shape_cast %reduce_max3A_17 : vector<256xf32> to vector<1x256xf32>
    %eq3A_19 = vector.broadcast %broadcast_in_dim3A_18 : vector<1x256xf32> to vector<8x256xf32>
    %eq3A_20 = arith.cmpf oeq, %select_n3A_15, %eq3A_19 : vector<8x256xf32>
    %jit3A_21 = arith.constant 8 : i32
    %broadcast_in_dim3A_22 = vector.broadcast %jit3A_21 : i32 to vector<8x256xi32>
    %select_n3A_23 = arith.select %eq3A_20, %iota3A, %broadcast_in_dim3A_22 : vector<8x256xi1>, vector<8x256xi32>
    %reduce_min3A_24 = arith.constant dense<2147483647> : vector<256xi32>
    %reduce_min3A_25 = vector.multi_reduction <minsi>, %select_n3A_23, %reduce_min3A_24 [0] : vector<8x256xi32> to vector<256xi32>
    %broadcast_in_dim3A_26 = vector.shape_cast %reduce_min3A_25 : vector<256xi32> to vector<1x256xi32>
    %sub3A = arith.subf %broadcast_in_dim3A_18, %broadcast_in_dim3A : vector<1x256xf32>
    %exp3A = math.exp %sub3A : vector<1x256xf32>
    %add3A = arith.constant 1.000000e+00 : f32
    %add3A_27 = vector.broadcast %add3A : f32 to vector<1x256xf32>
    %add3A_28 = arith.addf %add3A_27, %exp3A : vector<1x256xf32>
    %div3A = arith.constant 1.000000e+00 : f32
    %div3A_29 = vector.broadcast %div3A : f32 to vector<1x256xf32>
    %div3A_30 = arith.divf %div3A_29, %add3A_28 : vector<1x256xf32>
    %add3A_31 = arith.constant 1.000000e+00 : f32
    %add3A_32 = vector.broadcast %add3A_31 : f32 to vector<1x256xf32>
    %add3A_33 = arith.addf %add3A_32, %exp3A : vector<1x256xf32>
    %div3A_34 = arith.divf %exp3A, %add3A_33 : vector<1x256xf32>
    %eq3A_35 = arith.constant 0 : i32
    %eq3A_36 = vector.broadcast %eq3A_35 : i32 to vector<8x256xi32>
    %eq3A_37 = arith.cmpi eq, %iota3A, %eq3A_36 : vector<8x256xi32>
    %eq3A_38 = arith.constant 1 : i32
    %eq3A_39 = vector.broadcast %eq3A_38 : i32 to vector<8x256xi32>
    %eq3A_40 = arith.cmpi eq, %iota3A, %eq3A_39 : vector<8x256xi32>
    %jit3A_41 = arith.constant 0 : i32
    %broadcast_in_dim3A_42 = vector.shape_cast %broadcast_in_dim3A_26 : vector<1x256xi32> to vector<1x256xi32>
    %broadcast_in_dim3A_43 = vector.broadcast %broadcast_in_dim3A_42 : vector<1x256xi32> to vector<8x256xi32>
    %broadcast_in_dim3A_44 = vector.broadcast %jit3A_41 : i32 to vector<8x256xi32>
    %select_n3A_45 = arith.select %eq3A_40, %broadcast_in_dim3A_43, %broadcast_in_dim3A_44 : vector<8x256xi1>, vector<8x256xi32>
    %broadcast_in_dim3A_46 = vector.shape_cast %broadcast_in_dim3A_10 : vector<1x256xi32> to vector<1x256xi32>
    %broadcast_in_dim3A_47 = vector.broadcast %broadcast_in_dim3A_46 : vector<1x256xi32> to vector<8x256xi32>
    %select_n3A_48 = arith.select %eq3A_37, %broadcast_in_dim3A_47, %select_n3A_45 : vector<8x256xi1>, vector<8x256xi32>
    %swap3A = arith.constant 0 : index
    %swap3A_49 = arith.constant 0 : index
    %swap3A_50 = vector.load %arg3[%swap3A, %swap3A_49] : memref<8x256xi32, #tpu.memory_space<vmem>>, vector<8x256xi32>
    tpu.vector_store %arg3[%swap3A, %swap3A_49], %select_n3A_48 {strides = array<i32>} : memref<8x256xi32, #tpu.memory_space<vmem>>, vector<8x256xi32>,
    %eq3A_51 = arith.constant 0 : i32
    %eq3A_52 = vector.broadcast %eq3A_51 : i32 to vector<8x256xi32>
    %eq3A_53 = arith.cmpi eq, %iota3A, %eq3A_52 : vector<8x256xi32>
    %eq3A_54 = arith.constant 1 : i32
    %eq3A_55 = vector.broadcast %eq3A_54 : i32 to vector<8x256xi32>
    %eq3A_56 = arith.cmpi eq, %iota3A, %eq3A_55 : vector<8x256xi32>
    %jit3A_57 = arith.constant 0.000000e+00 : f32
    %broadcast_in_dim3A_58 = vector.shape_cast %div3A_34 : vector<1x256xf32> to vector<1x256xf32>
    %broadcast_in_dim3A_59 = vector.broadcast %broadcast_in_dim3A_58 : vector<1x256xf32> to vector<8x256xf32>
    %broadcast_in_dim3A_60 = vector.broadcast %jit3A_57 : f32 to vector<8x256xf32>
    %select_n3A_61 = arith.select %eq3A_56, %broadcast_in_dim3A_59, %broadcast_in_dim3A_60 : vector<8x256xi1>, vector<8x256xf32>
    %broadcast_in_dim3A_62 = vector.shape_cast %div3A_30 : vector<1x256xf32> to vector<1x256xf32>
    %broadcast_in_dim3A_63 = vector.broadcast %broadcast_in_dim3A_62 : vector<1x256xf32> to vector<8x256xf32>
    %select_n3A_64 = arith.select %eq3A_53, %broadcast_in_dim3A_63, %select_n3A_61 : vector<8x256xi1>, vector<8x256xf32>
    %swap3A_65 = arith.constant 0 : index
    %swap3A_66 = arith.constant 0 : index
    %swap3A_67 = vector.load %arg4[%swap3A_65, %swap3A_66] : memref<8x256xf32, #tpu.memory_space<vmem>>, vector<8x256xf32>
    tpu.vector_store %arg4[%swap3A_65, %swap3A_66], %select_n3A_64 {strides = array<i32>} : memref<8x256xf32, #tpu.memory_space<vmem>>, vector<8x256xf32>,
    return
  }
  func.func @transform_0(%arg0: i32) -> (i32, i32) {
    %c0_i32 = arith.constant 0 : i32
    %c0_i32_0 = arith.constant 0 : i32
    return %arg0, %c0_i32 : i32, i32
  }
  func.func @transform_1(%arg0: i32) -> (i32, i32) {
    %c0_i32 = arith.constant 0 : i32
    %c0_i32_0 = arith.constant 0 : i32
    %c0_i32_1 = arith.constant 0 : i32
    return %c0_i32, %c0_i32_0 : i32, i32
  }
  func.func @transform_2(%arg0: i32) -> (i32, i32) {
    %c0_i32 = arith.constant 0 : i32
    %c0_i32_0 = arith.constant 0 : i32
    return %c0_i32, %arg0 : i32, i32
  }
  func.func @transform_3(%arg0: i32) -> (i32, i32) {
    %c0_i32 = arith.constant 0 : i32
    %c0_i32_0 = arith.constant 0 : i32
    return %c0_i32, %arg0 : i32, i32
  }
}

module attributes {stable_mosaic.version = 14 : i64} {
  func.func @_gemm_body(%arg0: i32, %arg1: i32, %arg2: memref<16xi32, #tpu.memory_space<smem>>, %arg3: memref<256x2048xf32, #tpu.memory_space<vmem>>, %arg4: memref<1x2048x2048xf32, #tpu.memory_space<vmem>>, %arg5: memref<1x2048x1024xf32, #tpu.memory_space<vmem>>, %arg6: memref<256x1xf32, #tpu.memory_space<vmem>>, %arg7: memref<256x2048xf32, #tpu.memory_space<vmem>>) attributes {dimension_semantics = [#tpu.dimension_semantics<arbitrary>, #tpu.dimension_semantics<arbitrary>], iteration_bounds = array<i64: 8, 4>, scalar_prefetch = 1 : i64, scratch_operands = 0 : i64, tpu.core_type = #tpu.core_type<tc>, window_params = [{transform_indices = @transform_0, window_bounds = array<i64: 256, 2048>}, {transform_indices = @transform_1, window_bounds = array<i64: 1, 2048, 2048>}, {transform_indices = @transform_2, window_bounds = array<i64: 1, 2048, 1024>}, {transform_indices = @transform_3, window_bounds = array<i64: 256, 1>}, {transform_indices = @transform_4, window_bounds = array<i64: 256, 2048>}]} {
    %mul3A = arith.constant 256 : i32
    %mul3A_0 = arith.muli %arg1, %mul3A : i32
    %get3A = arith.index_cast %arg0 : i32 to index
    %get3A_1 = memref.load %arg2[%get3A] : memref<16xi32, #tpu.memory_space<smem>>
    %lt3A = arith.cmpi slt, %mul3A_0, %get3A_1 : i32
    %convert_element_type3A = arith.extui %lt3A : i1 to i32
    %cond3A = arith.constant 0 : i32
    %cond3A_2 = arith.cmpi ne, %convert_element_type3A, %cond3A : i32
    scf.if %cond3A_2 {
      %get3A_7 = arith.constant 0 : index
      %get3A_8 = arith.constant 0 : index
      %get3A_9 = vector.load %arg3[%get3A_7, %get3A_8] : memref<256x2048xf32, #tpu.memory_space<vmem>>, vector<256x2048xf32>
      %get3A_10 = arith.constant 0 : index
      %get3A_11 = arith.constant 0 : index
      %get3A_12 = arith.constant 0 : index
      %get3A_13 = vector.load %arg4[%get3A_10, %get3A_11, %get3A_12] : memref<1x2048x2048xf32, #tpu.memory_space<vmem>>, vector<1x2048x2048xf32>
      %get3A_14 = vector.shape_cast %get3A_13 : vector<1x2048x2048xf32> to vector<2048x2048xf32>
      %dot_general3A = arith.constant dense<0.000000e+00> : vector<256x2048xf32>
      %dot_general3A_15 = tpu.matmul %get3A_9, %get3A_14, %dot_general3A {dimension_numbers = #tpu.dot_dimension_numbers<[1], [1], [0], [0], [0, 0, 1, 0], [], []>, transpose_lhs_hint = false} : vector<256x2048xf32>, vector<2048x2048xf32>, vector<256x2048xf32> -> vector<256x2048xf32>
      %slice3A = vector.extract_strided_slice %dot_general3A_15 {offsets = [0, 0], sizes = [256, 1024], strides = [1, 1]} : vector<256x2048xf32> to vector<256x1024xf32>
      %slice3A_16 = vector.extract_strided_slice %dot_general3A_15 {offsets = [0, 1024], sizes = [256, 1024], strides = [1, 1]} : vector<256x2048xf32> to vector<256x1024xf32>
      %logistic3A = arith.negf %slice3A : vector<256x1024xf32>
      %logistic3A_17 = math.exp %logistic3A : vector<256x1024xf32>
      %logistic3A_18 = arith.constant 1.000000e+00 : f32
      %logistic3A_19 = vector.broadcast %logistic3A_18 : f32 to vector<256x1024xf32>
      %logistic3A_20 = arith.addf %logistic3A_19, %logistic3A_17 : vector<256x1024xf32>
      %logistic3A_21 = arith.divf %logistic3A_19, %logistic3A_20 : vector<256x1024xf32>
      %mul3A_22 = arith.mulf %slice3A, %logistic3A_21 : vector<256x1024xf32>
      %mul3A_23 = arith.mulf %mul3A_22, %slice3A_16 : vector<256x1024xf32>
      %get3A_24 = arith.constant 0 : index
      %get3A_25 = arith.constant 0 : index
      %get3A_26 = arith.constant 0 : index
      %get3A_27 = vector.load %arg5[%get3A_24, %get3A_25, %get3A_26] : memref<1x2048x1024xf32, #tpu.memory_space<vmem>>, vector<1x2048x1024xf32>
      %get3A_28 = vector.shape_cast %get3A_27 : vector<1x2048x1024xf32> to vector<2048x1024xf32>
      %dot_general3A_29 = arith.constant dense<0.000000e+00> : vector<256x2048xf32>
      %dot_general3A_30 = tpu.matmul %mul3A_23, %get3A_28, %dot_general3A_29 {dimension_numbers = #tpu.dot_dimension_numbers<[1], [1], [0], [0], [0, 0, 1, 0], [], []>, transpose_lhs_hint = false} : vector<256x1024xf32>, vector<2048x1024xf32>, vector<256x2048xf32> -> vector<256x2048xf32>
      %get3A_31 = arith.constant 0 : index
      %get3A_32 = arith.constant 0 : index
      %get3A_33 = vector.load %arg6[%get3A_31, %get3A_32] : memref<256x1xf32, #tpu.memory_space<vmem>>, vector<256x1xf32>
      %mul3A_34 = vector.broadcast %get3A_33 : vector<256x1xf32> to vector<256x2048xf32>
      %mul3A_35 = arith.mulf %dot_general3A_30, %mul3A_34 : vector<256x2048xf32>
      %swap3A = arith.constant 0 : index
      %swap3A_36 = arith.constant 0 : index
      %swap3A_37 = vector.load %arg7[%swap3A, %swap3A_36] : memref<256x2048xf32, #tpu.memory_space<vmem>>, vector<256x2048xf32>
      tpu.vector_store %arg7[%swap3A, %swap3A_36], %mul3A_35 {strides = array<i32>} : memref<256x2048xf32, #tpu.memory_space<vmem>>, vector<256x2048xf32>,
    } else {
    }
    %not3A = arith.constant true
    %not3A_3 = arith.xori %lt3A, %not3A : i1
    %convert_element_type3A_4 = arith.extui %not3A_3 : i1 to i32
    %cond3A_5 = arith.constant 0 : i32
    %cond3A_6 = arith.cmpi ne, %convert_element_type3A_4, %cond3A_5 : i32
    scf.if %cond3A_6 {
      %broadcast_in_dim3A = arith.constant 0.000000e+00 : f32
      %broadcast_in_dim3A_7 = vector.broadcast %broadcast_in_dim3A : f32 to vector<256x2048xf32>
      %swap3A = arith.constant 0 : index
      %swap3A_8 = arith.constant 0 : index
      %swap3A_9 = vector.load %arg7[%swap3A, %swap3A_8] : memref<256x2048xf32, #tpu.memory_space<vmem>>, vector<256x2048xf32>
      tpu.vector_store %arg7[%swap3A, %swap3A_8], %broadcast_in_dim3A_7 {strides = array<i32>} : memref<256x2048xf32, #tpu.memory_space<vmem>>, vector<256x2048xf32>,
    } else {
    }
    return
  }
  func.func @transform_0(%arg0: i32, %arg1: i32, %arg2: memref<16xi32, #tpu.memory_space<smem>>) -> (i32, i32) {
    %mul3A = arith.constant 256 : i32
    %mul3A_0 = arith.muli %arg1, %mul3A : i32
    %get3A = arith.index_cast %arg0 : i32 to index
    %get3A_1 = memref.load %arg2[%get3A] : memref<16xi32, #tpu.memory_space<smem>>
    %lt3A = arith.cmpi slt, %mul3A_0, %get3A_1 : i32
    %mul3A_2 = arith.constant 4 : i32
    %mul3A_3 = arith.muli %arg0, %mul3A_2 : i32
    %add3A = arith.addi %mul3A_3, %arg1 : i32
    %jit3A = arith.constant 0 : i32
    %select_n3A = arith.select %lt3A, %add3A, %jit3A : i32
    %c0_i32 = arith.constant 0 : i32
    %c0_i32_4 = arith.constant 0 : i32
    return %select_n3A, %c0_i32 : i32, i32
  }
  func.func @transform_1(%arg0: i32, %arg1: i32, %arg2: memref<16xi32, #tpu.memory_space<smem>>) -> (i32, i32, i32) {
    %c0_i32 = arith.constant 0 : i32
    %c0_i32_0 = arith.constant 0 : i32
    %c0_i32_1 = arith.constant 0 : i32
    return %arg0, %c0_i32, %c0_i32_0 : i32, i32, i32
  }
  func.func @transform_2(%arg0: i32, %arg1: i32, %arg2: memref<16xi32, #tpu.memory_space<smem>>) -> (i32, i32, i32) {
    %c0_i32 = arith.constant 0 : i32
    %c0_i32_0 = arith.constant 0 : i32
    %c0_i32_1 = arith.constant 0 : i32
    return %arg0, %c0_i32, %c0_i32_0 : i32, i32, i32
  }
  func.func @transform_3(%arg0: i32, %arg1: i32, %arg2: memref<16xi32, #tpu.memory_space<smem>>) -> (i32, i32) {
    %mul3A = arith.constant 4 : i32
    %mul3A_0 = arith.muli %arg0, %mul3A : i32
    %add3A = arith.addi %mul3A_0, %arg1 : i32
    %c0_i32 = arith.constant 0 : i32
    %c0_i32_1 = arith.constant 0 : i32
    return %add3A, %c0_i32 : i32, i32
  }
  func.func @transform_4(%arg0: i32, %arg1: i32, %arg2: memref<16xi32, #tpu.memory_space<smem>>) -> (i32, i32) {
    %mul3A = arith.constant 256 : i32
    %mul3A_0 = arith.muli %arg1, %mul3A : i32
    %get3A = arith.index_cast %arg0 : i32 to index
    %get3A_1 = memref.load %arg2[%get3A] : memref<16xi32, #tpu.memory_space<smem>>
    %lt3A = arith.cmpi slt, %mul3A_0, %get3A_1 : i32
    %mul3A_2 = arith.constant 4 : i32
    %mul3A_3 = arith.muli %arg0, %mul3A_2 : i32
    %add3A = arith.addi %mul3A_3, %arg1 : i32
    %jit3A = arith.constant 32 : i32
    %select_n3A = arith.select %lt3A, %add3A, %jit3A : i32
    %c0_i32 = arith.constant 0 : i32
    %c0_i32_4 = arith.constant 0 : i32
    return %select_n3A, %c0_i32 : i32, i32
  }
}

</mosaic_0001>

<sc_bundles>
// kernel: kernel.10.cloned.1.call-start
scs
__scs_entry_jumppad:
0x0: {  	(pc) =	sbr.rel $0x88, $3  }
0x1: {  	(tag) =	ssettag $0x0;
	lr =	simm.s32 $0x1  }
0x2: {  	[smem:$0x3F9D] =	sst lr;
	_ =	strace $0xD0000000  }
0x3: {  	_ = 	snop  }
0x4: {  	_ = 	snop  }
0x5: {  	_ = 	snop  }
0x6: {  	_ = 	snop  }
0x7: {  	_ = 	snop  }
__scs_overlays_trampoline_lowered:
0x8: {  	[smem:$0x3FAC] =	sst s0  }
0x9: {  	[smem:$0x3FAD] =	sst s1  }
0xa: {  	[smem:$0x3FAE] =	sst s2  }
0xb: {  	[smem:$0x3FAF] =	sst s3  }
0xc: {  	[smem:$0x3FB0] =	sst s4  }
0xd: {  	[smem:$0x3FB1] =	sst s5  }
0xe: {  	[smem:$0x3FB2] =	sst s6  }
0xf: {  	[smem:$0x3FB3] =	sst s7  }
0x10: {  	[smem:$0x3FB4] =	sst s8  }
0x11: {  	[smem:$0x3FB5] =	sst s9;
	s0 =	simm.s32 @!p0 $0x0  }
0x12: {  	s1 =	sld [smem:$0x3F9B];
	s0 =	simm.s32 @p0 $0x1  }
0x13: {  	[smem:$0x3FB6] =	sst s0;
	s0 =	simm.s32 @!p1 $0x0  }
0x14: {  	s2 =	sld [smem:$0x3F9A];
	s0 =	simm.s32 @p1 $0x1  }
0x15: {  	[smem:$0x3FB7] =	sst s0;
	s0 =	simm.s32 @!p2 $0x0  }
0x16: {  	s3 =	sld [smem:$0x3FDB];
	s0 =	simm.s32 @p2 $0x1  }
0x17: {  	s4 =	simm.s32 $0x1BF5;
	[smem:$0x3FB9] =	sst s0  }
0x18: {  	s0 =	sld [smem:$0x3F9C];
	_ =	swait.ge [sflag:s4], $0x0  }
0x19: {  	s7 =	sld [smem:$0x3F9D]  }
0x1a: {  	s8 =	sadd.s32 $0xFFFFE003, lr  }
0x1b: {  	s9 =	sadd.s32 $0xFFFFFEF7, lr;
	s5 =	simm.s32 $0xFFFFFFFF;
	p2 =	slt.u32 s8, $0xFFFFF086  }
0x1c: {  	p1 =	slt.u32 s9, $0xF7A;
	s5 =	simm.s32 @!p2 $0x0  }
0x1d: {  	s5 =	simm.s32 @p1 $0x1;
	p0 =	seq.s32 s7, s2  }
0x1e: {  	s7 =	smul.u32 @!p0 $0xF7A, s2;
	p2 =	seq.s32 @!p0 s5, $0x0  }
0x1f: {  	s9 =	smul.u32 $0xF7A, s1;
	s8 =	simm.s32 @!p0 $0x1BF5;
	p2 =	por !p2, p0  }
0x20: {  	[sflag:s8] =	ssyncset.s32 @!p0 $0xFFFFF086;
	s6 =	sadd.s32 @!p0 s3, s7;
	s7 =	simm.s32 @!p0 $0x108  }
0x21: {  	s3 =	sadd.s32 s3, s9;
	s6 =	sadd.s32 @!p0 $0x88, s6;
	s7 =	simm.s32 @p2 $0x1082  }
0x22: {  	[simem:s7], [sflag:s8] =	dma.local @!p0 [hbm:s6], $0xF7A  }
0x23: {  	s9 =	sor.u32 $0xD0000000, s2;
	s6 =	simm.s32 $0x108;
	_ =	swait.ge @!p0 [sflag:s8], $0x0  }
0x24: {  	s3 =	sadd.s32 $0x88, s3;
	s6 =	simm.s32 @!p1 $0x1082;
	[sflag:s4] =	ssyncset.s32 $0xFFFFF086  }
0x25: {  	[simem:s6], [sflag:s4] =	dma.local [hbm:s3], $0xF7A  }
0x26: {  	[smem:$0x3F9D] =	sst s1;
	(tag) =	ssettag s2;
	_ =	strace s9  }
0x27: {  	s1 =	sld [smem:$0x3FAD]  }
0x28: {  	s2 =	sld [smem:$0x3FAE]  }
0x29: {  	s4 =	sld [smem:$0x3FB0]  }
0x2a: {  	p0 =	seq.s32 s5, $0x0;
	s5 =	sld [smem:$0x3FB1]  }
0x2b: {  	s6 =	sld [smem:$0x3FB2]  }
0x2c: {  	s7 =	sld [smem:$0x3FB3]  }
0x2d: {  	s3 =	simm.s32 $0x108;
	s8 =	sld [smem:$0x3FB4]  }
0x2e: {  	s3 =	simm.s32 @!p0 $0x1082;
	s9 =	sld [smem:$0x3FB5]  }
0x2f: {  	lr =	sadd.s32 s0, s3;
	s0 =	sld [smem:$0x3FAC]  }
0x30: {  	s3 =	sld [smem:$0x3FAF]  }
0x31: {  	[smem:$0x3FB8] =	sst s10  }
0x32: {  	s10 =	sld [smem:$0x3FB6];
	_ =	sdelay $0x3  }
0x33: {  	p0 =	seq.s32 s10, $0x1;
	s10 =	sld [smem:$0x3FB8];
	_ =	sdelay $0x3  }
0x34: {  	[smem:$0x3FB8] =	sst s10  }
0x35: {  	s10 =	sld [smem:$0x3FB7];
	_ =	sdelay $0x3  }
0x36: {  	p1 =	seq.s32 s10, $0x1;
	s10 =	sld [smem:$0x3FB8];
	_ =	sdelay $0x3  }
0x37: {  	[smem:$0x3FB8] =	sst s10  }
0x38: {  	s10 =	sld [smem:$0x3FB9]  }
0x39: {  	_ = 	snop;
	(pc) =	sbr.ind lr, $3  }
0x3a: {  	_ = 	snop  }
0x3b: {  	_ = 	snop  }
0x3c: {  	p2 =	seq.s32 s10, $0x1;
	s10 =	sld [smem:$0x3FB8]  }
0x3d: {  	_ =	shalt  }
0x3e: {  	_ =	shalt  }
0x3f: {  	_ =	shalt  }
0x40: {  	_ =	shalt  }
0x41: {  	_ =	shalt  }
0x42: {  	_ =	shalt  }
0x43: {  	_ =	shalt  }
0x44: {  	_ =	shalt  }
0x45: {  	_ =	shalt  }
0x46: {  	_ =	shalt  }
0x47: {  	_ =	shalt  }
0x48: {  	_ =	shalt  }
0x49: {  	_ =	shalt  }
0x4a: {  	_ =	shalt  }
0x4b: {  	_ =	shalt  }
0x4c: {  	_ =	shalt  }
0x4d: {  	_ =	shalt  }
0x4e: {  	_ =	shalt  }
0x4f: {  	_ =	shalt  }
0x50: {  	_ =	shalt  }
0x51: {  	_ =	shalt  }
0x52: {  	_ =	shalt  }
0x53: {  	_ =	shalt  }
0x54: {  	_ =	shalt  }
0x55: {  	_ =	shalt  }
0x56: {  	_ =	shalt  }
0x57: {  	_ =	shalt  }
0x58: {  	_ =	shalt  }
0x59: {  	_ =	shalt  }
0x5a: {  	_ =	shalt  }
0x5b: {  	_ =	shalt  }
0x5c: {  	_ =	shalt  }
0x5d: {  	_ =	shalt  }
0x5e: {  	_ =	shalt  }
0x5f: {  	_ =	shalt  }
0x60: {  	_ =	shalt  }
0x61: {  	_ =	shalt  }
0x62: {  	_ =	shalt  }
0x63: {  	_ =	shalt  }
0x64: {  	_ =	shalt  }
0x65: {  	_ =	shalt  }
0x66: {  	_ =	shalt  }
0x67: {  	_ =	shalt  }
0x68: {  	_ =	shalt  }
0x69: {  	_ =	shalt  }
0x6a: {  	_ =	shalt  }
0x6b: {  	_ =	shalt  }
0x6c: {  	_ =	shalt  }
0x6d: {  	_ =	shalt  }
0x6e: {  	_ =	shalt  }
0x6f: {  	_ =	shalt  }
0x70: {  	_ =	shalt  }
0x71: {  	_ =	shalt  }
0x72: {  	_ =	shalt  }
0x73: {  	_ =	shalt  }
0x74: {  	_ =	shalt  }
0x75: {  	_ =	shalt  }
0x76: {  	_ =	shalt  }
0x77: {  	_ =	shalt  }
0x78: {  	_ =	shalt  }
0x79: {  	_ =	shalt  }
0x7a: {  	_ =	shalt  }
0x7b: {  	_ =	shalt  }
0x7c: {  	_ =	shalt  }
0x7d: {  	_ =	shalt  }
0x7e: {  	_ =	shalt  }
0x7f: {  	_ =	shalt  }
0x80: {  	_ =	shalt  }
0x81: {  	_ =	shalt  }
0x82: {  	_ =	shalt  }
0x83: {  	_ =	shalt  }
0x84: {  	_ =	shalt  }
0x85: {  	_ =	shalt  }
0x86: {  	_ =	shalt  }
0x87: {  	_ =	shalt  }
.Lfunc_end0:
.L_simem_size_0:
called_computation.1_lowered:
.L_overlay_start_0:
0x88: {  	s2 =	sld [smem:$0x3FD9]  }
0x89: {  	s3 =	sld [smem:$0x3FFE];
	_ =	sdelay $0x1  }
0x8a: {  	s1 =	srdreg.scid  }
0x8b: {  	s0 =	sand.u32 $0x1, s1  }
0x8c: {  	s17 =	sshll.u32 s0, $0xA;
	s2 =	sadd.s32 s3, s2  }
0x8d: {  	s2 =	sadd.s32 s2, s17  }
0x8e: {  	[smem:$0x3FC4] =	sst s2  }
0x8f: {  	_ = 	snop  }
0x90: {  	s2 =	sld [smem:$0x3FC9];
	(tm) =	ssettm $0x1  }
0x91: {  	s18 =	sld [smem:$0x3FFB];
	_ =	sdelay $0x3  }
0x92: {  	_ =	strace s18  }
0x93: {  	s3 =	sld [smem:$0x3FFC];
	_ =	sdelay $0x3  }
0x94: {  	_ =	strace s3  }
0x95: {  	s3 =	sld [smem:$0x3FFD];
	_ =	sdelay $0x3  }
0x96: {  	_ =	strace s3  }
0x97: {  	_ =	strace $0x8FFFFFFF  }
0x98: {  	s19 =	sld [smem:$0x3FDB];
	_ =	sdelay $0x1  }
0x99: {  	s4 =	simm.s32 $_scs_section_size  }
0x9a: {  	s5 =	simm.s32 $_size__tile_overlayer_lowered;
	s6 =	simm.s32 $_tile_overlayer_lowered  }
0x9b: {  	s22 =	simm.s32 $0x1BFF;
	s21 =	sshll.u32 s6, $0x1;
	s3 =	sadd.s32 s4, s19  }
0x9c: {  	s7 =	simm.s32 $0x0;
	s20 =	sshll.u32 s5, $0x1;
	s5 =	sadd.s32 s21, s3  }
0x9d: {  	[timem:s7], [sflag:s22] =	dma.local [hbm:s5], s20  }
0x9e: {  	_ =	swait.ge [sflag:s22], s20  }
0x9f: {  	s4 =	ssub.s32 $0x0, s20;
	[sflag:s22] =	ssyncset.done $0x0  }
0xa0: {  	[sflag:s22] =	ssyncadd.s32 s4;
	_ =	sdelay $0x1  }
0xa1: {  	s23 =	simm.s32 $0x1B8B  }
0xa2: {  	_ =	swait.ge [sflag:s23], $0x1  }
0xa3: {  	[sflag:s23] =	ssyncset.done $0x0  }
0xa4: {  	s25 =	simm.s32 $0x1B8E;
	s24 =	sld [smem:$0x3FFE];
	[sflag:s23] =	ssyncadd.s32 $0xFFFFFFFF  }
0xa5: {  	s26 =	simm.s32 $execute0_lowered;
	[smem:$0x3FD2] =	sst s25  }
0xa6: {  	s5 =	sshll.u32 s26, $0x1;
	_ =	strace $0x80000049;
	[dreg:$0x1] =	wrdreg $0xFFFFFFFF  }
0xa7: {  	s28 =	simm.s32 $_size_execute0_lowered;
	s3 =	sadd.s32 s3, s5;
	[dreg:$0x0] =	wrdreg $0x0  }
0xa8: {  	s5 =	sshll.u32 s28, $0x1;
	[dreg:$0x2] =	wrdreg s3  }
0xa9: {  	[dreg:$0x3] =	wrdreg s5  }
0xaa: {  	[dreg:$0x4] =	wrdreg $0xC0  }
0xab: {  	_ =	task [dreg:s7], $0x5FFFF  }
0xac: {  	[dreg:$0x1] =	wrdreg $0xFFFFFFFF  }
0xad: {  	[dreg:$0x0] =	wrdreg $0x60  }
0xae: {  	[dreg:$0x2] =	wrdreg s2  }
0xaf: {  	[dreg:$0x3] =	wrdreg s24  }
0xb0: {  	[dreg:$0x4] =	wrdreg $0x9  }
0xb1: {  	_ =	task.clear_ibuf [dreg:s7], $0x5FFFF;
	_ =	strace $0x90000049  }
0xb2: {  	s29 =	simm.s32 $0x9;
	_ =	strace $0x8000004B  }
0xb3: {  	_ =	swait.ge [sflag:s29], $0x1  }
0xb4: {  	[sflag:s29] =	ssyncadd.s32 $0xFFFFFFFF  }
0xb5: {  	_ =	strace $0x9000004B  }
0xb6: {  	_ =	sfence  }
0xb7: {  	s30 =	sld [smem:$0x0];
	_ =	sdelay $0x2  }
0xb8: {  	s31 =	sshll.u32 s1, $0xD;
	s1 =	sshrl.u32 s1, $0x2  }
0xb9: {  	s3 =	sand.u32 $0x4000, s31;
	s1 =	sadd.s32 s1, s30  }
0xba: {  	s0 =	sor.u32 s3, s0;
	s1 =	sshll.u32 s1, $0x11  }
0xbb: {  	s0 =	sor.u32 s1, s0  }
0xbc: {  	s0 =	sadd.s32 $0x8F2B, s0  }
0xbd: {  	[sflag:s0] =	ssyncadd.remote.s32 $0x1  }
0xbe: {  	_ =	sfence.sel $0xFFFF  }
0xbf: {  	[dreg:$0x0] =	wrdreg $0xFFFFFFFF;
	(pc) =	sbr.abs _section_cstart, $3  }
0xc0: {  	[dreg:$0x1] =	wrdreg $0xFFFFFFFF  }
0xc1: {  	_ =	task.clear_ibuf [dreg:s7], $0x2FFFF;
	_ =	strace $0x9FFFFFFF  }
0xc2: {  	(tm) =	ssettm $0x7FFFFFFF  }
0xc3: {  	_ =	shalt  }
tec
execute0_lowered:
.L_overlay_start_1:
0x0: {  	(tag) =	ssettag $0x1  }
0x1: {  	s0 =	srdreg.scid  }
0x2: {  	s3 =	stileid.u32;
	s5 =	rddreg [dreg:$0x1]  }
0x3: {  	s18 =	simm.s32 $0x180;
	s16 =	simm.s32 $0x1;
	s19 =	simm.s32 $0xA180  }
0x4: {  	s20 =	simm.s32 $0xA980;
	s21 =	simm.s32 $0xB180;
	s22 =	simm.s32 $0xB980  }
0x5: {  	s23 =	simm.s32 $0xC180;
	s24 =	simm.s32 $0xC980;
	s28 =	simm.s32 $0xE180  }
0x6: {  	s29 =	simm.s32 $0xE980;
	s30 =	simm.s32 $0xF180;
	s31 =	simm.s32 $0xF980  }
0x7: {  	s17 =	simm.s32 $0x0;
	s0 =	sand.u32 $0x1, s0;
	s1 =	sshll.u32 s3, $0x1  }
0x8: {  	s3 =	sshrl.u32 s3, $0x1;
	s8 =	sadd.s32 $0x2E00, s5;
	s2 =	sor.u32 s0, s1  }
0x9: {  	s6 =	sshll.u32 s3, $0xA;
	s25 =	ssub.s32 $0x2, s0;
	s26 =	sshll.u32 s3, $0x12  }
0xa: {  	s0 =	sadd.s32 s3, s0;
	p0 =	seq.s32 s3, $0x7;
	p1 =	seq.s32 s3, $0x6  }
0xb: {  	p2 =	seq.s32 s3, $0x5;
	p3 =	seq.s32 s3, $0x4;
	p4 =	seq.s32 s3, $0x3  }
0xc: {  	p5 =	seq.s32 s3, $0x2;
	p6 =	seq.s32 s3, $0x1;
	s4 =	sadd.s32 s3, s2  }
0xd: {  	s2 =	rddreg [dreg:$0x0];
	s9 =	sshrl.u32 s25, $0x1;
	s0 =	sadd.s32 s0, s1  }
0xe: {  	s3 =	simm.s32 $0x8180;
	s1 =	simm.s32 $0x2;
	s4 =	sshll.u32 s4, $0x8  }
0xf: {  	s14 =	ssub.s32 s25, s9;
	s9 =	sadd.s32 $0x300, s2;
	s0 =	sand.u32 $0x3, s0  }
0x10: {  	s10 =	sadd.s32 $0x400, s2;
	s11 =	sadd.s32 $0x500, s2;
	s12 =	sadd.s32 $0x600, s2  }
0x11: {  	s13 =	sadd.s32 $0x700, s2;
	s25 =	simm.s32 $0xD180;
	s7 =	sand.u32 $0x300, s4  }
0x12: {  	s4 =	simm.s32 $0x0;
	s0 =	sshll.u32 s0, $0x10;
	[dreg:$0x3] =	wrdreg s7  }
0x13: {  	s14 =	smax.u32 s14, $0x1;
	s6 =	sor.u32 s6, s7;
	[smem:$0x7FF] =	sst s4  }
0x14: {  	s6 =	sshrl.u32 s6, $0x3;
	_ =	strace $0x8000004A;
	[dreg:$0x4] =	wrdreg s8  }
.Ltmp0:
0x15: {  	s6 =	sadd.s32 s6, s5;
	s5 =	sadd.s32 s26, s5;
	(pc) =	sbr.rel .LBB2_1-.Ltmp0, $4  }
0x16: {  	s7 =	sadd.s32 $0x100, s2;
	[dreg:$0x6] =	wrdreg s14;
	s0 =	sadd.s32 s0, s5  }
0x17: {  	v2 =	vlaneseq.u32;
	s6 =	sadd.s32 $0x1A00, s6;
	s15 =	sadd.s32 $0x3200, s0;
	s0 =	simm.s32 @!p0 $0x0  }
0x18: {  	vm0 =	vmmov $0xffff;
	v1 =	vshrl.u32 v2, $0x3;
	s8 =	sadd.s32 $0x200, s2;
	[dreg:$0x5] =	wrdreg s6;
	s0 =	simm.s32 @p0 $0x1  }
0x19: {  	v0 =	vand.u32 $0x7, v2;
	v2 =	vor.u32 $0x8, v2;
	v1 =	vmul.u32 $0x8, v1;
	s26 =	simm.s32 $0xD980;
	[smem:$0x7FD] =	sst s0;
	s0 =	simm.s32 $0x3  }
.LBB2_5:
0x1a: {  	s5 =	simm.s32 $0x4  }
0x1b: {  	_ =	swait.ge [sflag:s5], $0x8000  }
0x1c: {  	[sflag:s5] =	ssyncset.done $0x0;
	s14 =	rddreg [dreg:$0x6]  }
0x1d: {  	s17 =	rddreg [dreg:$0x7];
	[sflag:s5] =	ssyncadd.s32 $0xFFFF8000  }
.LBB2_6:
0x1e: {  	s17 =	sadd.s32 $0x1, s17  }
0x1f: {  	p0 =	sne.s32 s17, s14  }
.Ltmp1:
0x20: {  	_ = 	snop;
	(pc) =	sbr.rel @!p0 .LBB2_7-.Ltmp1, $1  }
0x21: {  	_ =	sdelay $0x3  }
.LBB2_1:
0x22: {  	s5 =	rddreg [dreg:$0x4];
	s6 =	simm.s32 $0x100  }
0x23: {  	[tilespmem:s6], [sflag:$0x5] =	stream.linear.gather [hbm4b:s5+s4], $0x80, $0x38;
	[tilespmem:$0x10180] =	vst v63  }
0x24: {  	s6 =	simm.s32 $0x5  }
0x25: {  	_ =	swait.ge [sflag:s6], $0x80  }
0x26: {  	[sflag:s6] =	ssyncset.done $0x0  }
0x27: {  	[sflag:s6] =	ssyncadd.s32 $0xFFFFFF80  }
0x28: {  	v3 =	vld [tilespmem:$0x100];
	_ =	sdelay $0x4  }
0x29: {  	(v2sf) =	vpush v3, $0x0  }
0x2a: {  	(v2sf) =	vpush v3, $0x1  }
0x2b: {  	(v2sf) =	vpush v3, $0x2  }
0x2c: {  	(v2sf) =	vpush v3, $0x3  }
0x2d: {  	(v2sf) =	vpush v3, $0x4  }
0x2e: {  	(v2sf) =	vpush v3, $0x5  }
0x2f: {  	(v2sf) =	vpush v3, $0x6  }
0x30: {  	(v2sf) =	vpush v3, $0x7;
	_ =	sdelay $0x7  }
0x31: {  	s5 =	spop (v2sf)  }
0x32: {  	s6 =	spop (v2sf)  }
0x33: {  	s5 =	smov.u32 @p6 s6;
	s6 =	spop (v2sf)  }
0x34: {  	s5 =	smov.u32 @p5 s6;
	s6 =	spop (v2sf)  }
0x35: {  	s5 =	smov.u32 @p4 s6;
	s6 =	spop (v2sf)  }
0x36: {  	s5 =	smov.u32 @p3 s6;
	s6 =	spop (v2sf)  }
0x37: {  	s5 =	smov.u32 @p2 s6;
	s6 =	spop (v2sf)  }
0x38: {  	s5 =	smov.u32 @p1 s6;
	s6 =	spop (v2sf);
	[smem:$0x7FC] =	sst s0  }
0x39: {  	s0 =	sld [smem:$0x7FD];
	_ =	sdelay $0x2  }
0x3a: {  	p0 =	seq.s32 s0, $0x1;
	s0 =	sld [smem:$0x7FC]  }
0x3b: {  	s5 =	smov.u32 @p0 s6;
	s6 =	rddreg [dreg:$0x3]  }
0x3c: {  	p0 =	sle.s32 s5, s6  }
.Ltmp2:
0x3d: {  	_ = 	snop;
	(pc) =	sbr.rel @p0 .LBB2_6-.Ltmp2, $1  }
0x3e: {  	_ =	sdelay $0x3  }
0x3f: {  	[dreg:$0x7] =	wrdreg s17  }
0x40: {  	s6 =	simm.s32 $0x0;
	s5 =	rddreg [dreg:$0x5];
	s14 =	simm.s32 $0x5  }
0x41: {  	[tilespmem:s6], [sflag:$0x5] =	stream.linear.gather [hbm4b:s5+s6], $0x100, $0x38;
	[tilespmem:$0x10180] =	vst v63  }
0x42: {  	_ =	swait.ge [sflag:s14], $0x100  }
0x43: {  	[sflag:s14] =	ssyncset.done $0x0  }
0x44: {  	[sflag:s14] =	ssyncadd.s32 $0xFFFFFF00  }
0x45: {  	v3 =	vld [tilespmem:$0x0];
	_ =	sdelay $0x4  }
0x46: {  	v4 =	vshll.u32 v3, $0x4  }
0x47: {  	v3 =	vand.u32 $0x7, v3;
	v4 =	vand.u32 $0xFFFFFF80, v4  }
0x48: {  	v3 =	vor.u32 v3, v4  }
0x49: {  	v4 =	vperm.xlane v3, v0;
	_ =	sdelay $0x1  }
0x4a: {  	v4 =	vadd.s32 v1, v4;
	_ =	sdelay $0x4  }
0x4b: {  	[tilespmem:s18], [sflag:$0x1] =	stream.indirect_vreg.gather [hbm4b:s2+s6], $0x80, v4, vm0, $0xb8;
	[tilespmem:$0x10180] =	vst v63  }
0x4c: {  	s17 =	simm.s32 $0x980  }
0x4d: {  	[tilespmem:s17], [sflag:$0x1] =	stream.indirect_vreg.gather [hbm4b:s7+s6], $0x80, v4, vm0, $0xb8;
	[tilespmem:$0x10180] =	vst v63  }
0x4e: {  	s14 =	simm.s32 $0x1180  }
0x4f: {  	[tilespmem:s14], [sflag:$0x1] =	stream.indirect_vreg.gather [hbm4b:s8+s6], $0x80, v4, vm0, $0xb8;
	[tilespmem:$0x10180] =	vst v63  }
0x50: {  	s17 =	simm.s32 $0x1980  }
0x51: {  	[tilespmem:s17], [sflag:$0x1] =	stream.indirect_vreg.gather [hbm4b:s9+s6], $0x80, v4, vm0, $0xb8;
	[tilespmem:$0x10180] =	vst v63  }
0x52: {  	s14 =	simm.s32 $0x2180  }
0x53: {  	[tilespmem:s14], [sflag:$0x1] =	stream.indirect_vreg.gather [hbm4b:s10+s6], $0x80, v4, vm0, $0xb8;
	[tilespmem:$0x10180] =	vst v63  }
0x54: {  	v3 =	vperm.xlane v3, v2;
	s17 =	simm.s32 $0x2980  }
0x55: {  	[tilespmem:s17], [sflag:$0x1] =	stream.indirect_vreg.gather [hbm4b:s11+s6], $0x80, v4, vm0, $0xb8;
	[tilespmem:$0x10180] =	vst v63  }
0x56: {  	v3 =	vadd.s32 v1, v3;
	s14 =	simm.s32 $0x3180  }
0x57: {  	[tilespmem:s14], [sflag:$0x1] =	stream.indirect_vreg.gather [hbm4b:s12+s6], $0x80, v4, vm0, $0xb8;
	[tilespmem:$0x10180] =	vst v63  }
0x58: {  	s17 =	simm.s32 $0x3980  }
0x59: {  	[tilespmem:s17], [sflag:$0x1] =	stream.indirect_vreg.gather [hbm4b:s13+s6], $0x80, v4, vm0, $0xb8;
	[tilespmem:$0x10180] =	vst v63  }
0x5a: {  	s14 =	simm.s32 $0x4180  }
0x5b: {  	[tilespmem:s14], [sflag:$0x1] =	stream.indirect_vreg.gather [hbm4b:s2+s6], $0x80, v3, vm0, $0xb8;
	[tilespmem:$0x10180] =	vst v63  }
0x5c: {  	s17 =	simm.s32 $0x4980  }
0x5d: {  	[tilespmem:s17], [sflag:$0x1] =	stream.indirect_vreg.gather [hbm4b:s7+s6], $0x80, v3, vm0, $0xb8;
	[tilespmem:$0x10180] =	vst v63  }
0x5e: {  	s14 =	simm.s32 $0x5180  }
0x5f: {  	[tilespmem:s14], [sflag:$0x1] =	stream.indirect_vreg.gather [hbm4b:s8+s6], $0x80, v3, vm0, $0xb8;
	[tilespmem:$0x10180] =	vst v63  }
0x60: {  	s17 =	simm.s32 $0x5980  }
0x61: {  	[tilespmem:s17], [sflag:$0x1] =	stream.indirect_vreg.gather [hbm4b:s9+s6], $0x80, v3, vm0, $0xb8;
	[tilespmem:$0x10180] =	vst v63  }
0x62: {  	s14 =	simm.s32 $0x6180  }
0x63: {  	[tilespmem:s14], [sflag:$0x1] =	stream.indirect_vreg.gather [hbm4b:s10+s6], $0x80, v3, vm0, $0xb8;
	[tilespmem:$0x10180] =	vst v63  }
0x64: {  	s17 =	simm.s32 $0x6980  }
0x65: {  	[tilespmem:s17], [sflag:$0x1] =	stream.indirect_vreg.gather [hbm4b:s11+s6], $0x80, v3, vm0, $0xb8;
	[tilespmem:$0x10180] =	vst v63  }
0x66: {  	s14 =	simm.s32 $0x7180  }
0x67: {  	[tilespmem:s14], [sflag:$0x1] =	stream.indirect_vreg.gather [hbm4b:s12+s6], $0x80, v3, vm0, $0xb8;
	[tilespmem:$0x10180] =	vst v63  }
0x68: {  	s5 =	simm.s32 $0x20;
	s17 =	simm.s32 $0x7980  }
0x69: {  	[tilespmem:s17], [sflag:$0x1] =	stream.indirect_vreg.gather [hbm4b:s13+s6], $0x80, v3, vm0, $0xb8;
	[tilespmem:$0x10180] =	vst v63  }
.LBB2_3:
0x6a: {  	_ =	swait.ge [sflag:s16], $0x8000  }
0x6b: {  	p0 =	seq.s32 s6, $0x0;
	[sflag:s16] =	ssyncset.done $0x0  }
0x6c: {  	s14 =	sadd.s32 s6, s15;
	s17 =	simm.s32 @!p0 $0x4;
	[sflag:s16] =	ssyncadd.s32 $0xFFFF8000  }
0x6d: {  	[hbm4b:s14+s4] =	stream.linear.scatter [tilespmem:s18], [sflag:$0x3], $0x8000, $0x38;
	[tilespmem:$0x10180] =	vst v63  }
0x6e: {  	_ =	swait.ge @!p0 [sflag:s17], $0x8000  }
0x6f: {  	[sflag:s17] =	ssyncset.done @!p0 $0x0  }
0x70: {  	[sflag:s17] =	ssyncadd.s32 @!p0 $0xFFFF8000  }
0x71: {  	v3 =	vld [tilespmem:s5+$0xFFFFFFF0];
	_ =	sdelay $0x4  }
0x72: {  	v4 =	vshll.u32 v3, $0x4  }
0x73: {  	v3 =	vand.u32 $0x7, v3;
	v4 =	vand.u32 $0xFFFFFF80, v4  }
0x74: {  	v3 =	vor.u32 v3, v4  }
0x75: {  	v4 =	vperm.xlane v3, v0;
	_ =	sdelay $0x1  }
0x76: {  	v4 =	vadd.s32 v1, v4;
	_ =	sdelay $0x4  }
0x77: {  	[tilespmem:s3], [sflag:$0x2] =	stream.indirect_vreg.gather [hbm4b:s2+s4], $0x80, v4, vm0, $0xb8;
	[tilespmem:$0x10180] =	vst v63  }
0x78: {  	s17 =	simm.s32 $0x8980  }
0x79: {  	[tilespmem:s17], [sflag:$0x2] =	stream.indirect_vreg.gather [hbm4b:s7+s4], $0x80, v4, vm0, $0xb8;
	[tilespmem:$0x10180] =	vst v63  }
0x7a: {  	s17 =	simm.s32 $0x9180  }
0x7b: {  	[tilespmem:s17], [sflag:$0x2] =	stream.indirect_vreg.gather [hbm4b:s8+s4], $0x80, v4, vm0, $0xb8;
	[tilespmem:$0x10180] =	vst v63  }
0x7c: {  	s17 =	simm.s32 $0x9980  }
0x7d: {  	[tilespmem:s17], [sflag:$0x2] =	stream.indirect_vreg.gather [hbm4b:s9+s4], $0x80, v4, vm0, $0xb8;
	[tilespmem:$0x10180] =	vst v63  }
0x7e: {  	_ = 	snop  }
0x7f: {  	[tilespmem:s19], [sflag:$0x2] =	stream.indirect_vreg.gather [hbm4b:s10+s4], $0x80, v4, vm0, $0xb8;
	[tilespmem:$0x10180] =	vst v63  }
0x80: {  	v3 =	vperm.xlane v3, v2  }
0x81: {  	[tilespmem:s20], [sflag:$0x2] =	stream.indirect_vreg.gather [hbm4b:s11+s4], $0x80, v4, vm0, $0xb8;
	[tilespmem:$0x10180] =	vst v63  }
0x82: {  	v3 =	vadd.s32 v1, v3  }
0x83: {  	[tilespmem:s21], [sflag:$0x2] =	stream.indirect_vreg.gather [hbm4b:s12+s4], $0x80, v4, vm0, $0xb8;
	[tilespmem:$0x10180] =	vst v63  }
0x84: {  	_ = 	snop  }
0x85: {  	[tilespmem:s22], [sflag:$0x2] =	stream.indirect_vreg.gather [hbm4b:s13+s4], $0x80, v4, vm0, $0xb8;
	[tilespmem:$0x10180] =	vst v63  }
0x86: {  	_ = 	snop  }
0x87: {  	[tilespmem:s23], [sflag:$0x2] =	stream.indirect_vreg.gather [hbm4b:s2+s4], $0x80, v3, vm0, $0xb8;
	[tilespmem:$0x10180] =	vst v63  }
0x88: {  	_ = 	snop  }
0x89: {  	[tilespmem:s24], [sflag:$0x2] =	stream.indirect_vreg.gather [hbm4b:s7+s4], $0x80, v3, vm0, $0xb8;
	[tilespmem:$0x10180] =	vst v63  }
0x8a: {  	_ = 	snop  }
0x8b: {  	[tilespmem:s25], [sflag:$0x2] =	stream.indirect_vreg.gather [hbm4b:s8+s4], $0x80, v3, vm0, $0xb8;
	[tilespmem:$0x10180] =	vst v63  }
0x8c: {  	_ = 	snop  }
0x8d: {  	[tilespmem:s26], [sflag:$0x2] =	stream.indirect_vreg.gather [hbm4b:s9+s4], $0x80, v3, vm0, $0xb8;
	[tilespmem:$0x10180] =	vst v63  }
0x8e: {  	_ = 	snop  }
0x8f: {  	[tilespmem:s28], [sflag:$0x2] =	stream.indirect_vreg.gather [hbm4b:s10+s4], $0x80, v3, vm0, $0xb8;
	[tilespmem:$0x10180] =	vst v63  }
0x90: {  	_ = 	snop  }
0x91: {  	[tilespmem:s29], [sflag:$0x2] =	stream.indirect_vreg.gather [hbm4b:s11+s4], $0x80, v3, vm0, $0xb8;
	[tilespmem:$0x10180] =	vst v63  }
0x92: {  	_ = 	snop  }
0x93: {  	[tilespmem:s30], [sflag:$0x2] =	stream.indirect_vreg.gather [hbm4b:s12+s4], $0x80, v3, vm0, $0xb8;
	[tilespmem:$0x10180] =	vst v63  }
0x94: {  	_ = 	snop  }
0x95: {  	[tilespmem:s31], [sflag:$0x2] =	stream.indirect_vreg.gather [hbm4b:s13+s4], $0x80, v3, vm0, $0xb8;
	[tilespmem:$0x10180] =	vst v63  }
0x96: {  	_ =	swait.ge [sflag:s1], $0x8000  }
0x97: {  	p0 =	seq.s32 s6, $0xE000;
	[sflag:s1] =	ssyncset.done $0x0  }
.Ltmp3:
0x98: {  	s14 =	sadd.s32 $0x1000, s14;
	[sflag:s1] =	ssyncadd.s32 $0xFFFF8000;
	(pc) =	sbr.rel @p0 .LBB2_5-.Ltmp3, $4  }
0x99: {  	[hbm4b:s14+s4] =	stream.linear.scatter [tilespmem:s3], [sflag:$0x4], $0x8000, $0x38;
	[tilespmem:$0x10180] =	vst v63  }
0x9a: {  	_ =	swait.ge [sflag:s0], $0x8000  }
0x9b: {  	[sflag:s0] =	ssyncset.done $0x0  }
0x9c: {  	[sflag:s0] =	ssyncadd.s32 $0xFFFF8000  }
0x9d: {  	v3 =	vld [tilespmem:s5+$0x0];
	_ =	sdelay $0x4  }
0x9e: {  	v4 =	vshll.u32 v3, $0x4  }
0x9f: {  	v3 =	vand.u32 $0x7, v3;
	v4 =	vand.u32 $0xFFFFFF80, v4  }
0xa0: {  	v3 =	vor.u32 v3, v4  }
0xa1: {  	v4 =	vperm.xlane v3, v0;
	_ =	sdelay $0x1  }
0xa2: {  	v4 =	vadd.s32 v1, v4;
	_ =	sdelay $0x4  }
0xa3: {  	[tilespmem:s18], [sflag:$0x1] =	stream.indirect_vreg.gather [hbm4b:s2+s4], $0x80, v4, vm0, $0xb8;
	[tilespmem:$0x10180] =	vst v63  }
0xa4: {  	s14 =	simm.s32 $0x980  }
0xa5: {  	[tilespmem:s14], [sflag:$0x1] =	stream.indirect_vreg.gather [hbm4b:s7+s4], $0x80, v4, vm0, $0xb8;
	[tilespmem:$0x10180] =	vst v63  }
0xa6: {  	s17 =	simm.s32 $0x1180  }
0xa7: {  	[tilespmem:s17], [sflag:$0x1] =	stream.indirect_vreg.gather [hbm4b:s8+s4], $0x80, v4, vm0, $0xb8;
	[tilespmem:$0x10180] =	vst v63  }
0xa8: {  	s17 =	simm.s32 $0x1980  }
0xa9: {  	[tilespmem:s17], [sflag:$0x1] =	stream.indirect_vreg.gather [hbm4b:s9+s4], $0x80, v4, vm0, $0xb8;
	[tilespmem:$0x10180] =	vst v63  }
0xaa: {  	s17 =	simm.s32 $0x2180  }
0xab: {  	[tilespmem:s17], [sflag:$0x1] =	stream.indirect_vreg.gather [hbm4b:s10+s4], $0x80, v4, vm0, $0xb8;
	[tilespmem:$0x10180] =	vst v63  }
0xac: {  	v3 =	vperm.xlane v3, v2;
	s17 =	simm.s32 $0x2980  }
0xad: {  	[tilespmem:s17], [sflag:$0x1] =	stream.indirect_vreg.gather [hbm4b:s11+s4], $0x80, v4, vm0, $0xb8;
	[tilespmem:$0x10180] =	vst v63  }
0xae: {  	v3 =	vadd.s32 v1, v3;
	s17 =	simm.s32 $0x3180  }
0xaf: {  	[tilespmem:s17], [sflag:$0x1] =	stream.indirect_vreg.gather [hbm4b:s12+s4], $0x80, v4, vm0, $0xb8;
	[tilespmem:$0x10180] =	vst v63  }
0xb0: {  	s17 =	simm.s32 $0x3980  }
0xb1: {  	[tilespmem:s17], [sflag:$0x1] =	stream.indirect_vreg.gather [hbm4b:s13+s4], $0x80, v4, vm0, $0xb8;
	[tilespmem:$0x10180] =	vst v63  }
0xb2: {  	s17 =	simm.s32 $0x4180  }
0xb3: {  	[tilespmem:s17], [sflag:$0x1] =	stream.indirect_vreg.gather [hbm4b:s2+s4], $0x80, v3, vm0, $0xb8;
	[tilespmem:$0x10180] =	vst v63  }
0xb4: {  	s17 =	simm.s32 $0x4980  }
0xb5: {  	[tilespmem:s17], [sflag:$0x1] =	stream.indirect_vreg.gather [hbm4b:s7+s4], $0x80, v3, vm0, $0xb8;
	[tilespmem:$0x10180] =	vst v63  }
0xb6: {  	s17 =	simm.s32 $0x5180  }
0xb7: {  	[tilespmem:s17], [sflag:$0x1] =	stream.indirect_vreg.gather [hbm4b:s8+s4], $0x80, v3, vm0, $0xb8;
	[tilespmem:$0x10180] =	vst v63  }
0xb8: {  	s17 =	simm.s32 $0x5980  }
0xb9: {  	[tilespmem:s17], [sflag:$0x1] =	stream.indirect_vreg.gather [hbm4b:s9+s4], $0x80, v3, vm0, $0xb8;
	[tilespmem:$0x10180] =	vst v63  }
0xba: {  	s17 =	simm.s32 $0x6180  }
0xbb: {  	[tilespmem:s17], [sflag:$0x1] =	stream.indirect_vreg.gather [hbm4b:s10+s4], $0x80, v3, vm0, $0xb8;
	[tilespmem:$0x10180] =	vst v63  }
0xbc: {  	s17 =	simm.s32 $0x6980  }
0xbd: {  	[tilespmem:s17], [sflag:$0x1] =	stream.indirect_vreg.gather [hbm4b:s11+s4], $0x80, v3, vm0, $0xb8;
	[tilespmem:$0x10180] =	vst v63  }
.Ltmp4:
0xbe: {  	_ = 	snop;
	(pc) =	sbr.rel .LBB2_3-.Ltmp4, $4  }
0xbf: {  	s17 =	simm.s32 $0x7180  }
0xc0: {  	[tilespmem:s17], [sflag:$0x1] =	stream.indirect_vreg.gather [hbm4b:s12+s4], $0x80, v3, vm0, $0xb8;
	[tilespmem:$0x10180] =	vst v63  }
0xc1: {  	s6 =	sadd.s32 $0x2000, s6;
	s5 =	sadd.s32 $0x20, s5;
	s17 =	simm.s32 $0x7980  }
0xc2: {  	[tilespmem:s17], [sflag:$0x1] =	stream.indirect_vreg.gather [hbm4b:s13+s4], $0x80, v3, vm0, $0xb8;
	[tilespmem:$0x10180] =	vst v63  }
.LBB2_7:
0xc3: {  	_ =	sfence.sel $0x180000  }
0xc4: {  	[bflag:$0x0] =	sbarrier.arrive $0xFFFF  }
0xc5: {  	_ =	strace $0x9000004A  }
0xc6: {  	s0 =	stileid.u32;
	[bflag:$0x2] =	sbarrier.arrive $0xFFFF  }
0xc7: {  	p0 =	sne.s32 s0, $0x0;
	s0 =	rddreg [dreg:$0x2]  }
0xc8: {  	s0 =	sadd.s32 @!p0 $0x100000, s0  }
0xc9: {  	[sflag:s0] =	ssyncadd.tile.s32 @!p0 $0x1;
	_ =	shalt  }
.Lfunc_end2:
_tile_overlayer_lowered:
.L_overlay_start_2:
0xca: {  	(tag) =	ssettag $0x2  }
0xcb: {  	s0 =	rddreg [dreg:$0x0];
	s2 =	stileid.u32  }
0xcc: {  	s1 =	rddreg [dreg:$0x1];
	p0 =	sne.s32 s2, $0x0  }
0xcd: {  	s3 =	rddreg [dreg:$0x2];
	[bflag:$0x3] =	sbarrier.arrive $0xFFFF;
	s2 =	simm.s32 @!p0 $0x1C05  }
0xce: {  	[timem:s3], [sflag:s2] =	dma.local @!p0 [hbm:s0], s1  }
0xcf: {  	s0 =	simm.s32 @!p0 $0x5  }
0xd0: {  	_ =	swait.ge @!p0 [sflag:s0], s1  }
0xd1: {  	s1 =	ssub.s32 @!p0 $0x0, s1;
	[sflag:s0] =	ssyncset.done @!p0 $0x0  }
0xd2: {  	[sflag:s0] =	ssyncadd.s32 @!p0 s1  }
0xd3: {  	[bflag:$0x3] =	sbarrier.arrive $0xFFFF  }
0xd4: {  	_ =	shalt  }

// kernel: kernel.13.cloned.1.call-start
scs
__scs_entry_jumppad:
0x0: {  	(pc) =	sbr.rel $0x88, $3  }
0x1: {  	(tag) =	ssettag $0x0;
	lr =	simm.s32 $0x1  }
0x2: {  	[smem:$0x3F9D] =	sst lr;
	_ =	strace $0xD0000000  }
0x3: {  	_ = 	snop  }
0x4: {  	_ = 	snop  }
0x5: {  	_ = 	snop  }
0x6: {  	_ = 	snop  }
0x7: {  	_ = 	snop  }
__scs_overlays_trampoline_lowered:
0x8: {  	[smem:$0x3FAC] =	sst s0  }
0x9: {  	[smem:$0x3FAD] =	sst s1  }
0xa: {  	[smem:$0x3FAE] =	sst s2  }
0xb: {  	[smem:$0x3FAF] =	sst s3  }
0xc: {  	[smem:$0x3FB0] =	sst s4  }
0xd: {  	[smem:$0x3FB1] =	sst s5  }
0xe: {  	[smem:$0x3FB2] =	sst s6  }
0xf: {  	[smem:$0x3FB3] =	sst s7  }
0x10: {  	[smem:$0x3FB4] =	sst s8  }
0x11: {  	[smem:$0x3FB5] =	sst s9;
	s0 =	simm.s32 @!p0 $0x0  }
0x12: {  	s1 =	sld [smem:$0x3F9B];
	s0 =	simm.s32 @p0 $0x1  }
0x13: {  	[smem:$0x3FB6] =	sst s0;
	s0 =	simm.s32 @!p1 $0x0  }
0x14: {  	s2 =	sld [smem:$0x3F9A];
	s0 =	simm.s32 @p1 $0x1  }
0x15: {  	[smem:$0x3FB7] =	sst s0;
	s0 =	simm.s32 @!p2 $0x0  }
0x16: {  	s3 =	sld [smem:$0x3FDB];
	s0 =	simm.s32 @p2 $0x1  }
0x17: {  	s4 =	simm.s32 $0x1BF5;
	[smem:$0x3FB9] =	sst s0  }
0x18: {  	s0 =	sld [smem:$0x3F9C];
	_ =	swait.ge [sflag:s4], $0x0  }
0x19: {  	s7 =	sld [smem:$0x3F9D]  }
0x1a: {  	s8 =	sadd.s32 $0xFFFFE003, lr  }
0x1b: {  	s9 =	sadd.s32 $0xFFFFFEF7, lr;
	s5 =	simm.s32 $0xFFFFFFFF;
	p2 =	slt.u32 s8, $0xFFFFF086  }
0x1c: {  	p1 =	slt.u32 s9, $0xF7A;
	s5 =	simm.s32 @!p2 $0x0  }
0x1d: {  	s5 =	simm.s32 @p1 $0x1;
	p0 =	seq.s32 s7, s2  }
0x1e: {  	s7 =	smul.u32 @!p0 $0xF7A, s2;
	p2 =	seq.s32 @!p0 s5, $0x0  }
0x1f: {  	s9 =	smul.u32 $0xF7A, s1;
	s8 =	simm.s32 @!p0 $0x1BF5;
	p2 =	por !p2, p0  }
0x20: {  	[sflag:s8] =	ssyncset.s32 @!p0 $0xFFFFF086;
	s6 =	sadd.s32 @!p0 s3, s7;
	s7 =	simm.s32 @!p0 $0x108  }
0x21: {  	s3 =	sadd.s32 s3, s9;
	s6 =	sadd.s32 @!p0 $0x88, s6;
	s7 =	simm.s32 @p2 $0x1082  }
0x22: {  	[simem:s7], [sflag:s8] =	dma.local @!p0 [hbm:s6], $0xF7A  }
0x23: {  	s9 =	sor.u32 $0xD0000000, s2;
	s6 =	simm.s32 $0x108;
	_ =	swait.ge @!p0 [sflag:s8], $0x0  }
0x24: {  	s3 =	sadd.s32 $0x88, s3;
	s6 =	simm.s32 @!p1 $0x1082;
	[sflag:s4] =	ssyncset.s32 $0xFFFFF086  }
0x25: {  	[simem:s6], [sflag:s4] =	dma.local [hbm:s3], $0xF7A  }
0x26: {  	[smem:$0x3F9D] =	sst s1;
	(tag) =	ssettag s2;
	_ =	strace s9  }
0x27: {  	s1 =	sld [smem:$0x3FAD]  }
0x28: {  	s2 =	sld [smem:$0x3FAE]  }
0x29: {  	s4 =	sld [smem:$0x3FB0]  }
0x2a: {  	p0 =	seq.s32 s5, $0x0;
	s5 =	sld [smem:$0x3FB1]  }
0x2b: {  	s6 =	sld [smem:$0x3FB2]  }
0x2c: {  	s7 =	sld [smem:$0x3FB3]  }
0x2d: {  	s3 =	simm.s32 $0x108;
	s8 =	sld [smem:$0x3FB4]  }
0x2e: {  	s3 =	simm.s32 @!p0 $0x1082;
	s9 =	sld [smem:$0x3FB5]  }
0x2f: {  	lr =	sadd.s32 s0, s3;
	s0 =	sld [smem:$0x3FAC]  }
0x30: {  	s3 =	sld [smem:$0x3FAF]  }
0x31: {  	[smem:$0x3FB8] =	sst s10  }
0x32: {  	s10 =	sld [smem:$0x3FB6];
	_ =	sdelay $0x3  }
0x33: {  	p0 =	seq.s32 s10, $0x1;
	s10 =	sld [smem:$0x3FB8];
	_ =	sdelay $0x3  }
0x34: {  	[smem:$0x3FB8] =	sst s10  }
0x35: {  	s10 =	sld [smem:$0x3FB7];
	_ =	sdelay $0x3  }
0x36: {  	p1 =	seq.s32 s10, $0x1;
	s10 =	sld [smem:$0x3FB8];
	_ =	sdelay $0x3  }
0x37: {  	[smem:$0x3FB8] =	sst s10  }
0x38: {  	s10 =	sld [smem:$0x3FB9]  }
0x39: {  	_ = 	snop;
	(pc) =	sbr.ind lr, $3  }
0x3a: {  	_ = 	snop  }
0x3b: {  	_ = 	snop  }
0x3c: {  	p2 =	seq.s32 s10, $0x1;
	s10 =	sld [smem:$0x3FB8]  }
0x3d: {  	_ =	shalt  }
0x3e: {  	_ =	shalt  }
0x3f: {  	_ =	shalt  }
0x40: {  	_ =	shalt  }
0x41: {  	_ =	shalt  }
0x42: {  	_ =	shalt  }
0x43: {  	_ =	shalt  }
0x44: {  	_ =	shalt  }
0x45: {  	_ =	shalt  }
0x46: {  	_ =	shalt  }
0x47: {  	_ =	shalt  }
0x48: {  	_ =	shalt  }
0x49: {  	_ =	shalt  }
0x4a: {  	_ =	shalt  }
0x4b: {  	_ =	shalt  }
0x4c: {  	_ =	shalt  }
0x4d: {  	_ =	shalt  }
0x4e: {  	_ =	shalt  }
0x4f: {  	_ =	shalt  }
0x50: {  	_ =	shalt  }
0x51: {  	_ =	shalt  }
0x52: {  	_ =	shalt  }
0x53: {  	_ =	shalt  }
0x54: {  	_ =	shalt  }
0x55: {  	_ =	shalt  }
0x56: {  	_ =	shalt  }
0x57: {  	_ =	shalt  }
0x58: {  	_ =	shalt  }
0x59: {  	_ =	shalt  }
0x5a: {  	_ =	shalt  }
0x5b: {  	_ =	shalt  }
0x5c: {  	_ =	shalt  }
0x5d: {  	_ =	shalt  }
0x5e: {  	_ =	shalt  }
0x5f: {  	_ =	shalt  }
0x60: {  	_ =	shalt  }
0x61: {  	_ =	shalt  }
0x62: {  	_ =	shalt  }
0x63: {  	_ =	shalt  }
0x64: {  	_ =	shalt  }
0x65: {  	_ =	shalt  }
0x66: {  	_ =	shalt  }
0x67: {  	_ =	shalt  }
0x68: {  	_ =	shalt  }
0x69: {  	_ =	shalt  }
0x6a: {  	_ =	shalt  }
0x6b: {  	_ =	shalt  }
0x6c: {  	_ =	shalt  }
0x6d: {  	_ =	shalt  }
0x6e: {  	_ =	shalt  }
0x6f: {  	_ =	shalt  }
0x70: {  	_ =	shalt  }
0x71: {  	_ =	shalt  }
0x72: {  	_ =	shalt  }
0x73: {  	_ =	shalt  }
0x74: {  	_ =	shalt  }
0x75: {  	_ =	shalt  }
0x76: {  	_ =	shalt  }
0x77: {  	_ =	shalt  }
0x78: {  	_ =	shalt  }
0x79: {  	_ =	shalt  }
0x7a: {  	_ =	shalt  }
0x7b: {  	_ =	shalt  }
0x7c: {  	_ =	shalt  }
0x7d: {  	_ =	shalt  }
0x7e: {  	_ =	shalt  }
0x7f: {  	_ =	shalt  }
0x80: {  	_ =	shalt  }
0x81: {  	_ =	shalt  }
0x82: {  	_ =	shalt  }
0x83: {  	_ =	shalt  }
0x84: {  	_ =	shalt  }
0x85: {  	_ =	shalt  }
0x86: {  	_ =	shalt  }
0x87: {  	_ =	shalt  }
.Lfunc_end0:
.L_simem_size_0:
called_computation.2_lowered:
.L_overlay_start_0:
0x88: {  	s2 =	sld [smem:$0x3FD9]  }
0x89: {  	s3 =	sld [smem:$0x3FFE];
	_ =	sdelay $0x1  }
0x8a: {  	s1 =	srdreg.scid  }
0x8b: {  	s0 =	sand.u32 $0x1, s1  }
0x8c: {  	s17 =	sshll.u32 s0, $0xA;
	s2 =	sadd.s32 s3, s2  }
0x8d: {  	s2 =	sadd.s32 s2, s17  }
0x8e: {  	[smem:$0x3FC4] =	sst s2  }
0x8f: {  	_ = 	snop  }
0x90: {  	s2 =	sld [smem:$0x3FD0];
	(tm) =	ssettm $0x1  }
0x91: {  	s18 =	sld [smem:$0x3FFB];
	_ =	sdelay $0x3  }
0x92: {  	_ =	strace s18  }
0x93: {  	s3 =	sld [smem:$0x3FFC];
	_ =	sdelay $0x3  }
0x94: {  	_ =	strace s3  }
0x95: {  	s3 =	sld [smem:$0x3FFD];
	_ =	sdelay $0x3  }
0x96: {  	_ =	strace s3  }
0x97: {  	_ =	strace $0x8FFFFFFF  }
0x98: {  	s19 =	sld [smem:$0x3FDB];
	_ =	sdelay $0x1  }
0x99: {  	s4 =	simm.s32 $_scs_section_size  }
0x9a: {  	s5 =	simm.s32 $_size__tile_overlayer_lowered;
	s6 =	simm.s32 $_tile_overlayer_lowered  }
0x9b: {  	s22 =	simm.s32 $0x1BFF;
	s21 =	sshll.u32 s6, $0x1;
	s3 =	sadd.s32 s4, s19  }
0x9c: {  	s7 =	simm.s32 $0x0;
	s20 =	sshll.u32 s5, $0x1;
	s5 =	sadd.s32 s21, s3  }
0x9d: {  	[timem:s7], [sflag:s22] =	dma.local [hbm:s5], s20  }
0x9e: {  	_ =	swait.ge [sflag:s22], s20  }
0x9f: {  	s4 =	ssub.s32 $0x0, s20;
	[sflag:s22] =	ssyncset.done $0x0  }
0xa0: {  	[sflag:s22] =	ssyncadd.s32 s4;
	_ =	sdelay $0x1  }
0xa1: {  	s23 =	simm.s32 $0x1B8B  }
0xa2: {  	_ =	swait.ge [sflag:s23], $0x1  }
0xa3: {  	[sflag:s23] =	ssyncset.done $0x0  }
0xa4: {  	s25 =	simm.s32 $0x1B8E;
	s24 =	sld [smem:$0x3FFE];
	[sflag:s23] =	ssyncadd.s32 $0xFFFFFFFF  }
0xa5: {  	s26 =	simm.s32 $execute0_lowered;
	[smem:$0x3FD2] =	sst s25  }
0xa6: {  	s5 =	sshll.u32 s26, $0x1;
	_ =	strace $0x8000004C;
	[dreg:$0x1] =	wrdreg $0xFFFFFFFF  }
0xa7: {  	s28 =	simm.s32 $_size_execute0_lowered;
	s3 =	sadd.s32 s3, s5;
	[dreg:$0x0] =	wrdreg $0x0  }
0xa8: {  	s5 =	sshll.u32 s28, $0x1;
	[dreg:$0x2] =	wrdreg s3  }
0xa9: {  	[dreg:$0x3] =	wrdreg s5  }
0xaa: {  	[dreg:$0x4] =	wrdreg $0xC0  }
0xab: {  	_ =	task [dreg:s7], $0x5FFFF  }
0xac: {  	[dreg:$0x1] =	wrdreg $0xFFFFFFFF  }
0xad: {  	[dreg:$0x0] =	wrdreg $0x60  }
0xae: {  	[dreg:$0x2] =	wrdreg s24  }
0xaf: {  	[dreg:$0x3] =	wrdreg s2  }
0xb0: {  	[dreg:$0x4] =	wrdreg $0x9  }
0xb1: {  	_ =	task.clear_ibuf [dreg:s7], $0x5FFFF;
	_ =	strace $0x9000004C  }
0xb2: {  	s29 =	simm.s32 $0x9;
	_ =	strace $0x8000004E  }
0xb3: {  	_ =	swait.ge [sflag:s29], $0x1  }
0xb4: {  	[sflag:s29] =	ssyncadd.s32 $0xFFFFFFFF  }
0xb5: {  	_ =	strace $0x9000004E  }
0xb6: {  	_ =	sfence  }
0xb7: {  	s30 =	sld [smem:$0x0];
	_ =	sdelay $0x2  }
0xb8: {  	s31 =	sshll.u32 s1, $0xD;
	s1 =	sshrl.u32 s1, $0x2  }
0xb9: {  	s3 =	sand.u32 $0x4000, s31;
	s1 =	sadd.s32 s1, s30  }
0xba: {  	s0 =	sor.u32 s3, s0;
	s1 =	sshll.u32 s1, $0x11  }
0xbb: {  	s0 =	sor.u32 s1, s0  }
0xbc: {  	s0 =	sadd.s32 $0x8F2B, s0  }
0xbd: {  	[sflag:s0] =	ssyncadd.remote.s32 $0x1  }
0xbe: {  	_ =	sfence.sel $0xFFFF  }
0xbf: {  	[dreg:$0x0] =	wrdreg $0xFFFFFFFF;
	(pc) =	sbr.abs _section_cstart, $3  }
0xc0: {  	[dreg:$0x1] =	wrdreg $0xFFFFFFFF  }
0xc1: {  	_ =	task.clear_ibuf [dreg:s7], $0x2FFFF;
	_ =	strace $0x9FFFFFFF  }
0xc2: {  	(tm) =	ssettm $0x7FFFFFFF  }
0xc3: {  	_ =	shalt  }
tec
execute0_lowered:
.L_overlay_start_1:
0x0: {  	(tag) =	ssettag $0x1  }
0x1: {  	s0 =	rddreg [dreg:$0x0];
	s1 =	srdreg.scid  }
0x2: {  	s2 =	stileid.u32;
	s10 =	rddreg [dreg:$0x1];
	s14 =	simm.s32 $0x3  }
0x3: {  	s22 =	simm.s32 $0xC880;
	s23 =	simm.s32 $0xD080;
	s24 =	simm.s32 $0xD880  }
0x4: {  	s28 =	simm.s32 $0xF080;
	s29 =	simm.s32 $0xF880;
	s30 =	simm.s32 $0x1  }
0x5: {  	s31 =	simm.s32 $0x10080;
	s1 =	sand.u32 $0x1, s1;
	s3 =	sshll.u32 s2, $0x1  }
0x6: {  	s2 =	simm.s32 $0x0;
	s5 =	sadd.s32 $0x203400, s0;
	s6 =	sadd.s32 $0x203500, s0  }
0x7: {  	s7 =	sadd.s32 $0x203600, s0;
	s9 =	sadd.s32 $0x203800, s0;
	s12 =	sor.u32 s1, s3  }
0x8: {  	[smem:$0x7FF] =	sst s2;
	s3 =	sadd.s32 $0x203200, s0;
	s1 =	ssub.s32 $0x2, s1  }
0x9: {  	s4 =	sshll.u32 s12, $0x4;
	_ =	strace $0x8000004D;
	s8 =	sshrl.u32 s1, $0x1  }
0xa: {  	s25 =	sshll.u32 s12, $0xE;
	s11 =	sadd.s32 s4, s0;
	s4 =	sadd.s32 $0x203300, s0  }
0xb: {  	s1 =	ssub.s32 s1, s8;
	s8 =	sadd.s32 $0x203700, s0;
	s12 =	sadd.s32 s10, s25  }
0xc: {  	v2 =	vlaneseq.u32;
	s25 =	simm.s32 $0xE080;
	s10 =	simm.s32 $0x2;
	s11 =	sadd.s32 $0x3000, s11  }
0xd: {  	vm0 =	vmmov $0xffff;
	v1 =	vshrl.u32 v2, $0x3;
	s26 =	smax.u32 s1, $0x1;
	s1 =	simm.s32 $0x0;
	[dreg:$0x3] =	wrdreg s11  }
0xe: {  	v0 =	vand.u32 $0x7, v2;
	v2 =	vor.u32 $0x8, v2;
	v1 =	vmul.u32 $0x8, v1;
	s11 =	sadd.s32 $0x203900, s0;
	[dreg:$0x4] =	wrdreg s26;
	s26 =	simm.s32 $0xE880  }
.LBB2_1:
0xf: {  	[dreg:$0x5] =	wrdreg s1  }
0x10: {  	s0 =	rddreg [dreg:$0x3]  }
0x11: {  	[tilespmem:s2], [sflag:$0x3] =	stream.linear.gather [hbm4b:s0+s2], $0x80, $0x38;
	[tilespmem:$0x14080] =	vst v63  }
0x12: {  	_ =	swait.ge [sflag:s14], $0x80  }
0x13: {  	[sflag:s14] =	ssyncset.done $0x0  }
0x14: {  	[sflag:s14] =	ssyncadd.s32 $0xFFFFFF80  }
0x15: {  	v3 =	vld [tilespmem:$0x0];
	_ =	sdelay $0x4  }
0x16: {  	v4 =	vshll.u32 v3, $0x4  }
0x17: {  	v3 =	vand.u32 $0x7, v3;
	v4 =	vand.u32 $0xFFFFFF80, v4  }
0x18: {  	v3 =	vor.u32 v3, v4  }
0x19: {  	v4 =	vperm.xlane v3, v0;
	_ =	sdelay $0x1  }
0x1a: {  	v4 =	vadd.s32 v1, v4;
	_ =	sdelay $0x3  }
0x1b: {  	s15 =	simm.s32 $0x80  }
0x1c: {  	[tilespmem:s15], [sflag:$0x1] =	stream.indirect_vreg.gather [hbm4b:s3+s2], $0x80, v4, vm0, $0xb8;
	[tilespmem:$0x14080] =	vst v63  }
0x1d: {  	s16 =	simm.s32 $0x880  }
0x1e: {  	[tilespmem:s16], [sflag:$0x1] =	stream.indirect_vreg.gather [hbm4b:s4+s2], $0x80, v4, vm0, $0xb8;
	[tilespmem:$0x14080] =	vst v63  }
0x1f: {  	s17 =	simm.s32 $0x1080  }
0x20: {  	[tilespmem:s17], [sflag:$0x1] =	stream.indirect_vreg.gather [hbm4b:s5+s2], $0x80, v4, vm0, $0xb8;
	[tilespmem:$0x14080] =	vst v63  }
0x21: {  	s18 =	simm.s32 $0x1880  }
0x22: {  	[tilespmem:s18], [sflag:$0x1] =	stream.indirect_vreg.gather [hbm4b:s6+s2], $0x80, v4, vm0, $0xb8;
	[tilespmem:$0x14080] =	vst v63  }
0x23: {  	s19 =	simm.s32 $0x2080  }
0x24: {  	[tilespmem:s19], [sflag:$0x1] =	stream.indirect_vreg.gather [hbm4b:s7+s2], $0x80, v4, vm0, $0xb8;
	[tilespmem:$0x14080] =	vst v63  }
0x25: {  	s20 =	simm.s32 $0x2880;
	v3 =	vperm.xlane v3, v2  }
0x26: {  	[tilespmem:s20], [sflag:$0x1] =	stream.indirect_vreg.gather [hbm4b:s8+s2], $0x80, v4, vm0, $0xb8;
	[tilespmem:$0x14080] =	vst v63  }
0x27: {  	s21 =	simm.s32 $0x3080;
	v3 =	vadd.s32 v1, v3  }
0x28: {  	[tilespmem:s21], [sflag:$0x1] =	stream.indirect_vreg.gather [hbm4b:s9+s2], $0x80, v4, vm0, $0xb8;
	[tilespmem:$0x14080] =	vst v63  }
0x29: {  	s1 =	simm.s32 $0x3880  }
0x2a: {  	[tilespmem:s1], [sflag:$0x1] =	stream.indirect_vreg.gather [hbm4b:s11+s2], $0x80, v4, vm0, $0xb8;
	[tilespmem:$0x14080] =	vst v63  }
0x2b: {  	s13 =	simm.s32 $0x4080  }
0x2c: {  	[tilespmem:s13], [sflag:$0x1] =	stream.indirect_vreg.gather [hbm4b:s3+s2], $0x80, v3, vm0, $0xb8;
	[tilespmem:$0x14080] =	vst v63  }
0x2d: {  	s15 =	simm.s32 $0x4880  }
0x2e: {  	[tilespmem:s15], [sflag:$0x1] =	stream.indirect_vreg.gather [hbm4b:s4+s2], $0x80, v3, vm0, $0xb8;
	[tilespmem:$0x14080] =	vst v63  }
0x2f: {  	s16 =	simm.s32 $0x5080  }
0x30: {  	[tilespmem:s16], [sflag:$0x1] =	stream.indirect_vreg.gather [hbm4b:s5+s2], $0x80, v3, vm0, $0xb8;
	[tilespmem:$0x14080] =	vst v63  }
0x31: {  	s17 =	simm.s32 $0x5880  }
0x32: {  	[tilespmem:s17], [sflag:$0x1] =	stream.indirect_vreg.gather [hbm4b:s6+s2], $0x80, v3, vm0, $0xb8;
	[tilespmem:$0x14080] =	vst v63  }
0x33: {  	s18 =	simm.s32 $0x6080  }
0x34: {  	[tilespmem:s18], [sflag:$0x1] =	stream.indirect_vreg.gather [hbm4b:s7+s2], $0x80, v3, vm0, $0xb8;
	[tilespmem:$0x14080] =	vst v63  }
0x35: {  	s19 =	simm.s32 $0x6880  }
0x36: {  	[tilespmem:s19], [sflag:$0x1] =	stream.indirect_vreg.gather [hbm4b:s8+s2], $0x80, v3, vm0, $0xb8;
	[tilespmem:$0x14080] =	vst v63  }
0x37: {  	s20 =	simm.s32 $0x7080  }
0x38: {  	[tilespmem:s20], [sflag:$0x1] =	stream.indirect_vreg.gather [hbm4b:s9+s2], $0x80, v3, vm0, $0xb8;
	[tilespmem:$0x14080] =	vst v63  }
0x39: {  	s21 =	simm.s32 $0x7880;
	s13 =	simm.s32 $0x0  }
0x3a: {  	[tilespmem:s21], [sflag:$0x1] =	stream.indirect_vreg.gather [hbm4b:s11+s2], $0x80, v3, vm0, $0xb8;
	[tilespmem:$0x14080] =	vst v63  }
.LBB2_2:
0x3b: {  	s1 =	sshllo.u32 s13, $0x1  }
0x3c: {  	s0 =	sshll.u32 s1, $0x4  }
0x3d: {  	s0 =	sand.u32 $0x3FFFFFF0, s0  }
0x3e: {  	v3 =	vld [tilespmem:s0+$0x0];
	_ =	sdelay $0x4  }
0x3f: {  	v4 =	vshll.u32 v3, $0x4  }
0x40: {  	v3 =	vand.u32 $0x7, v3;
	v4 =	vand.u32 $0xFFFFFF80, v4  }
0x41: {  	v3 =	vor.u32 v3, v4  }
0x42: {  	v4 =	vperm.xlane v3, v0;
	_ =	sdelay $0x1  }
0x43: {  	v4 =	vadd.s32 v1, v4;
	_ =	sdelay $0x3  }
0x44: {  	s15 =	simm.s32 $0x0;
	s17 =	simm.s32 $0x8080  }
0x45: {  	[tilespmem:s17], [sflag:$0x2] =	stream.indirect_vreg.gather [hbm4b:s3+s15], $0x80, v4, vm0, $0xb8;
	[tilespmem:$0x14080] =	vst v63  }
0x46: {  	s18 =	simm.s32 $0x8880  }
0x47: {  	[tilespmem:s18], [sflag:$0x2] =	stream.indirect_vreg.gather [hbm4b:s4+s15], $0x80, v4, vm0, $0xb8;
	[tilespmem:$0x14080] =	vst v63  }
0x48: {  	s19 =	simm.s32 $0x9080  }
0x49: {  	[tilespmem:s19], [sflag:$0x2] =	stream.indirect_vreg.gather [hbm4b:s5+s15], $0x80, v4, vm0, $0xb8;
	[tilespmem:$0x14080] =	vst v63  }
0x4a: {  	s20 =	simm.s32 $0x9880  }
0x4b: {  	[tilespmem:s20], [sflag:$0x2] =	stream.indirect_vreg.gather [hbm4b:s6+s15], $0x80, v4, vm0, $0xb8;
	[tilespmem:$0x14080] =	vst v63  }
0x4c: {  	s21 =	simm.s32 $0xA080  }
0x4d: {  	[tilespmem:s21], [sflag:$0x2] =	stream.indirect_vreg.gather [hbm4b:s7+s15], $0x80, v4, vm0, $0xb8;
	[tilespmem:$0x14080] =	vst v63  }
0x4e: {  	s16 =	simm.s32 $0xA880;
	v3 =	vperm.xlane v3, v2  }
0x4f: {  	[tilespmem:s16], [sflag:$0x2] =	stream.indirect_vreg.gather [hbm4b:s8+s15], $0x80, v4, vm0, $0xb8;
	[tilespmem:$0x14080] =	vst v63  }
0x50: {  	v3 =	vadd.s32 v1, v3;
	s17 =	simm.s32 $0xB080  }
0x51: {  	[tilespmem:s17], [sflag:$0x2] =	stream.indirect_vreg.gather [hbm4b:s9+s15], $0x80, v4, vm0, $0xb8;
	[tilespmem:$0x14080] =	vst v63  }
0x52: {  	s18 =	simm.s32 $0xB880  }
0x53: {  	[tilespmem:s18], [sflag:$0x2] =	stream.indirect_vreg.gather [hbm4b:s11+s15], $0x80, v4, vm0, $0xb8;
	[tilespmem:$0x14080] =	vst v63  }
0x54: {  	s19 =	simm.s32 $0xC080  }
0x55: {  	[tilespmem:s19], [sflag:$0x2] =	stream.indirect_vreg.gather [hbm4b:s3+s15], $0x80, v3, vm0, $0xb8;
	[tilespmem:$0x14080] =	vst v63  }
0x56: {  	_ = 	snop  }
0x57: {  	[tilespmem:s22], [sflag:$0x2] =	stream.indirect_vreg.gather [hbm4b:s4+s15], $0x80, v3, vm0, $0xb8;
	[tilespmem:$0x14080] =	vst v63  }
0x58: {  	_ = 	snop  }
0x59: {  	[tilespmem:s23], [sflag:$0x2] =	stream.indirect_vreg.gather [hbm4b:s5+s15], $0x80, v3, vm0, $0xb8;
	[tilespmem:$0x14080] =	vst v63  }
0x5a: {  	_ = 	snop  }
0x5b: {  	[tilespmem:s24], [sflag:$0x2] =	stream.indirect_vreg.gather [hbm4b:s6+s15], $0x80, v3, vm0, $0xb8;
	[tilespmem:$0x14080] =	vst v63  }
0x5c: {  	_ = 	snop  }
0x5d: {  	[tilespmem:s25], [sflag:$0x2] =	stream.indirect_vreg.gather [hbm4b:s7+s15], $0x80, v3, vm0, $0xb8;
	[tilespmem:$0x14080] =	vst v63  }
0x5e: {  	_ = 	snop  }
0x5f: {  	[tilespmem:s26], [sflag:$0x2] =	stream.indirect_vreg.gather [hbm4b:s8+s15], $0x80, v3, vm0, $0xb8;
	[tilespmem:$0x14080] =	vst v63  }
0x60: {  	_ = 	snop  }
0x61: {  	[tilespmem:s28], [sflag:$0x2] =	stream.indirect_vreg.gather [hbm4b:s9+s15], $0x80, v3, vm0, $0xb8;
	[tilespmem:$0x14080] =	vst v63  }
0x62: {  	_ = 	snop  }
0x63: {  	[tilespmem:s29], [sflag:$0x2] =	stream.indirect_vreg.gather [hbm4b:s11+s15], $0x80, v3, vm0, $0xb8;
	[tilespmem:$0x14080] =	vst v63  }
0x64: {  	_ =	swait.ge [sflag:s30], $0x8000  }
0x65: {  	s20 =	sand.u32 $0x70, s15;
	s16 =	sand.u32 $0x3C00, s15;
	[sflag:s30] =	ssyncset.done $0x0  }
0x66: {  	s0 =	sor.u32 s20, s16;
	[sflag:s30] =	ssyncadd.s32 $0xFFFF8000  }
0x67: {  	v3 =	vld [tilespmem:s0+$0x4180]  }
0x68: {  	v4 =	vld [tilespmem:s0+$0x4200]  }
0x69: {  	s21 =	sand.u32 $0x7, s15;
	v6 =	vld [tilespmem:s0+$0x100]  }
0x6a: {  	s16 =	sshll.u32 s21, $0x4;
	v5 =	vld [tilespmem:s0+$0x180]  }
0x6b: {  	s17 =	simm.s32 $0x10;
	s16 =	sadd.s32 $0x0, s16;
	s18 =	simm.s32 $0x0;
	v7 =	vld [tilespmem:s0+$0x300]  }
.LBB2_3:
0x6c: {  	p0 =	sne.s32 s17, $0x7F0;
	v8 =	vld [tilespmem:s0+$0x280];
	s15 =	sadd.s32 $0x80, s15;
	s18 =	sadd.s32 $0x1, s18  }
0x6d: {  	s20 =	smov.u32 s17;
	s17 =	sadd.s32 $0x10, s17;
	s19 =	sand.u32 $0x7, s18;
	v9 =	vld [tilespmem:s0+$0x80]  }
0x6e: {  	s19 =	sshll.u32 s19, $0x4;
	v10 =	vld [tilespmem:s0+$0x200]  }
0x6f: {  	s19 =	sadd.s32 s19, s15;
	v11 =	vld [tilespmem:s0+$0x4100]  }
0x70: {  	v3 =	vadd.f32 v4, v3;
	v12 =	vld [tilespmem:s0+$0x4080]  }
0x71: {  	v4 =	vadd.f32 v7, v8;
	v7 =	vld [tilespmem:s0+$0x4300]  }
0x72: {  	s20 =	sand.u32 $0x70, s20;
	s21 =	sand.u32 $0x3C00, s15;
	v6 =	vadd.f32 v6, v9;
	v8 =	vld [tilespmem:s0+$0x4280]  }
0x73: {  	s20 =	sor.u32 s20, s21;
	v5 =	vadd.f32 v10, v5;
	[tilespmem:s0+$0x10180] =	vst v4  }
0x74: {  	[tilespmem:s0+$0x10080] =	vst v6;
	v4 =	vld [tilespmem:s0+$0x4400]  }
0x75: {  	s21 =	sor.u32 $0x380, s16;
	s16 =	smov.u32 s19;
	[tilespmem:s0+$0x10100] =	vst v5;
	v5 =	vld [tilespmem:s0+$0x380];
	v6 =	vadd.f32 v11, v12  }
0x76: {  	v9 =	vld [tilespmem:s21+$0x80]  }
0x77: {  	[tilespmem:s0+$0x10280] =	vst v6;
	v6 =	vadd.f32 v7, v8;
	v7 =	vld [tilespmem:s0+$0x4380]  }
0x78: {  	[tilespmem:s0+$0x10300] =	vst v3  }
0x79: {  	[tilespmem:s0+$0x10380] =	vst v6;
	_ =	sdelay $0x1  }
0x7a: {  	v3 =	vadd.f32 v9, v5  }
0x7b: {  	v4 =	vadd.f32 v4, v7  }
0x7c: {  	[tilespmem:s0+$0x10200] =	vst v3;
	s0 =	smov.u32 s20  }
0x7d: {  	[tilespmem:s21+$0x10080] =	vst v4  }
.Ltmp0:
0x7e: {  	v3 =	vld [tilespmem:s0+$0x4180];
	(pc) =	sbr.rel @p0 .LBB2_3-.Ltmp0, $4  }
0x7f: {  	v4 =	vld [tilespmem:s0+$0x4200]  }
0x80: {  	v6 =	vld [tilespmem:s0+$0x100]  }
0x81: {  	v5 =	vld [tilespmem:s0+$0x180]  }
0x82: {  	v7 =	vld [tilespmem:s0+$0x300]  }
0x83: {  	v8 =	vld [tilespmem:s0+$0x280]  }
0x84: {  	v9 =	vld [tilespmem:s0+$0x80]  }
0x85: {  	v10 =	vld [tilespmem:s0+$0x200]  }
0x86: {  	v11 =	vld [tilespmem:s0+$0x4100]  }
0x87: {  	v12 =	vld [tilespmem:s0+$0x4080]  }
0x88: {  	v7 =	vadd.f32 v7, v8  }
0x89: {  	v62 =	vld [tilespmem:s0+$0x4280];
	v6 =	vadd.f32 v6, v9  }
0x8a: {  	v8 =	vld [tilespmem:s0+$0x4300];
	v5 =	vadd.f32 v10, v5;
	[tilespmem:s0+$0x10180] =	vst v7  }
0x8b: {  	[tilespmem:s0+$0x10080] =	vst v6;
	v6 =	vld [tilespmem:s0+$0x4400]  }
0x8c: {  	s15 =	sor.u32 $0x380, s16;
	[tilespmem:s0+$0x10100] =	vst v5;
	v5 =	vld [tilespmem:s0+$0x380];
	v7 =	vadd.f32 v11, v12  }
0x8d: {  	v63 =	vld [tilespmem:s15+$0x80]  }
0x8e: {  	[tilespmem:s0+$0x10280] =	vst v7;
	v7 =	vld [tilespmem:s0+$0x4380];
	_ =	sdelay $0x1  }
0x8f: {  	v3 =	vadd.f32 v4, v3  }
0x90: {  	v4 =	vadd.f32 v8, v62  }
0x91: {  	[tilespmem:s0+$0x10300] =	vst v3;
	v3 =	vadd.f32 v63, v5  }
0x92: {  	[tilespmem:s0+$0x10380] =	vst v4;
	v4 =	vadd.f32 v6, v7  }
0x93: {  	s18 =	sshll.u32 s13, $0xC;
	[tilespmem:s0+$0x10200] =	vst v3  }
0x94: {  	s0 =	sadd.s32 s18, s12;
	[tilespmem:s15+$0x10080] =	vst v4  }
0x95: {  	[hbm4b:s0+s2] =	stream.linear.scatter [tilespmem:s31], [sflag:$0x3], $0x4000, $0x38;
	[tilespmem:$0x14080] =	vst v63  }
0x96: {  	p0 =	seq.s32 s13, $0x3;
	_ =	swait.ge [sflag:s14], $0x4000  }
0x97: {  	s0 =	sshll.u32 @!p0 s13, $0x5;
	[sflag:s14] =	ssyncset.done $0x0  }
0x98: {  	s0 =	sand.u32 @!p0 $0x3FFFFFE0, s0;
	[sflag:s14] =	ssyncadd.s32 $0xFFFFC000  }
0x99: {  	v3 =	vld @!p0 [tilespmem:s0+$0x20];
	_ =	sdelay $0x4  }
0x9a: {  	v4 =	vshll.u32 @!p0 v3, $0x4  }
0x9b: {  	v5 =	vlaneseq.u32 @!p0;
	v3 =	vand.u32 @!p0 $0x7, v3;
	v4 =	vand.u32 @!p0 $0xFFFFFF80, v4  }
0x9c: {  	v6 =	vshrl.u32 @!p0 v5, $0x3;
	v3 =	vor.u32 @!p0 v3, v4;
	v4 =	vand.u32 @!p0 $0x7, v5  }
0x9d: {  	v6 =	vmul.u32 @!p0 $0x8, v6;
	v4 =	vperm.xlane @!p0 v3, v4;
	_ =	sdelay $0x1  }
0x9e: {  	v4 =	vadd.s32 @!p0 v6, v4;
	_ =	sdelay $0x3  }
0x9f: {  	vm1 =	vmmov @!p0 $0xffff;
	s15 =	simm.s32 @!p0 $0x80;
	s0 =	simm.s32 @!p0 $0x0  }
0xa0: {  	[tilespmem:s15], [sflag:$0x1] =	stream.indirect_vreg.gather @!p0 [hbm4b:s3+s0], $0x80, v4, vm1, $0xb8;
	[tilespmem:$0x14080] =	vst v63  }
0xa1: {  	s15 =	simm.s32 @!p0 $0x880  }
0xa2: {  	[tilespmem:s15], [sflag:$0x1] =	stream.indirect_vreg.gather @!p0 [hbm4b:s4+s0], $0x80, v4, vm1, $0xb8;
	[tilespmem:$0x14080] =	vst v63  }
0xa3: {  	s15 =	simm.s32 @!p0 $0x1080  }
0xa4: {  	[tilespmem:s15], [sflag:$0x1] =	stream.indirect_vreg.gather @!p0 [hbm4b:s5+s0], $0x80, v4, vm1, $0xb8;
	[tilespmem:$0x14080] =	vst v63  }
0xa5: {  	s15 =	simm.s32 @!p0 $0x1880  }
0xa6: {  	[tilespmem:s15], [sflag:$0x1] =	stream.indirect_vreg.gather @!p0 [hbm4b:s6+s0], $0x80, v4, vm1, $0xb8;
	[tilespmem:$0x14080] =	vst v63  }
0xa7: {  	s15 =	simm.s32 @!p0 $0x2080  }
0xa8: {  	v5 =	vor.u32 @!p0 $0x8, v5;
	[tilespmem:s15], [sflag:$0x1] =	stream.indirect_vreg.gather @!p0 [hbm4b:s7+s0], $0x80, v4, vm1, $0xb8;
	[tilespmem:$0x14080] =	vst v63  }
0xa9: {  	v3 =	vperm.xlane @!p0 v3, v5;
	s15 =	simm.s32 @!p0 $0x2880  }
0xaa: {  	[tilespmem:s15], [sflag:$0x1] =	stream.indirect_vreg.gather @!p0 [hbm4b:s8+s0], $0x80, v4, vm1, $0xb8;
	[tilespmem:$0x14080] =	vst v63  }
0xab: {  	v3 =	vadd.s32 @!p0 v6, v3;
	s15 =	simm.s32 @!p0 $0x3080  }
0xac: {  	[tilespmem:s15], [sflag:$0x1] =	stream.indirect_vreg.gather @!p0 [hbm4b:s9+s0], $0x80, v4, vm1, $0xb8;
	[tilespmem:$0x14080] =	vst v63  }
0xad: {  	s15 =	simm.s32 @!p0 $0x3880  }
0xae: {  	[tilespmem:s15], [sflag:$0x1] =	stream.indirect_vreg.gather @!p0 [hbm4b:s11+s0], $0x80, v4, vm1, $0xb8;
	[tilespmem:$0x14080] =	vst v63  }
0xaf: {  	s15 =	simm.s32 @!p0 $0x4080  }
0xb0: {  	[tilespmem:s15], [sflag:$0x1] =	stream.indirect_vreg.gather @!p0 [hbm4b:s3+s0], $0x80, v3, vm1, $0xb8;
	[tilespmem:$0x14080] =	vst v63  }
0xb1: {  	s15 =	simm.s32 @!p0 $0x4880  }
0xb2: {  	[tilespmem:s15], [sflag:$0x1] =	stream.indirect_vreg.gather @!p0 [hbm4b:s4+s0], $0x80, v3, vm1, $0xb8;
	[tilespmem:$0x14080] =	vst v63  }
0xb3: {  	s15 =	simm.s32 @!p0 $0x5080  }
0xb4: {  	[tilespmem:s15], [sflag:$0x1] =	stream.indirect_vreg.gather @!p0 [hbm4b:s5+s0], $0x80, v3, vm1, $0xb8;
	[tilespmem:$0x14080] =	vst v63  }
0xb5: {  	s15 =	simm.s32 @!p0 $0x5880  }
0xb6: {  	[tilespmem:s15], [sflag:$0x1] =	stream.indirect_vreg.gather @!p0 [hbm4b:s6+s0], $0x80, v3, vm1, $0xb8;
	[tilespmem:$0x14080] =	vst v63  }
0xb7: {  	s15 =	simm.s32 @!p0 $0x6080  }
0xb8: {  	[tilespmem:s15], [sflag:$0x1] =	stream.indirect_vreg.gather @!p0 [hbm4b:s7+s0], $0x80, v3, vm1, $0xb8;
	[tilespmem:$0x14080] =	vst v63  }
0xb9: {  	s15 =	simm.s32 @!p0 $0x6880  }
0xba: {  	[tilespmem:s15], [sflag:$0x1] =	stream.indirect_vreg.gather @!p0 [hbm4b:s8+s0], $0x80, v3, vm1, $0xb8;
	[tilespmem:$0x14080] =	vst v63  }
0xbb: {  	s15 =	simm.s32 @!p0 $0x7080  }
0xbc: {  	[tilespmem:s15], [sflag:$0x1] =	stream.indirect_vreg.gather @!p0 [hbm4b:s9+s0], $0x80, v3, vm1, $0xb8;
	[tilespmem:$0x14080] =	vst v63  }
0xbd: {  	s15 =	simm.s32 @!p0 $0x7880  }
0xbe: {  	[tilespmem:s15], [sflag:$0x1] =	stream.indirect_vreg.gather @!p0 [hbm4b:s11+s0], $0x80, v3, vm1, $0xb8;
	[tilespmem:$0x14080] =	vst v63  }
0xbf: {  	s16 =	simm.s32 $0x0;
	_ =	swait.ge [sflag:s10], $0x8000  }
0xc0: {  	s19 =	sand.u32 $0x70, s16;
	s20 =	sand.u32 $0x3C00, s16;
	[sflag:s10] =	ssyncset.done $0x0  }
0xc1: {  	s0 =	sor.u32 s19, s20;
	[sflag:s10] =	ssyncadd.s32 $0xFFFF8000  }
0xc2: {  	v3 =	vld [tilespmem:s0+$0xC180]  }
0xc3: {  	v4 =	vld [tilespmem:s0+$0xC200]  }
0xc4: {  	s21 =	sand.u32 $0x7, s16;
	v6 =	vld [tilespmem:s0+$0x8100]  }
0xc5: {  	s15 =	sshll.u32 s21, $0x4;
	v5 =	vld [tilespmem:s0+$0x8180]  }
0xc6: {  	s17 =	simm.s32 $0x10;
	s18 =	simm.s32 $0x0;
	s15 =	sadd.s32 $0x0, s15;
	v7 =	vld [tilespmem:s0+$0x8300]  }
.LBB2_5:
0xc7: {  	p0 =	sne.s32 s17, $0x7F0;
	v8 =	vld [tilespmem:s0+$0x8280];
	s16 =	sadd.s32 $0x80, s16;
	s18 =	sadd.s32 $0x1, s18  }
0xc8: {  	s20 =	smov.u32 s17;
	s17 =	sadd.s32 $0x10, s17;
	s19 =	sand.u32 $0x7, s18;
	v9 =	vld [tilespmem:s0+$0x8080]  }
0xc9: {  	s19 =	sshll.u32 s19, $0x4;
	v10 =	vld [tilespmem:s0+$0x8200]  }
0xca: {  	s19 =	sadd.s32 s19, s16;
	v11 =	vld [tilespmem:s0+$0xC100]  }
0xcb: {  	v3 =	vadd.f32 v4, v3;
	v12 =	vld [tilespmem:s0+$0xC080]  }
0xcc: {  	v4 =	vadd.f32 v7, v8;
	v7 =	vld [tilespmem:s0+$0xC300]  }
0xcd: {  	s20 =	sand.u32 $0x70, s20;
	s21 =	sand.u32 $0x3C00, s16;
	v6 =	vadd.f32 v6, v9;
	v8 =	vld [tilespmem:s0+$0xC280]  }
0xce: {  	s20 =	sor.u32 s20, s21;
	v5 =	vadd.f32 v10, v5;
	[tilespmem:s0+$0x10180] =	vst v4  }
0xcf: {  	[tilespmem:s0+$0x10080] =	vst v6;
	v4 =	vld [tilespmem:s0+$0xC400]  }
0xd0: {  	s21 =	sor.u32 $0x380, s15;
	s15 =	smov.u32 s19;
	[tilespmem:s0+$0x10100] =	vst v5;
	v5 =	vld [tilespmem:s0+$0x8380];
	v6 =	vadd.f32 v11, v12  }
0xd1: {  	v9 =	vld [tilespmem:s21+$0x8080]  }
0xd2: {  	[tilespmem:s0+$0x10280] =	vst v6;
	v6 =	vadd.f32 v7, v8;
	v7 =	vld [tilespmem:s0+$0xC380]  }
0xd3: {  	[tilespmem:s0+$0x10300] =	vst v3  }
0xd4: {  	[tilespmem:s0+$0x10380] =	vst v6;
	_ =	sdelay $0x1  }
0xd5: {  	v3 =	vadd.f32 v9, v5  }
0xd6: {  	v4 =	vadd.f32 v4, v7  }
0xd7: {  	[tilespmem:s0+$0x10200] =	vst v3;
	s0 =	smov.u32 s20  }
0xd8: {  	[tilespmem:s21+$0x10080] =	vst v4  }
.Ltmp1:
0xd9: {  	v3 =	vld [tilespmem:s0+$0xC180];
	(pc) =	sbr.rel @p0 .LBB2_5-.Ltmp1, $4  }
0xda: {  	v4 =	vld [tilespmem:s0+$0xC200]  }
0xdb: {  	v6 =	vld [tilespmem:s0+$0x8100]  }
0xdc: {  	v5 =	vld [tilespmem:s0+$0x8180]  }
0xdd: {  	v7 =	vld [tilespmem:s0+$0x8300]  }
0xde: {  	v8 =	vld [tilespmem:s0+$0x8280]  }
0xdf: {  	v9 =	vld [tilespmem:s0+$0x8080]  }
0xe0: {  	v10 =	vld [tilespmem:s0+$0x8200];
	_ =	sdelay $0x1  }
0xe1: {  	v11 =	vld [tilespmem:s0+$0xC100]  }
0xe2: {  	v12 =	vld [tilespmem:s0+$0xC080];
	v7 =	vadd.f32 v7, v8  }
0xe3: {  	v55 =	vld [tilespmem:s0+$0xC300];
	v6 =	vadd.f32 v6, v9  }
0xe4: {  	v56 =	vld [tilespmem:s0+$0xC280];
	v5 =	vadd.f32 v10, v5;
	[tilespmem:s0+$0x10180] =	vst v7  }
0xe5: {  	v57 =	vld [tilespmem:s0+$0xC400];
	[tilespmem:s0+$0x10080] =	vst v6  }
0xe6: {  	v58 =	vld [tilespmem:s0+$0x8380];
	s15 =	sor.u32 $0x380, s15;
	[tilespmem:s0+$0x10100] =	vst v5  }
0xe7: {  	v60 =	vld [tilespmem:s15+$0x8080]  }
0xe8: {  	v61 =	vld [tilespmem:s0+$0xC380]  }
0xe9: {  	v59 =	vadd.f32 v11, v12  }
0xea: {  	v3 =	vadd.f32 v4, v3  }
0xeb: {  	v62 =	vadd.f32 v55, v56;
	[tilespmem:s0+$0x10280] =	vst v59  }
0xec: {  	[tilespmem:s0+$0x10300] =	vst v3;
	v3 =	vadd.f32 v60, v58  }
0xed: {  	s13 =	sadd.s32 $0x1, s13;
	v63 =	vadd.f32 v57, v61;
	[tilespmem:s0+$0x10380] =	vst v62  }
0xee: {  	s21 =	sshll.u32 s1, $0xB;
	p0 =	sne.s32 s13, $0x4;
	[tilespmem:s0+$0x10200] =	vst v3  }
.Ltmp2:
0xef: {  	s0 =	sadd.s32 s21, s12;
	[tilespmem:s15+$0x10080] =	vst v63;
	(pc) =	sbr.rel @p0 .LBB2_2-.Ltmp2, $4  }
0xf0: {  	[hbm4b:s0+s2] =	stream.linear.scatter [tilespmem:s31], [sflag:$0x3], $0x4000, $0x38;
	[tilespmem:$0x14080] =	vst v63  }
0xf1: {  	_ =	swait.ge [sflag:s14], $0x4000  }
0xf2: {  	[sflag:s14] =	ssyncset.done $0x0  }
0xf3: {  	[sflag:s14] =	ssyncadd.s32 $0xFFFFC000  }
0xf4: {  	s1 =	rddreg [dreg:$0x5]  }
0xf5: {  	s0 =	rddreg [dreg:$0x4];
	s1 =	sadd.s32 $0x1, s1  }
0xf6: {  	p0 =	sne.s32 s1, s0  }
.Ltmp3:
0xf7: {  	_ = 	snop;
	(pc) =	sbr.rel @p0 .LBB2_1-.Ltmp3, $1  }
0xf8: {  	_ =	sdelay $0x3  }
0xf9: {  	_ =	sfence.sel $0x180000  }
0xfa: {  	[bflag:$0x0] =	sbarrier.arrive $0xFFFF  }
0xfb: {  	_ =	strace $0x9000004D  }
0xfc: {  	s0 =	stileid.u32;
	[bflag:$0x2] =	sbarrier.arrive $0xFFFF  }
0xfd: {  	p0 =	sne.s32 s0, $0x0;
	s0 =	rddreg [dreg:$0x2]  }
0xfe: {  	s0 =	sadd.s32 @!p0 $0x100000, s0  }
0xff: {  	[sflag:s0] =	ssyncadd.tile.s32 @!p0 $0x1;
	_ =	shalt  }
.Lfunc_end2:
_tile_overlayer_lowered:
.L_overlay_start_2:
0x100: {  	(tag) =	ssettag $0x2  }
0x101: {  	s0 =	rddreg [dreg:$0x0];
	s2 =	stileid.u32  }
0x102: {  	s1 =	rddreg [dreg:$0x1];
	p0 =	sne.s32 s2, $0x0  }
0x103: {  	s3 =	rddreg [dreg:$0x2];
	[bflag:$0x3] =	sbarrier.arrive $0xFFFF;
	s2 =	simm.s32 @!p0 $0x1C03  }
0x104: {  	[timem:s3], [sflag:s2] =	dma.local @!p0 [hbm:s0], s1  }
0x105: {  	s0 =	simm.s32 @!p0 $0x3  }
0x106: {  	_ =	swait.ge @!p0 [sflag:s0], s1  }
0x107: {  	s1 =	ssub.s32 @!p0 $0x0, s1;
	[sflag:s0] =	ssyncset.done @!p0 $0x0  }
0x108: {  	[sflag:s0] =	ssyncadd.s32 @!p0 s1  }
0x109: {  	[bflag:$0x3] =	sbarrier.arrive $0xFFFF  }
0x10a: {  	_ =	shalt  }

// kernel: kernel.7.cloned.1.call-start
scs
__scs_entry_jumppad:
0x0: {  	(pc) =	sbr.rel $0x88, $3  }
0x1: {  	(tag) =	ssettag $0x0;
	lr =	simm.s32 $0x1  }
0x2: {  	[smem:$0x3F9D] =	sst lr;
	_ =	strace $0xD0000000  }
0x3: {  	_ = 	snop  }
0x4: {  	_ = 	snop  }
0x5: {  	_ = 	snop  }
0x6: {  	_ = 	snop  }
0x7: {  	_ = 	snop  }
__scs_overlays_trampoline_lowered:
0x8: {  	[smem:$0x3FAC] =	sst s0  }
0x9: {  	[smem:$0x3FAD] =	sst s1  }
0xa: {  	[smem:$0x3FAE] =	sst s2  }
0xb: {  	[smem:$0x3FAF] =	sst s3  }
0xc: {  	[smem:$0x3FB0] =	sst s4  }
0xd: {  	[smem:$0x3FB1] =	sst s5  }
0xe: {  	[smem:$0x3FB2] =	sst s6  }
0xf: {  	[smem:$0x3FB3] =	sst s7  }
0x10: {  	[smem:$0x3FB4] =	sst s8  }
0x11: {  	[smem:$0x3FB5] =	sst s9;
	s0 =	simm.s32 @!p0 $0x0  }
0x12: {  	s1 =	sld [smem:$0x3F9B];
	s0 =	simm.s32 @p0 $0x1  }
0x13: {  	[smem:$0x3FB6] =	sst s0;
	s0 =	simm.s32 @!p1 $0x0  }
0x14: {  	s2 =	sld [smem:$0x3F9A];
	s0 =	simm.s32 @p1 $0x1  }
0x15: {  	[smem:$0x3FB7] =	sst s0;
	s0 =	simm.s32 @!p2 $0x0  }
0x16: {  	s3 =	sld [smem:$0x3FDB];
	s0 =	simm.s32 @p2 $0x1  }
0x17: {  	s4 =	simm.s32 $0x1BF5;
	[smem:$0x3FB9] =	sst s0  }
0x18: {  	s0 =	sld [smem:$0x3F9C];
	_ =	swait.ge [sflag:s4], $0x0  }
0x19: {  	s7 =	sld [smem:$0x3F9D]  }
0x1a: {  	s8 =	sadd.s32 $0xFFFFE003, lr  }
0x1b: {  	s9 =	sadd.s32 $0xFFFFFEF7, lr;
	s5 =	simm.s32 $0xFFFFFFFF;
	p2 =	slt.u32 s8, $0xFFFFF086  }
0x1c: {  	p1 =	slt.u32 s9, $0xF7A;
	s5 =	simm.s32 @!p2 $0x0  }
0x1d: {  	s5 =	simm.s32 @p1 $0x1;
	p0 =	seq.s32 s7, s2  }
0x1e: {  	s7 =	smul.u32 @!p0 $0xF7A, s2;
	p2 =	seq.s32 @!p0 s5, $0x0  }
0x1f: {  	s9 =	smul.u32 $0xF7A, s1;
	s8 =	simm.s32 @!p0 $0x1BF5;
	p2 =	por !p2, p0  }
0x20: {  	[sflag:s8] =	ssyncset.s32 @!p0 $0xFFFFF086;
	s6 =	sadd.s32 @!p0 s3, s7;
	s7 =	simm.s32 @!p0 $0x108  }
0x21: {  	s3 =	sadd.s32 s3, s9;
	s6 =	sadd.s32 @!p0 $0x88, s6;
	s7 =	simm.s32 @p2 $0x1082  }
0x22: {  	[simem:s7], [sflag:s8] =	dma.local @!p0 [hbm:s6], $0xF7A  }
0x23: {  	s9 =	sor.u32 $0xD0000000, s2;
	s6 =	simm.s32 $0x108;
	_ =	swait.ge @!p0 [sflag:s8], $0x0  }
0x24: {  	s3 =	sadd.s32 $0x88, s3;
	s6 =	simm.s32 @!p1 $0x1082;
	[sflag:s4] =	ssyncset.s32 $0xFFFFF086  }
0x25: {  	[simem:s6], [sflag:s4] =	dma.local [hbm:s3], $0xF7A  }
0x26: {  	[smem:$0x3F9D] =	sst s1;
	(tag) =	ssettag s2;
	_ =	strace s9  }
0x27: {  	s1 =	sld [smem:$0x3FAD]  }
0x28: {  	s2 =	sld [smem:$0x3FAE]  }
0x29: {  	s4 =	sld [smem:$0x3FB0]  }
0x2a: {  	p0 =	seq.s32 s5, $0x0;
	s5 =	sld [smem:$0x3FB1]  }
0x2b: {  	s6 =	sld [smem:$0x3FB2]  }
0x2c: {  	s7 =	sld [smem:$0x3FB3]  }
0x2d: {  	s3 =	simm.s32 $0x108;
	s8 =	sld [smem:$0x3FB4]  }
0x2e: {  	s3 =	simm.s32 @!p0 $0x1082;
	s9 =	sld [smem:$0x3FB5]  }
0x2f: {  	lr =	sadd.s32 s0, s3;
	s0 =	sld [smem:$0x3FAC]  }
0x30: {  	s3 =	sld [smem:$0x3FAF]  }
0x31: {  	[smem:$0x3FB8] =	sst s10  }
0x32: {  	s10 =	sld [smem:$0x3FB6];
	_ =	sdelay $0x3  }
0x33: {  	p0 =	seq.s32 s10, $0x1;
	s10 =	sld [smem:$0x3FB8];
	_ =	sdelay $0x3  }
0x34: {  	[smem:$0x3FB8] =	sst s10  }
0x35: {  	s10 =	sld [smem:$0x3FB7];
	_ =	sdelay $0x3  }
0x36: {  	p1 =	seq.s32 s10, $0x1;
	s10 =	sld [smem:$0x3FB8];
	_ =	sdelay $0x3  }
0x37: {  	[smem:$0x3FB8] =	sst s10  }
0x38: {  	s10 =	sld [smem:$0x3FB9]  }
0x39: {  	_ = 	snop;
	(pc) =	sbr.ind lr, $3  }
0x3a: {  	_ = 	snop  }
0x3b: {  	_ = 	snop  }
0x3c: {  	p2 =	seq.s32 s10, $0x1;
	s10 =	sld [smem:$0x3FB8]  }
0x3d: {  	_ =	shalt  }
0x3e: {  	_ =	shalt  }
0x3f: {  	_ =	shalt  }
0x40: {  	_ =	shalt  }
0x41: {  	_ =	shalt  }
0x42: {  	_ =	shalt  }
0x43: {  	_ =	shalt  }
0x44: {  	_ =	shalt  }
0x45: {  	_ =	shalt  }
0x46: {  	_ =	shalt  }
0x47: {  	_ =	shalt  }
0x48: {  	_ =	shalt  }
0x49: {  	_ =	shalt  }
0x4a: {  	_ =	shalt  }
0x4b: {  	_ =	shalt  }
0x4c: {  	_ =	shalt  }
0x4d: {  	_ =	shalt  }
0x4e: {  	_ =	shalt  }
0x4f: {  	_ =	shalt  }
0x50: {  	_ =	shalt  }
0x51: {  	_ =	shalt  }
0x52: {  	_ =	shalt  }
0x53: {  	_ =	shalt  }
0x54: {  	_ =	shalt  }
0x55: {  	_ =	shalt  }
0x56: {  	_ =	shalt  }
0x57: {  	_ =	shalt  }
0x58: {  	_ =	shalt  }
0x59: {  	_ =	shalt  }
0x5a: {  	_ =	shalt  }
0x5b: {  	_ =	shalt  }
0x5c: {  	_ =	shalt  }
0x5d: {  	_ =	shalt  }
0x5e: {  	_ =	shalt  }
0x5f: {  	_ =	shalt  }
0x60: {  	_ =	shalt  }
0x61: {  	_ =	shalt  }
0x62: {  	_ =	shalt  }
0x63: {  	_ =	shalt  }
0x64: {  	_ =	shalt  }
0x65: {  	_ =	shalt  }
0x66: {  	_ =	shalt  }
0x67: {  	_ =	shalt  }
0x68: {  	_ =	shalt  }
0x69: {  	_ =	shalt  }
0x6a: {  	_ =	shalt  }
0x6b: {  	_ =	shalt  }
0x6c: {  	_ =	shalt  }
0x6d: {  	_ =	shalt  }
0x6e: {  	_ =	shalt  }
0x6f: {  	_ =	shalt  }
0x70: {  	_ =	shalt  }
0x71: {  	_ =	shalt  }
0x72: {  	_ =	shalt  }
0x73: {  	_ =	shalt  }
0x74: {  	_ =	shalt  }
0x75: {  	_ =	shalt  }
0x76: {  	_ =	shalt  }
0x77: {  	_ =	shalt  }
0x78: {  	_ =	shalt  }
0x79: {  	_ =	shalt  }
0x7a: {  	_ =	shalt  }
0x7b: {  	_ =	shalt  }
0x7c: {  	_ =	shalt  }
0x7d: {  	_ =	shalt  }
0x7e: {  	_ =	shalt  }
0x7f: {  	_ =	shalt  }
0x80: {  	_ =	shalt  }
0x81: {  	_ =	shalt  }
0x82: {  	_ =	shalt  }
0x83: {  	_ =	shalt  }
0x84: {  	_ =	shalt  }
0x85: {  	_ =	shalt  }
0x86: {  	_ =	shalt  }
0x87: {  	_ =	shalt  }
.Lfunc_end0:
.L_simem_size_0:
called_computation_lowered:
.L_overlay_start_0:
0x88: {  	s2 =	sld [smem:$0x3FD9]  }
0x89: {  	s3 =	sld [smem:$0x3FFE];
	_ =	sdelay $0x1  }
0x8a: {  	s1 =	srdreg.scid  }
0x8b: {  	s0 =	sand.u32 $0x1, s1  }
0x8c: {  	s17 =	sshll.u32 s0, $0xA;
	s2 =	sadd.s32 s3, s2  }
0x8d: {  	s2 =	sadd.s32 s2, s17  }
0x8e: {  	[smem:$0x3FC4] =	sst s2  }
0x8f: {  	_ = 	snop  }
0x90: {  	s2 =	sld [smem:$0x3FD0];
	(tm) =	ssettm $0x1  }
0x91: {  	s18 =	sld [smem:$0x3FFB];
	_ =	sdelay $0x3  }
0x92: {  	_ =	strace s18  }
0x93: {  	s3 =	sld [smem:$0x3FFC];
	_ =	sdelay $0x3  }
0x94: {  	_ =	strace s3  }
0x95: {  	s3 =	sld [smem:$0x3FFD];
	_ =	sdelay $0x3  }
0x96: {  	_ =	strace s3  }
0x97: {  	_ =	strace $0x8FFFFFFF  }
0x98: {  	s19 =	sld [smem:$0x3FDB];
	_ =	sdelay $0x1  }
0x99: {  	s4 =	simm.s32 $_scs_section_size  }
0x9a: {  	s5 =	simm.s32 $_size__tile_overlayer_lowered;
	s6 =	simm.s32 $_tile_overlayer_lowered  }
0x9b: {  	s22 =	simm.s32 $0x1BFF;
	s21 =	sshll.u32 s6, $0x1;
	s3 =	sadd.s32 s4, s19  }
0x9c: {  	s7 =	simm.s32 $0x0;
	s20 =	sshll.u32 s5, $0x1;
	s5 =	sadd.s32 s21, s3  }
0x9d: {  	[timem:s7], [sflag:s22] =	dma.local [hbm:s5], s20  }
0x9e: {  	_ =	swait.ge [sflag:s22], s20  }
0x9f: {  	s4 =	ssub.s32 $0x0, s20;
	[sflag:s22] =	ssyncset.done $0x0  }
0xa0: {  	[sflag:s22] =	ssyncadd.s32 s4;
	_ =	sdelay $0x1  }
0xa1: {  	s23 =	simm.s32 $0x1B8B  }
0xa2: {  	_ =	swait.ge [sflag:s23], $0x1  }
0xa3: {  	[sflag:s23] =	ssyncset.done $0x0  }
0xa4: {  	s25 =	simm.s32 $0x1B8E;
	s24 =	sld [smem:$0x3FFE];
	[sflag:s23] =	ssyncadd.s32 $0xFFFFFFFF  }
0xa5: {  	s26 =	simm.s32 $execute0_lowered;
	[smem:$0x3FD2] =	sst s25  }
0xa6: {  	s5 =	sshll.u32 s26, $0x1;
	_ =	strace $0x80000046;
	[dreg:$0x1] =	wrdreg $0xFFFFFFFF  }
0xa7: {  	s28 =	simm.s32 $_size_execute0_lowered;
	s3 =	sadd.s32 s3, s5;
	[dreg:$0x0] =	wrdreg $0x0  }
0xa8: {  	s5 =	sshll.u32 s28, $0x1;
	[dreg:$0x2] =	wrdreg s3  }
0xa9: {  	[dreg:$0x3] =	wrdreg s5  }
0xaa: {  	[dreg:$0x4] =	wrdreg $0xC0  }
0xab: {  	_ =	task [dreg:s7], $0x5FFFF  }
0xac: {  	[dreg:$0x1] =	wrdreg $0xFFFFFFFF  }
0xad: {  	[dreg:$0x0] =	wrdreg $0x60  }
0xae: {  	[dreg:$0x2] =	wrdreg s2  }
0xaf: {  	[dreg:$0x3] =	wrdreg s24  }
0xb0: {  	[dreg:$0x4] =	wrdreg $0x9  }
0xb1: {  	_ =	task.clear_ibuf [dreg:s7], $0x5FFFF;
	_ =	strace $0x90000046  }
0xb2: {  	s29 =	simm.s32 $0x9;
	_ =	strace $0x80000048  }
0xb3: {  	_ =	swait.ge [sflag:s29], $0x1  }
0xb4: {  	[sflag:s29] =	ssyncadd.s32 $0xFFFFFFFF  }
0xb5: {  	_ =	strace $0x90000048  }
0xb6: {  	_ =	sfence  }
0xb7: {  	s30 =	sld [smem:$0x0];
	_ =	sdelay $0x2  }
0xb8: {  	s31 =	sshll.u32 s1, $0xD;
	s1 =	sshrl.u32 s1, $0x2  }
0xb9: {  	s3 =	sand.u32 $0x4000, s31;
	s1 =	sadd.s32 s1, s30  }
0xba: {  	s0 =	sor.u32 s3, s0;
	s1 =	sshll.u32 s1, $0x11  }
0xbb: {  	s0 =	sor.u32 s1, s0  }
0xbc: {  	s0 =	sadd.s32 $0x8F2B, s0  }
0xbd: {  	[sflag:s0] =	ssyncadd.remote.s32 $0x1  }
0xbe: {  	_ =	sfence.sel $0xFFFF  }
0xbf: {  	[dreg:$0x0] =	wrdreg $0xFFFFFFFF;
	(pc) =	sbr.abs _section_cstart, $3  }
0xc0: {  	[dreg:$0x1] =	wrdreg $0xFFFFFFFF  }
0xc1: {  	_ =	task.clear_ibuf [dreg:s7], $0x2FFFF;
	_ =	strace $0x9FFFFFFF  }
0xc2: {  	(tm) =	ssettm $0x7FFFFFFF  }
0xc3: {  	_ =	shalt  }
tec
execute0_lowered:
.L_overlay_start_1:
0x0: {  	(tag) =	ssettag $0x1  }
0x1: {  	s1 =	srdreg.scid  }
0x2: {  	s2 =	stileid.u32;
	s1 =	sand.u32 $0x1, s1  }
0x3: {  	s2 =	sshll.u32 s2, $0x1;
	s3 =	ssub.s32 $0x0, s1  }
0x4: {  	p0 =	sne.s32 s2, s3  }
.Ltmp0:
0x5: {  	_ = 	snop;
	(pc) =	sbr.rel @p0 .LBB2_9-.Ltmp0, $4  }
0x6: {  	_ = 	snop  }
0x7: {  	s4 =	simm.s32 $0x0  }
0x8: {  	[smem:$0x7FF] =	sst s4  }
0x9: {  	s0 =	rddreg [dreg:$0x1];
	_ =	strace $0x80000047  }
0xa: {  	v0 =	vimm.s32 $0x0  }
0xb: {  	vm0 =	vcmask $0xB08;
	vm1 =	vcmask $0x300;
	v1 =	vimm.f32 $0.0e+00  }
0xc: {  	v2 =	vlaneseq.u32;
	v4 =	vimm.s32 $0xEDCBA987;
	v5 =	vimm.s32 $0x65432100  }
0xd: {  	v6 =	vimm.s32 $0xDCBA9876;
	v7 =	vimm.s32 $0x54321000;
	v8 =	vimm.s32 $0xBA987654  }
0xe: {  	v9 =	vimm.s32 $0xE40000;
	v10 =	vimm.s32 $0x32100000;
	vm2 =	vmmov $0xf  }
0xf: {  	vm3 =	vcmask $0x3F30;
	vm4 =	vmmov $0x1;
	vm15 =	vcmask $0x308  }
0x10: {  	vm7 =	vcmask $0x70C;
	vm8 =	vcmask $0xB10;
	vm9 =	vcmask $0xF14  }
0x11: {  	vm10 =	vcmask $0x1318;
	vm0 =	vmor vm1, vm0;
	vm1 =	vcmask $0x1310  }
0x12: {  	v3 =	vshrl.u32 v2, $0x1;
	v4 =	vunpack.c.l.s4.s8 v4;
	v5 =	vunpack.c.l.s4.s8 v5  }
0x13: {  	v6 =	vunpack.c.l.s4.s8 v6;
	v7 =	vunpack.c.l.s4.s8 v7;
	v8 =	vunpack.c.l.s4.s8 v8  }
0x14: {  	v9 =	vunpack.c.l.s2.s4 v9;
	vm0 =	vmor vm0, vm1;
	vm1 =	vcmask $0x1B18  }
0x15: {  	s2 =	sadd.s32 $0x1A00, s0;
	s1 =	ssub.s32 $0x2, s1;
	vm0 =	vmor vm0, vm1;
	vm1 =	vcmask $0x2320;
	v4 =	vunpack.c.0.s8.s32 v4  }
0x16: {  	s5 =	sadd.s32 $0x2200, s0;
	s6 =	sadd.s32 $0x2800, s0;
	s3 =	sadd.s32 $0x3000, s0;
	v5 =	vunpack.c.0.s8.s32 v5;
	v6 =	vunpack.c.0.s8.s32 v6;
	v8 =	vunpack.c.0.s8.s32 v8  }
0x17: {  	s28 =	sadd.s32 $0x2E00, s0;
	s24 =	simm.s32 $0x100;
	[dreg:$0x3] =	wrdreg s2;
	v9 =	vunpack.c.l.s4.s8 v9;
	vm0 =	vmor vm0, vm1;
	vm1 =	vcmask $0x2B28  }
0x18: {  	s25 =	simm.s32 $0x400;
	s29 =	simm.s32 $0x3000;
	[dreg:$0x4] =	wrdreg s3;
	vm0 =	vmor vm0, vm1;
	vm1 =	vcmask $0x3330;
	v4 =	vand.u32 $0xF, v4  }
0x19: {  	s30 =	simm.s32 $0x3400;
	s26 =	sshrl.u32 s1, $0x1;
	[dreg:$0x5] =	wrdreg s28;
	v6 =	vand.u32 $0xF, v6;
	v4 =	vcombine.low v5, v4;
	v5 =	vunpack.c.0.s8.s32 v7  }
0x1a: {  	s10 =	sadd.s32 $0x80, s5;
	s11 =	sadd.s32 $0x80, s6;
	s12 =	sadd.s32 $0x100, s5;
	v9 =	vunpack.c.0.s8.s32 v9;
	vm0 =	vmor vm0, vm1;
	v7 =	vunpack.c.l.s4.s8 v10  }
0x1b: {  	s13 =	sadd.s32 $0x100, s6;
	s14 =	sadd.s32 $0x180, s5;
	s15 =	sadd.s32 $0x180, s6;
	vm1 =	vcmask $0x3B38;
	v10 =	vor.u32 $0x8, v3;
	v5 =	vcombine.low v5, v6  }
0x1c: {  	s16 =	sadd.s32 $0x200, s5;
	s17 =	sadd.s32 $0x200, s6;
	s18 =	sadd.s32 $0x280, s5;
	v6 =	vunpack.c.0.s8.s32 v7;
	v7 =	vand.u32 $0xF, v8;
	v8 =	vimm.s32 $0x7060504  }
0x1d: {  	s19 =	sadd.s32 $0x280, s6;
	s20 =	sadd.s32 $0x300, s5;
	s21 =	sadd.s32 $0x300, s6;
	vm0 =	vmor vm0, vm1;
	vm1 =	vmmov $0x3;
	v8 =	vunpack.c.0.s8.s32 v8  }
0x1e: {  	s22 =	sadd.s32 $0x380, s5;
	s23 =	sadd.s32 $0x380, s6;
	s31 =	ssub.s32 s1, s26;
	v9 =	vand.u32 $0x3, v9;
	v6 =	vcombine.low v6, v7;
	v7 =	vimm.s32 $0xF  }
0x1f: {  	s2 =	simm.s32 $0x0;
	s26 =	simm.s32 $0x2;
	s9 =	smax.u32 s31, $0x1;
	v8 =	vsel vm3, v8, v9;
	vm3 =	vmmov $0xff;
	v9 =	vor.u32 $0x2000, v2  }
.LBB2_2:
0x20: {  	s0 =	simm.s32 $0x0;
	s1 =	rddreg [dreg:$0x0]  }
0x21: {  	[tilespmem:s0], [sflag:$0x2] =	stream.strided.gather [hbm4b:s1+s24], $0x1000, s25, s24, $0x38;
	[tilespmem:$0x3A00] =	vst v63  }
0x22: {  	_ =	swait.ge [sflag:s26], $0x1000  }
0x23: {  	[sflag:s26] =	ssyncset.done $0x0  }
0x24: {  	s31 =	simm.s32 $0x1000;
	s28 =	rddreg [dreg:$0x3];
	[sflag:s26] =	ssyncadd.s32 $0xFFFFF000  }
0x25: {  	[tilespmem:s31], [sflag:$0x2] =	stream.strided.gather [hbm4b:s28+s24], $0x1000, s25, s24, $0x38;
	[tilespmem:$0x3A00] =	vst v63  }
0x26: {  	_ =	swait.ge [sflag:s26], $0x1000  }
0x27: {  	[sflag:s26] =	ssyncset.done $0x0  }
0x28: {  	s0 =	simm.s32 $0x40;
	s1 =	simm.s32 $0x0;
	[sflag:s26] =	ssyncadd.s32 $0xFFFFF000  }
.LBB2_3:
0x29: {  	p0 =	sne.s32 s0, $0xFC0;
	[tilespmem:s1+$0x3000] =	vst v0;
	s3 =	smov.u32 s0;
	s0 =	sadd.s32 $0x40, s0  }
.Ltmp1:
0x2a: {  	[tilespmem:s1+$0x3400] =	vst v1;
	(pc) =	sbr.rel @p0 .LBB2_3-.Ltmp1, $2  }
0x2b: {  	_ =	sdelay $0x2  }
0x2c: {  	s1 =	sshra.s32 s3, $0x2  }
0x2d: {  	[tilespmem:s1+$0x3000] =	vst v0  }
0x2e: {  	[tilespmem:s1+$0x3400] =	vst v1;
	s1 =	simm.s32 $0x0  }
0x2f: {  	[hbm4b:s5+s1] =	stream.linear.scatter [tilespmem:s29], [sflag:$0x2], $0x400, $0x38;
	[tilespmem:$0x3A00] =	vst v63  }
0x30: {  	_ =	swait.ge [sflag:s26], $0x400  }
0x31: {  	[sflag:s26] =	ssyncset.done $0x0  }
0x32: {  	[sflag:s26] =	ssyncadd.s32 $0xFFFFFC00  }
0x33: {  	[hbm4b:s6+s1] =	stream.linear.scatter [tilespmem:s30], [sflag:$0x2], $0x400, $0x38;
	[tilespmem:$0x3A00] =	vst v63  }
0x34: {  	_ =	swait.ge [sflag:s26], $0x400  }
0x35: {  	[sflag:s26] =	ssyncset.done $0x0  }
0x36: {  	[sflag:s26] =	ssyncadd.s32 $0xFFFFFC00  }
0x37: {  	[hbm4b:s10+s1] =	stream.linear.scatter [tilespmem:s29], [sflag:$0x2], $0x400, $0x38;
	[tilespmem:$0x3A00] =	vst v63  }
0x38: {  	_ =	swait.ge [sflag:s26], $0x400  }
0x39: {  	[sflag:s26] =	ssyncset.done $0x0  }
0x3a: {  	[sflag:s26] =	ssyncadd.s32 $0xFFFFFC00  }
0x3b: {  	[hbm4b:s11+s1] =	stream.linear.scatter [tilespmem:s30], [sflag:$0x2], $0x400, $0x38;
	[tilespmem:$0x3A00] =	vst v63  }
0x3c: {  	_ =	swait.ge [sflag:s26], $0x400  }
0x3d: {  	[sflag:s26] =	ssyncset.done $0x0  }
0x3e: {  	[sflag:s26] =	ssyncadd.s32 $0xFFFFFC00  }
0x3f: {  	[hbm4b:s12+s1] =	stream.linear.scatter [tilespmem:s29], [sflag:$0x2], $0x400, $0x38;
	[tilespmem:$0x3A00] =	vst v63  }
0x40: {  	_ =	swait.ge [sflag:s26], $0x400  }
0x41: {  	[sflag:s26] =	ssyncset.done $0x0  }
0x42: {  	[sflag:s26] =	ssyncadd.s32 $0xFFFFFC00  }
0x43: {  	[hbm4b:s13+s1] =	stream.linear.scatter [tilespmem:s30], [sflag:$0x2], $0x400, $0x38;
	[tilespmem:$0x3A00] =	vst v63  }
0x44: {  	_ =	swait.ge [sflag:s26], $0x400  }
0x45: {  	[sflag:s26] =	ssyncset.done $0x0  }
0x46: {  	[sflag:s26] =	ssyncadd.s32 $0xFFFFFC00  }
0x47: {  	[hbm4b:s14+s1] =	stream.linear.scatter [tilespmem:s29], [sflag:$0x2], $0x400, $0x38;
	[tilespmem:$0x3A00] =	vst v63  }
0x48: {  	_ =	swait.ge [sflag:s26], $0x400  }
0x49: {  	[sflag:s26] =	ssyncset.done $0x0  }
0x4a: {  	[sflag:s26] =	ssyncadd.s32 $0xFFFFFC00  }
0x4b: {  	[hbm4b:s15+s1] =	stream.linear.scatter [tilespmem:s30], [sflag:$0x2], $0x400, $0x38;
	[tilespmem:$0x3A00] =	vst v63  }
0x4c: {  	_ =	swait.ge [sflag:s26], $0x400  }
0x4d: {  	[sflag:s26] =	ssyncset.done $0x0  }
0x4e: {  	[sflag:s26] =	ssyncadd.s32 $0xFFFFFC00  }
0x4f: {  	[hbm4b:s16+s1] =	stream.linear.scatter [tilespmem:s29], [sflag:$0x2], $0x400, $0x38;
	[tilespmem:$0x3A00] =	vst v63  }
0x50: {  	_ =	swait.ge [sflag:s26], $0x400  }
0x51: {  	[sflag:s26] =	ssyncset.done $0x0  }
0x52: {  	[sflag:s26] =	ssyncadd.s32 $0xFFFFFC00  }
0x53: {  	[hbm4b:s17+s1] =	stream.linear.scatter [tilespmem:s30], [sflag:$0x2], $0x400, $0x38;
	[tilespmem:$0x3A00] =	vst v63  }
0x54: {  	_ =	swait.ge [sflag:s26], $0x400  }
0x55: {  	[sflag:s26] =	ssyncset.done $0x0  }
0x56: {  	[sflag:s26] =	ssyncadd.s32 $0xFFFFFC00  }
0x57: {  	[hbm4b:s18+s1] =	stream.linear.scatter [tilespmem:s29], [sflag:$0x2], $0x400, $0x38;
	[tilespmem:$0x3A00] =	vst v63  }
0x58: {  	_ =	swait.ge [sflag:s26], $0x400  }
0x59: {  	[sflag:s26] =	ssyncset.done $0x0  }
0x5a: {  	[sflag:s26] =	ssyncadd.s32 $0xFFFFFC00  }
0x5b: {  	[hbm4b:s19+s1] =	stream.linear.scatter [tilespmem:s30], [sflag:$0x2], $0x400, $0x38;
	[tilespmem:$0x3A00] =	vst v63  }
0x5c: {  	_ =	swait.ge [sflag:s26], $0x400  }
0x5d: {  	[sflag:s26] =	ssyncset.done $0x0  }
0x5e: {  	[sflag:s26] =	ssyncadd.s32 $0xFFFFFC00  }
0x5f: {  	[hbm4b:s20+s1] =	stream.linear.scatter [tilespmem:s29], [sflag:$0x2], $0x400, $0x38;
	[tilespmem:$0x3A00] =	vst v63  }
0x60: {  	_ =	swait.ge [sflag:s26], $0x400  }
0x61: {  	[sflag:s26] =	ssyncset.done $0x0  }
0x62: {  	[sflag:s26] =	ssyncadd.s32 $0xFFFFFC00  }
0x63: {  	[hbm4b:s21+s1] =	stream.linear.scatter [tilespmem:s30], [sflag:$0x2], $0x400, $0x38;
	[tilespmem:$0x3A00] =	vst v63  }
0x64: {  	_ =	swait.ge [sflag:s26], $0x400  }
0x65: {  	[sflag:s26] =	ssyncset.done $0x0  }
0x66: {  	[sflag:s26] =	ssyncadd.s32 $0xFFFFFC00  }
0x67: {  	[hbm4b:s22+s1] =	stream.linear.scatter [tilespmem:s29], [sflag:$0x2], $0x400, $0x38;
	[tilespmem:$0x3A00] =	vst v63  }
0x68: {  	_ =	swait.ge [sflag:s26], $0x400  }
0x69: {  	[sflag:s26] =	ssyncset.done $0x0  }
0x6a: {  	[sflag:s26] =	ssyncadd.s32 $0xFFFFFC00  }
0x6b: {  	[hbm4b:s23+s1] =	stream.linear.scatter [tilespmem:s30], [sflag:$0x2], $0x400, $0x38;
	[tilespmem:$0x3A00] =	vst v63  }
0x6c: {  	_ =	swait.ge [sflag:s26], $0x400  }
0x6d: {  	s3 =	simm.s32 $0x2010;
	[sflag:s26] =	ssyncset.done $0x0  }
0x6e: {  	v11 =	vimm.s32 $0x0;
	s28 =	simm.s32 $0x0;
	s31 =	simm.s32 $0x0;
	[sflag:s26] =	ssyncadd.s32 $0xFFFFFC00  }
.LBB2_5:
0x6f: {  	s0 =	sand.u32 $0x70, s1;
	s4 =	sand.u32 $0xF00, s28  }
0x70: {  	s0 =	sor.u32 s0, s4  }
0x71: {  	v13 =	vld [tilespmem:s0+$0x0]  }
0x72: {  	v16 =	vld [tilespmem:s0+$0x80];
	_ =	sdelay $0x4  }
0x73: {  	v12 =	vperm.xlane v16, v3;
	v14 =	vperm.xlane v13, v3;
	_ =	sdelay $0x1  }
0x74: {  	vm12 =	veq.s32 v2, $0x0;
	v12 =	vsel vm0, v14, v12  }
0x75: {  	vm11 =	vmmov vm10;
	vm13 =	veq.s32 v12, $0x0;
	vm14 =	veq.s32 v12, $0x1  }
0x76: {  	vm10 =	vmmov vm9;
	v42 =	vsel vm13, $0x1, v0;
	v43 =	vsel vm14, $0x1, v0  }
0x77: {  	vm9 =	vmmov vm8;
	v15 =	vperm.xlane v42, v4;
	v18 =	vperm.xlane v43, v4  }
0x78: {  	vm8 =	vmmov vm7;
	vm7 =	vmmov vm15;
	v16 =	vperm.xlane v16, v10  }
0x79: {  	vm6 =	veq.s32 v12, $0x2;
	v15 =	vsel vm12, $0x0, v15;
	v18 =	vsel vm12, $0x0, v18  }
0x7a: {  	vm5 =	veq.s32 v12, $0x3;
	v14 =	vadd.s32 v42, v15;
	v15 =	vadd.s32 v43, v18  }
0x7b: {  	v19 =	vsel vm6, $0x1, v0;
	v17 =	vperm.xlane v14, v5;
	v18 =	vperm.xlane v15, v5  }
0x7c: {  	v13 =	vperm.xlane v13, v10;
	v47 =	vsel vm5, $0x1, v0;
	v20 =	vperm.xlane v19, v4  }
0x7d: {  	v22 =	vperm.xlane v47, v4;
	v17 =	vsel vm1, $0x0, v17;
	v18 =	vsel vm1, $0x0, v18  }
0x7e: {  	v20 =	vsel vm12, $0x0, v20;
	v14 =	vadd.s32 v17, v14;
	v15 =	vadd.s32 v18, v15  }
0x7f: {  	v50 =	vsel vm12, $0x0, v22;
	v17 =	vperm.xlane v14, v6;
	v18 =	vperm.xlane v15, v6  }
0x80: {  	vm15 =	veq.s32 v12, $0x6;
	v19 =	vadd.s32 v19, v20;
	v52 =	vadd.s32 v47, v50  }
0x81: {  	v20 =	vperm.xlane v19, v5;
	v17 =	vsel vm2, $0x0, v17;
	v18 =	vsel vm2, $0x0, v18  }
0x82: {  	v24 =	vperm.xlane v52, v5;
	v14 =	vadd.s32 v17, v14;
	v44 =	vadd.s32 v18, v15  }
0x83: {  	v63 =	vsel vm15, $0x1, v0;
	v17 =	vperm.xlane v14, v8;
	v15 =	vperm.xlane v44, v8  }
0x84: {  	v13 =	vsel vm0, v13, v16;
	v28 =	vperm.xlane v63, v4;
	v45 =	vsel vm1, $0x0, v20  }
0x85: {  	v56 =	vsel vm1, $0x0, v24;
	v17 =	vsel vm3, $0x0, v17;
	v15 =	vsel vm3, $0x0, v15  }
0x86: {  	v21 =	vadd.s32 v17, v14;
	v17 =	vadd.s32 v45, v19;
	v14 =	vadd.s32 v15, v44  }
0x87: {  	v46 =	vadd.s32 $0xFFFFFFFF, v21;
	v48 =	vperm.xlane v17, v6;
	v54 =	vadd.s32 $0xFFFFFFFF, v14  }
0x88: {  	v21 =	vperm.xlane v21, v7;
	v18 =	vnsel vm13, $0x0, v46;
	vm13 =	veq.s32 v12, $0x4  }
0x89: {  	v14 =	vperm.xlane v14, v7;
	v49 =	vsel vm2, $0x0, v48;
	v51 =	vsel vm13, $0x1, v0  }
0x8a: {  	v18 =	vsel vm14, v54, v18;
	vm14 =	veq.s32 v12, $0x5;
	v21 =	vnsel vm4, $0x0, v21  }
0x8b: {  	v15 =	vadd.s32 v49, v17;
	v53 =	vperm.xlane v51, v4;
	v17 =	vadd.s32 v56, v52  }
0x8c: {  	v58 =	vsel vm14, $0x1, v0;
	v21 =	vadd.s32 v11, v21;
	v23 =	vperm.xlane v15, v8  }
0x8d: {  	v11 =	vperm.xlane v11, v12;
	v57 =	vperm.xlane v17, v6;
	v19 =	vsel vm12, $0x0, v53  }
0x8e: {  	v25 =	vperm.xlane v58, v4;
	v55 =	vsel vm3, $0x0, v23;
	v19 =	vadd.s32 v51, v19  }
0x8f: {  	v20 =	vsel vm2, $0x0, v57;
	v22 =	vperm.xlane v19, v5;
	v15 =	vadd.s32 v55, v15  }
0x90: {  	v61 =	vsel vm12, $0x0, v25;
	v17 =	vadd.s32 v20, v17;
	v59 =	vadd.s32 $0xFFFFFFFF, v15  }
0x91: {  	v62 =	vperm.xlane v17, v8;
	v15 =	vperm.xlane v15, v7;
	v22 =	vsel vm1, $0x0, v22  }
0x92: {  	v18 =	vsel vm6, v59, v18;
	vm6 =	veq.s32 v13, $0x1;
	v19 =	vadd.s32 v22, v19  }
0x93: {  	v22 =	vadd.s32 v58, v61;
	v24 =	vsel vm3, $0x0, v62;
	v41 =	vsel vm6, $0x1, v0  }
0x94: {  	v60 =	vperm.xlane v19, v6;
	v23 =	vperm.xlane v22, v5;
	v17 =	vadd.s32 v24, v17  }
0x95: {  	v27 =	vperm.xlane v41, v4;
	v26 =	vadd.s32 $0xFFFFFFFF, v17;
	v17 =	vperm.xlane v17, v7  }
0x96: {  	v20 =	vsel vm2, $0x0, v60;
	v23 =	vsel vm1, $0x0, v23;
	v18 =	vsel vm5, v26, v18  }
0x97: {  	vm5 =	veq.s32 v13, $0x0;
	v27 =	vsel vm12, $0x0, v27;
	v19 =	vadd.s32 v20, v19  }
0x98: {  	v22 =	vadd.s32 v23, v22;
	v20 =	vsel vm12, $0x0, v28;
	v37 =	vsel vm5, $0x1, v0  }
0x99: {  	v43 =	vadd.s32 v41, v27;
	v29 =	vperm.xlane v19, v8;
	v31 =	vperm.xlane v22, v6  }
0x9a: {  	v20 =	vadd.s32 v63, v20;
	v39 =	vperm.xlane v37, v4;
	v27 =	vperm.xlane v43, v5  }
0x9b: {  	v32 =	vperm.xlane v20, v5;
	v30 =	vsel vm3, $0x0, v29;
	v24 =	vsel vm2, $0x0, v31  }
0x9c: {  	v26 =	vsel vm12, $0x0, v39;
	v27 =	vsel vm1, $0x0, v27;
	v19 =	vadd.s32 v30, v19  }
0x9d: {  	v22 =	vadd.s32 v24, v22;
	v23 =	vsel vm1, $0x0, v32;
	v33 =	vadd.s32 $0xFFFFFFFF, v19  }
0x9e: {  	v24 =	vperm.xlane v22, v8;
	v23 =	vadd.s32 v23, v20;
	v34 =	vsel vm13, v33, v18  }
0x9f: {  	v35 =	vperm.xlane v23, v6;
	vm13 =	veq.s32 v12, $0x7;
	v12 =	vshll.u32 v12, $0xA  }
0xa0: {  	v36 =	vsel vm3, $0x0, v24;
	v38 =	vsel vm13, $0x1, v0;
	v24 =	vadd.s32 v37, v26  }
0xa1: {  	v18 =	vsel vm2, $0x0, v35;
	v20 =	vadd.s32 v36, v22;
	v40 =	vperm.xlane v38, v4  }
0xa2: {  	v42 =	vperm.xlane v24, v5;
	v18 =	vadd.s32 v18, v23;
	v28 =	vadd.s32 $0xFFFFFFFF, v20  }
0xa3: {  	v20 =	vperm.xlane v20, v7;
	v23 =	vperm.xlane v18, v8;
	v22 =	vsel vm12, $0x0, v40  }
0xa4: {  	v25 =	vsel vm1, $0x0, v42;
	v16 =	vsel vm14, v28, v34;
	vm14 =	veq.s32 v13, $0x2  }
0xa5: {  	v22 =	vadd.s32 v38, v22;
	v24 =	vadd.s32 v25, v24;
	v25 =	vadd.s32 v27, v43  }
0xa6: {  	v53 =	vsel vm14, $0x1, v0;
	v29 =	vperm.xlane v22, v5;
	v44 =	vperm.xlane v24, v6  }
0xa7: {  	v23 =	vsel vm3, $0x0, v23;
	v48 =	vperm.xlane v25, v6;
	v54 =	vperm.xlane v53, v4  }
0xa8: {  	v23 =	vadd.s32 v23, v18;
	v29 =	vsel vm1, $0x0, v29;
	v26 =	vsel vm2, $0x0, v44  }
0xa9: {  	v46 =	vadd.s32 $0xFFFFFFFF, v23;
	v22 =	vadd.s32 v29, v22;
	v24 =	vadd.s32 v26, v24  }
0xaa: {  	v49 =	vsel vm15, v46, v16;
	vm15 =	veq.s32 v13, $0x3;
	v45 =	vperm.xlane v22, v6  }
0xab: {  	v52 =	vsel vm2, $0x0, v48;
	v47 =	vperm.xlane v24, v8;
	v61 =	vsel vm15, $0x1, v0  }
0xac: {  	v58 =	vsel vm12, $0x0, v54;
	v30 =	vperm.xlane v61, v4;
	v18 =	vsel vm2, $0x0, v45  }
0xad: {  	v26 =	vadd.s32 v53, v58;
	v51 =	vsel vm3, $0x0, v47;
	v18 =	vadd.s32 v18, v22  }
0xae: {  	v16 =	vadd.s32 v51, v24;
	v22 =	vadd.s32 v52, v25;
	v35 =	vsel vm12, $0x0, v30  }
0xaf: {  	v50 =	vperm.xlane v18, v8;
	v56 =	vadd.s32 $0xFFFFFFFF, v16;
	v57 =	vperm.xlane v22, v8  }
0xb0: {  	v60 =	vperm.xlane v26, v5;
	v24 =	vadd.s32 v61, v35;
	v28 =	vnsel vm5, $0x0, v56  }
0xb1: {  	vm5 =	veq.s32 v13, $0x4;
	v55 =	vsel vm3, $0x0, v50;
	v59 =	vsel vm3, $0x0, v57  }
0xb2: {  	v63 =	vsel vm5, $0x1, v0;
	v25 =	vadd.s32 v55, v18;
	v18 =	vadd.s32 v59, v22  }
0xb3: {  	v22 =	vsel vm1, $0x0, v60;
	v36 =	vperm.xlane v63, v4;
	v60 =	vperm.xlane v19, v7  }
0xb4: {  	v62 =	vadd.s32 $0xFFFFFFFF, v18;
	v22 =	vadd.s32 v22, v26;
	v26 =	vperm.xlane v24, v5  }
0xb5: {  	v44 =	vadd.s32 $0xFFFFFFFF, v25;
	v28 =	vsel vm6, v62, v28;
	v31 =	vperm.xlane v22, v6  }
0xb6: {  	vm6 =	veq.s32 v13, $0x5;
	v30 =	vsel vm12, $0x0, v36;
	v27 =	vsel vm13, v44, v49  }
0xb7: {  	vm13 =	veq.s32 v13, $0x7;
	v32 =	vsel vm6, $0x1, v0;
	v29 =	vadd.s32 v63, v30  }
0xb8: {  	v26 =	vsel vm1, $0x0, v26;
	v57 =	vsel vm13, $0x1, v0;
	v11 =	vadd.s32 v11, v27  }
0xb9: {  	v31 =	vsel vm2, $0x0, v31;
	v37 =	vperm.xlane v32, v4;
	v38 =	vperm.xlane v29, v5  }
0xba: {  	v24 =	vadd.s32 v26, v24;
	v58 =	vperm.xlane v57, v4;
	v22 =	vadd.s32 v31, v22  }
0xbb: {  	v63 =	vld [tilespmem:s0+$0x1080];
	v40 =	vperm.xlane v24, v6;
	v33 =	vperm.xlane v22, v8;
	v39 =	vsel vm12, $0x0, v37  }
0xbc: {  	v31 =	vsel vm1, $0x0, v38;
	v37 =	vperm.xlane v25, v7;
	v26 =	vadd.s32 v32, v39  }
0xbd: {  	v36 =	vld [tilespmem:s0+$0x1000];
	v29 =	vadd.s32 v31, v29;
	v30 =	vsel vm2, $0x0, v40;
	v31 =	vsel vm12, $0x0, v58  }
0xbe: {  	v41 =	vsel vm3, $0x0, v33;
	v42 =	vperm.xlane v26, v5;
	v43 =	vperm.xlane v29, v6  }
0xbf: {  	v24 =	vadd.s32 v30, v24;
	v61 =	vadd.s32 v57, v31;
	v33 =	vperm.xlane v23, v7  }
0xc0: {  	v40 =	vperm.xlane v63, v3;
	v22 =	vadd.s32 v41, v22;
	v47 =	vperm.xlane v24, v8  }
0xc1: {  	v31 =	vperm.xlane v61, v5;
	v45 =	vsel vm1, $0x0, v42;
	v46 =	vadd.s32 $0xFFFFFFFF, v22  }
0xc2: {  	v32 =	vsel vm2, $0x0, v43;
	v42 =	vperm.xlane v36, v3;
	v26 =	vadd.s32 v45, v26  }
0xc3: {  	v29 =	vadd.s32 v32, v29;
	v28 =	vsel vm14, v46, v28;
	v30 =	vsel vm3, $0x0, v47  }
0xc4: {  	vm14 =	veq.s32 v13, $0x6;
	v31 =	vsel vm1, $0x0, v31;
	v48 =	vperm.xlane v26, v6  }
0xc5: {  	v49 =	vperm.xlane v29, v8;
	v24 =	vadd.s32 v30, v24;
	v54 =	vsel vm14, $0x1, v0  }
0xc6: {  	v19 =	vadd.s32 v31, v61;
	v51 =	vadd.s32 $0xFFFFFFFF, v24;
	v56 =	vperm.xlane v54, v4  }
0xc7: {  	v35 =	vperm.xlane v19, v6;
	v32 =	vsel vm2, $0x0, v48;
	v50 =	vsel vm3, $0x0, v49  }
0xc8: {  	v28 =	vsel vm15, v51, v28;
	vm15 =	vmmov vm7;
	vm7 =	vmmov vm8  }
0xc9: {  	vm8 =	vmmov vm9;
	vm9 =	vmmov vm10;
	v26 =	vadd.s32 v32, v26  }
0xca: {  	vm10 =	vmmov vm11;
	vm11 =	vcmask $0x171C;
	v52 =	vperm.xlane v26, v8  }
0xcb: {  	v48 =	vor.u32 s1, v3;
	v29 =	vadd.s32 v50, v29;
	v32 =	vsel vm12, $0x0, v56  }
0xcc: {  	v14 =	vsel vm15, $0x0, v14;
	v59 =	vadd.s32 v54, v32;
	v30 =	vsel vm3, $0x0, v52  }
0xcd: {  	vm12 =	vcmask $0x1B20;
	v26 =	vadd.s32 v30, v26;
	v30 =	vperm.xlane v59, v5  }
0xce: {  	v15 =	vsel vm7, $0x0, v15;
	v17 =	vsel vm8, $0x0, v17;
	v20 =	vsel vm10, $0x0, v20  }
0xcf: {  	v53 =	vadd.s32 $0xFFFFFFFF, v29;
	v14 =	vadd.s32 v14, v21;
	v30 =	vsel vm1, $0x0, v30  }
0xd0: {  	v23 =	vsel vm12, $0x0, v37;
	v28 =	vsel vm5, v53, v28;
	v62 =	vadd.s32 v30, v59  }
0xd1: {  	v14 =	vadd.s32 v15, v14;
	v15 =	vsel vm9, $0x0, v60;
	v30 =	vperm.xlane v62, v6  }
0xd2: {  	vm5 =	vlt.s32 v11, $0x400;
	v11 =	vadd.s32 v12, v11;
	v14 =	vadd.s32 v17, v14  }
0xd3: {  	v45 =	vsel vm5, v11, v9;
	v11 =	vnsel vm5, $0xFFFFFFFF, v11;
	v34 =	vsel vm2, $0x0, v30  }
0xd4: {  	v14 =	vadd.s32 v15, v14;
	v30 =	vsel vm2, $0x0, v35;
	v17 =	vadd.s32 v34, v62  }
0xd5: {  	v15 =	vsel vm11, $0x0, v33;
	v39 =	vadd.s32 v30, v19;
	v38 =	vperm.xlane v17, v8  }
0xd6: {  	s0 =	sand.u32 $0x3, s31;
	v55 =	vadd.s32 $0xFFFFFFFF, v26;
	v14 =	vadd.s32 v20, v14;
	v41 =	vperm.xlane v39, v8  }
0xd7: {  	s8 =	sshll.u32 s0, $0x5;
	v28 =	vsel vm6, v55, v28;
	v14 =	vadd.s32 v15, v14;
	v25 =	vsel vm3, $0x0, v38  }
0xd8: {  	[tilespmem:s8+$0x3880] =	vst v48;
	v14 =	vadd.s32 v23, v14;
	v23 =	vsel vm3, $0x0, v41;
	v17 =	vadd.s32 v25, v17  }
0xd9: {  	[tilespmem:s8+$0x3800] =	vst v45;
	v19 =	vsel vm0, v42, v40;
	v44 =	vadd.s32 v23, v39;
	v43 =	vadd.s32 $0xFFFFFFFF, v17  }
0xda: {  	v46 =	vperm.xlane v14, v13;
	[tilespmem:s8+$0x3900] =	vst v19;
	v47 =	vadd.s32 $0xFFFFFFFF, v44;
	v27 =	vsel vm14, v43, v28  }
0xdb: {  	s7 =	sadd.s32 $0x8, s1;
	v50 =	vperm.xlane v36, v10;
	[tilespmem:s3+$0xFFFFFFF0] =	vst v11;
	v11 =	vperm.xlane v63, v10;
	v27 =	vsel vm13, v47, v27  }
0xdc: {  	v52 =	vor.u32 s7, v3;
	v13 =	vshll.u32 v13, $0xA;
	v49 =	vadd.s32 v46, v27  }
0xdd: {  	[tilespmem:s8+$0x3890] =	vst v52;
	v11 =	vsel vm0, v50, v11;
	vm6 =	vlt.s32 v49, $0x400;
	v13 =	vadd.s32 v13, v49  }
0xde: {  	[tilespmem:s8+$0x3910] =	vst v11;
	v51 =	vsel vm6, v13, v9  }
0xdf: {  	p0 =	sne.s32 s0, $0x3;
	v11 =	vnsel vm6, $0xFFFFFFFF, v13;
	[tilespmem:s8+$0x3810] =	vst v51  }
0xe0: {  	s0 =	simm.s32 @!p0 $0x80;
	s4 =	simm.s32 @!p0 $0x3800;
	s7 =	simm.s32 @!p0 $0x3880;
	[tilespmem:s3+$0x0] =	vst v11  }
0xe1: {  	[hbm4b:s5+s0] =	stream.indirect.scatter @!p0 [tilespmem:s7], [sflag:$0x1], $0x1, s4, s0, $0xb8;
	[tilespmem:$0x3A00] =	vst v63  }
0xe2: {  	s7 =	simm.s32 @!p0 $0x1  }
0xe3: {  	_ =	swait.ge @!p0 [sflag:s7], $0x80  }
0xe4: {  	v53 =	vperm.xlane v16, v7;
	[sflag:s7] =	ssyncset.done @!p0 $0x0  }
0xe5: {  	s8 =	simm.s32 @!p0 $0x3900;
	v11 =	vperm.xlane v18, v7;
	[sflag:s7] =	ssyncadd.s32 @!p0 $0xFFFFFF80  }
0xe6: {  	v54 =	vperm.xlane v22, v7;
	v13 =	vnsel vm4, $0x0, v53;
	[hbm4b:s6+s0] =	stream.indirect.scatter @!p0 [tilespmem:s8], [sflag:$0x1], $0x1, s4, s0, $0xb8;
	[tilespmem:$0x3A00] =	vst v63  }
0xe7: {  	v55 =	vperm.xlane v24, v7;
	v13 =	vadd.s32 v14, v13;
	v11 =	vsel vm15, $0x0, v11;
	_ =	swait.ge @!p0 [sflag:s7], $0x80  }
0xe8: {  	s31 =	sadd.s32 $0x1, s31;
	v57 =	vperm.xlane v29, v7;
	v56 =	vsel vm7, $0x0, v54;
	v11 =	vadd.s32 v11, v13;
	[sflag:s7] =	ssyncset.done @!p0 $0x0  }
0xe9: {  	v59 =	vperm.xlane v26, v7;
	v58 =	vsel vm8, $0x0, v55;
	v11 =	vadd.s32 v56, v11;
	[sflag:s7] =	ssyncadd.s32 @!p0 $0xFFFFFF80;
	p0 =	sne.s32 s31, $0x80  }
.Ltmp2:
0xea: {  	v60 =	vsel vm9, $0x0, v57;
	v61 =	vperm.xlane v17, v7;
	v11 =	vadd.s32 v58, v11;
	(pc) =	sbr.rel @p0 .LBB2_5-.Ltmp2, $4  }
0xeb: {  	v62 =	vsel vm10, $0x0, v59;
	v12 =	vperm.xlane v44, v7;
	v11 =	vadd.s32 v60, v11  }
0xec: {  	v63 =	vsel vm11, $0x0, v61;
	v11 =	vadd.s32 v62, v11  }
0xed: {  	v12 =	vsel vm12, $0x0, v12;
	v11 =	vadd.s32 v63, v11  }
0xee: {  	s28 =	sadd.s32 $0x20, s28;
	s1 =	sadd.s32 $0x10, s1;
	s3 =	sadd.s32 $0x20, s3;
	v11 =	vadd.s32 v12, v11  }
0xef: {  	vm5 =	vlt.s32 v11, $0x400  }
0xf0: {  	v11 =	vnsel vm5, $0x400, v11  }
0xf1: {  	s0 =	simm.s32 $0x0;
	s1 =	rddreg [dreg:$0x5];
	s3 =	simm.s32 $0x3980;
	[tilespmem:$0x3980] =	vst v11  }
0xf2: {  	[hbm4b:s1+s0] =	stream.linear.scatter [tilespmem:s3], [sflag:$0x2], $0x80, $0x38;
	[tilespmem:$0x3A00] =	vst v63  }
0xf3: {  	_ =	swait.ge [sflag:s26], $0x80  }
0xf4: {  	[sflag:s26] =	ssyncset.done $0x0  }
0xf5: {  	s0 =	simm.s32 $0x0;
	s1 =	simm.s32 $0x40;
	[sflag:s26] =	ssyncadd.s32 $0xFFFFFF80  }
.LBB2_7:
0xf6: {  	p0 =	sne.s32 s1, $0x3FC0;
	v11 =	vld [tilespmem:s0+$0x2000];
	_ =	sdelay $0x2  }
.Ltmp3:
0xf7: {  	(pc) =	sbr.rel @p0 .LBB2_7-.Ltmp3, $4  }
0xf8: {  	_ = 	snop  }
0xf9: {  	vm5 =	vlt.s32 v11, $0x0  }
0xfa: {  	v11 =	vsel vm5, $0x2000, v11  }
0xfb: {  	[tilespmem:s0+$0x2000] =	vst v11;
	s0 =	sshra.s32 s1, $0x2;
	s1 =	sadd.s32 $0x40, s1  }
0xfc: {  	v11 =	vld [tilespmem:s0+$0x2000];
	_ =	sdelay $0x4  }
0xfd: {  	s2 =	sadd.s32 $0x1, s2;
	vm5 =	vlt.s32 v11, $0x0  }
0xfe: {  	s31 =	simm.s32 $0x0;
	p0 =	sne.s32 s2, s9;
	v11 =	vsel vm5, $0x2000, v11  }
.Ltmp4:
0xff: {  	s1 =	rddreg [dreg:$0x4];
	s3 =	simm.s32 $0x2000;
	[tilespmem:s0+$0x2000] =	vst v11;
	(pc) =	sbr.rel @p0 .LBB2_2-.Ltmp4, $4  }
0x100: {  	[hbm4b:s1+s31] =	stream.linear.scatter [tilespmem:s3], [sflag:$0x2], $0x1000, $0x38;
	[tilespmem:$0x3A00] =	vst v63  }
0x101: {  	_ =	swait.ge [sflag:s26], $0x1000  }
0x102: {  	[sflag:s26] =	ssyncset.done $0x0  }
0x103: {  	[sflag:s26] =	ssyncadd.s32 $0xFFFFF000  }
.LBB2_9:
0x104: {  	_ =	sfence.sel $0x180000  }
0x105: {  	[bflag:$0x0] =	sbarrier.arrive $0xFFFF  }
0x106: {  	_ =	strace $0x90000047  }
0x107: {  	s0 =	stileid.u32;
	[bflag:$0x2] =	sbarrier.arrive $0xFFFF  }
0x108: {  	p0 =	sne.s32 s0, $0x0;
	s0 =	rddreg [dreg:$0x2]  }
0x109: {  	s0 =	sadd.s32 @!p0 $0x100000, s0  }
0x10a: {  	[sflag:s0] =	ssyncadd.tile.s32 @!p0 $0x1;
	_ =	shalt  }
.Lfunc_end2:
_tile_overlayer_lowered:
.L_overlay_start_2:
0x10b: {  	(tag) =	ssettag $0x2  }
0x10c: {  	s0 =	rddreg [dreg:$0x0];
	s2 =	stileid.u32  }
0x10d: {  	s1 =	rddreg [dreg:$0x1];
	p0 =	sne.s32 s2, $0x0  }
0x10e: {  	s3 =	rddreg [dreg:$0x2];
	[bflag:$0x3] =	sbarrier.arrive $0xFFFF;
	s2 =	simm.s32 @!p0 $0x1C02  }
0x10f: {  	[timem:s3], [sflag:s2] =	dma.local @!p0 [hbm:s0], s1  }
0x110: {  	s0 =	simm.s32 @!p0 $0x2  }
0x111: {  	_ =	swait.ge @!p0 [sflag:s0], s1  }
0x112: {  	s1 =	ssub.s32 @!p0 $0x0, s1;
	[sflag:s0] =	ssyncset.done @!p0 $0x0  }
0x113: {  	[sflag:s0] =	ssyncadd.s32 @!p0 s1  }
0x114: {  	[bflag:$0x3] =	sbarrier.arrive $0xFFFF  }
0x115: {  	_ =	shalt  }

</sc_bundles>
